<compile_context>
chip_gen: v7x
topology: tpu7x:2x2x1
jax: 0.10.2.dev20260603
libtpu: 0.0.44.dev20260713+nightly
codegen_flags: <defaults>
</compile_context>

<pallas_src>
import functools

import jax
import jax.numpy as jnp
from jax import lax
from jax.experimental import pallas as pl
from jax.experimental.pallas import tpu as pltpu
from jax.experimental.pallas import tpu_sc as plsc

_PERM = (7, 4, 2, 5, 3, 6, 0, 1)

_NW = 32
_C = 16


def kernel(x):
    n, s, d = x.shape
    rows = n // _NW
    nchunks = rows // _C
    mesh = plsc.VectorSubcoreMesh(core_axis_name="c", subcore_axis_name="s")

    @functools.partial(
        pl.kernel,
        mesh=mesh,
        out_type=jax.ShapeDtypeStruct((n, s, d), x.dtype),
        scratch_types=[
            pltpu.VMEM((_C, s, d), jnp.float32),
            pltpu.VMEM((_C, s, d), jnp.float32),
            pltpu.SemaphoreType.DMA,
            pltpu.SemaphoreType.DMA,
        ],
    )
    def run(x_hbm, o_hbm, buf0, buf1, rsem, wsem):
        wid = lax.axis_index("s") * 2 + lax.axis_index("c")
        base = wid * rows
        bufs = (buf0, buf1)
        def read_chunk(i):
            rb = base + i * _C
            return [
                pltpu.async_copy(
                    x_hbm.at[pl.ds(rb, _C), pl.ds(p, 1), :],
                    bufs[i % 2].at[:, pl.ds(j, 1), :],
                    rsem)
                for j, p in enumerate(_PERM)
            ]

        rcur = read_chunk(0)
        wh = [None, None]
        for i in range(nchunks):
            rnext = None
            if i + 1 < nchunks:
                if wh[(i + 1) % 2] is not None:
                    wh[(i + 1) % 2].wait()
                rnext = read_chunk(i + 1)
            for h in rcur:
                h.wait()
            wh[i % 2] = pltpu.async_copy(
                bufs[i % 2], o_hbm.at[pl.ds(base + i * _C, _C)], wsem)
            rcur = rnext
        for h in wh:
            if h is not None:
                h.wait()

    return run(x)

# --- scband reference (transcript-rebuilt; emitter-appended) ---
"""Pipeline reference for scband-shuffle-sample-70703751626833 (READ-ONLY COPY).

The authoritative reference and input builder live on the scoring server;
editing this copy changes nothing except your own understanding.
"""

import jax, jax.numpy as jnp
import numpy as np

def setup_inputs(seed: int = 0) -> dict:
    key = jax.random.key(seed)
    x = jax.random.normal(key, (4096, 8, 512), dtype=jnp.float32)
    return {"x": x}

def reference(x):
    # Faithful translation of shuffle_sample_.forward in training mode:
    #   s = x.shape[-2]; assert s == 8; index = randperm(s); return x[:, index]
    s = x.shape[-2]
    assert s == 8
    # torch.randperm uses the global torch RNG; we use a fixed jax key for a
    # deterministic permutation (same math: gather along dim 1 by a permutation).
    index = jax.random.permutation(jax.random.key(42), s)
    return jnp.take(x, index, axis=1)

if __name__ == "__main__":
    import jax
    _d = setup_inputs()
    print(jax.jit(kernel)(*tuple(_d.values())))

</pallas_src>

<mosaic_0001>
#map = affine_map<(d0, d1) -> (0, 0, 0)>
module attributes {stable_mosaic.version = 14 : i64} {
  func.func @run(%arg0: i32, %arg1: i32, %arg2: memref<4096x8x512xf32, #tpu.memory_space<hbm>>, %arg3: memref<4096x8x512xf32, #tpu.memory_space<hbm>>, %arg4: memref<16x8x512xf32, #tpu.memory_space<vmem>>, %arg5: memref<16x8x512xf32, #tpu.memory_space<vmem>>, %arg6: memref<!tpu.dma_semaphore, #tpu.memory_space<semaphore_mem>>, %arg7: memref<!tpu.dma_semaphore, #tpu.memory_space<semaphore_mem>>) attributes {dimension_semantics = [#tpu.dimension_semantics<core_parallel>, #tpu.dimension_semantics<subcore_parallel>], iteration_bounds = array<i64: 2, 16>, scalar_prefetch = 0 : i64, scratch_operands = 4 : i64, tpu.core_type = #tpu.core_type<sc_vector_subcore>, window_params = [{transform_indices = #map}, {transform_indices = #map}]} {
    %mul3A = arith.constant 2 : i32
    %mul3A_0 = arith.muli %arg1, %mul3A : i32
    %add3A = arith.addi %mul3A_0, %arg0 : i32
    %mul3A_1 = arith.constant 128 : i32
    %mul3A_2 = arith.muli %add3A, %mul3A_1 : i32
    %add3A_3 = arith.constant 0 : i32
    %add3A_4 = arith.addi %mul3A_2, %add3A_3 : i32
    %dma_start3A = arith.constant 0 : i32
    %dma_start3A_5 = arith.constant 0 : i32
    %dma_start3A_6 = arith.constant 0 : i32
    %dma_start3A_7 = tpu.memref_slice %arg4[%dma_start3A, %dma_start3A_5, %dma_start3A_6] : memref<16x8x512xf32, #tpu.memory_space<vmem>> -> memref<16x1x512xf32, #tpu.memory_space<vmem>>
    %dma_start3A_8 = arith.constant 7 : i32
    %dma_start3A_9 = arith.constant 0 : i32
    %dma_start3A_10 = tpu.memref_slice %arg2[%add3A_4, %dma_start3A_8, %dma_start3A_9] : memref<4096x8x512xf32, #tpu.memory_space<hbm>> -> memref<16x1x512xf32, #tpu.memory_space<hbm>>
    %dma_start3A_11 = arith.constant 0 : i32
    %dma_start3A_12 = arith.constant 0 : i32
    %dma_start3A_13 = arith.constant 0 : i32
    %dma_start3A_14 = tpu.memref_slice %arg4[%dma_start3A_11, %dma_start3A_12, %dma_start3A_13] : memref<16x8x512xf32, #tpu.memory_space<vmem>> -> memref<16x1x512xf32, #tpu.memory_space<vmem>>
    %dma_start3A_15 = arith.constant 7 : i32
    %dma_start3A_16 = arith.constant 0 : i32
    %dma_start3A_17 = tpu.memref_slice %arg2[%add3A_4, %dma_start3A_15, %dma_start3A_16] : memref<4096x8x512xf32, #tpu.memory_space<hbm>> -> memref<16x1x512xf32, #tpu.memory_space<hbm>>
    tpu.enqueue_dma source(%dma_start3A_17 : memref<16x1x512xf32, #tpu.memory_space<hbm>>) target(%dma_start3A_14 : memref<16x1x512xf32, #tpu.memory_space<vmem>>) target_semaphore(%arg6 : memref<!tpu.dma_semaphore, #tpu.memory_space<semaphore_mem>>)
    %dma_start3A_18 = arith.constant 0 : i32
    %dma_start3A_19 = arith.constant 1 : i32
    %dma_start3A_20 = arith.constant 0 : i32
    %dma_start3A_21 = tpu.memref_slice %arg4[%dma_start3A_18, %dma_start3A_19, %dma_start3A_20] : memref<16x8x512xf32, #tpu.memory_space<vmem>> -> memref<16x1x512xf32, #tpu.memory_space<vmem>>
    %dma_start3A_22 = arith.constant 4 : i32
    %dma_start3A_23 = arith.constant 0 : i32
    %dma_start3A_24 = tpu.memref_slice %arg2[%add3A_4, %dma_start3A_22, %dma_start3A_23] : memref<4096x8x512xf32, #tpu.memory_space<hbm>> -> memref<16x1x512xf32, #tpu.memory_space<hbm>>
    %dma_start3A_25 = arith.constant 0 : i32
    %dma_start3A_26 = arith.constant 1 : i32
    %dma_start3A_27 = arith.constant 0 : i32
    %dma_start3A_28 = tpu.memref_slice %arg4[%dma_start3A_25, %dma_start3A_26, %dma_start3A_27] : memref<16x8x512xf32, #tpu.memory_space<vmem>> -> memref<16x1x512xf32, #tpu.memory_space<vmem>>
    %dma_start3A_29 = arith.constant 4 : i32
    %dma_start3A_30 = arith.constant 0 : i32
    %dma_start3A_31 = tpu.memref_slice %arg2[%add3A_4, %dma_start3A_29, %dma_start3A_30] : memref<4096x8x512xf32, #tpu.memory_space<hbm>> -> memref<16x1x512xf32, #tpu.memory_space<hbm>>
    tpu.enqueue_dma source(%dma_start3A_31 : memref<16x1x512xf32, #tpu.memory_space<hbm>>) target(%dma_start3A_28 : memref<16x1x512xf32, #tpu.memory_space<vmem>>) target_semaphore(%arg6 : memref<!tpu.dma_semaphore, #tpu.memory_space<semaphore_mem>>)
    %dma_start3A_32 = arith.constant 0 : i32
    %dma_start3A_33 = arith.constant 2 : i32
    %dma_start3A_34 = arith.constant 0 : i32
    %dma_start3A_35 = tpu.memref_slice %arg4[%dma_start3A_32, %dma_start3A_33, %dma_start3A_34] : memref<16x8x512xf32, #tpu.memory_space<vmem>> -> memref<16x1x512xf32, #tpu.memory_space<vmem>>
    %dma_start3A_36 = arith.constant 2 : i32
    %dma_start3A_37 = arith.constant 0 : i32
    %dma_start3A_38 = tpu.memref_slice %arg2[%add3A_4, %dma_start3A_36, %dma_start3A_37] : memref<4096x8x512xf32, #tpu.memory_space<hbm>> -> memref<16x1x512xf32, #tpu.memory_space<hbm>>
    %dma_start3A_39 = arith.constant 0 : i32
    %dma_start3A_40 = arith.constant 2 : i32
    %dma_start3A_41 = arith.constant 0 : i32
    %dma_start3A_42 = tpu.memref_slice %arg4[%dma_start3A_39, %dma_start3A_40, %dma_start3A_41] : memref<16x8x512xf32, #tpu.memory_space<vmem>> -> memref<16x1x512xf32, #tpu.memory_space<vmem>>
    %dma_start3A_43 = arith.constant 2 : i32
    %dma_start3A_44 = arith.constant 0 : i32
    %dma_start3A_45 = tpu.memref_slice %arg2[%add3A_4, %dma_start3A_43, %dma_start3A_44] : memref<4096x8x512xf32, #tpu.memory_space<hbm>> -> memref<16x1x512xf32, #tpu.memory_space<hbm>>
    tpu.enqueue_dma source(%dma_start3A_45 : memref<16x1x512xf32, #tpu.memory_space<hbm>>) target(%dma_start3A_42 : memref<16x1x512xf32, #tpu.memory_space<vmem>>) target_semaphore(%arg6 : memref<!tpu.dma_semaphore, #tpu.memory_space<semaphore_mem>>)
    %dma_start3A_46 = arith.constant 0 : i32
    %dma_start3A_47 = arith.constant 3 : i32
    %dma_start3A_48 = arith.constant 0 : i32
    %dma_start3A_49 = tpu.memref_slice %arg4[%dma_start3A_46, %dma_start3A_47, %dma_start3A_48] : memref<16x8x512xf32, #tpu.memory_space<vmem>> -> memref<16x1x512xf32, #tpu.memory_space<vmem>>
    %dma_start3A_50 = arith.constant 5 : i32
    %dma_start3A_51 = arith.constant 0 : i32
    %dma_start3A_52 = tpu.memref_slice %arg2[%add3A_4, %dma_start3A_50, %dma_start3A_51] : memref<4096x8x512xf32, #tpu.memory_space<hbm>> -> memref<16x1x512xf32, #tpu.memory_space<hbm>>
    %dma_start3A_53 = arith.constant 0 : i32
    %dma_start3A_54 = arith.constant 3 : i32
    %dma_start3A_55 = arith.constant 0 : i32
    %dma_start3A_56 = tpu.memref_slice %arg4[%dma_start3A_53, %dma_start3A_54, %dma_start3A_55] : memref<16x8x512xf32, #tpu.memory_space<vmem>> -> memref<16x1x512xf32, #tpu.memory_space<vmem>>
    %dma_start3A_57 = arith.constant 5 : i32
    %dma_start3A_58 = arith.constant 0 : i32
    %dma_start3A_59 = tpu.memref_slice %arg2[%add3A_4, %dma_start3A_57, %dma_start3A_58] : memref<4096x8x512xf32, #tpu.memory_space<hbm>> -> memref<16x1x512xf32, #tpu.memory_space<hbm>>
    tpu.enqueue_dma source(%dma_start3A_59 : memref<16x1x512xf32, #tpu.memory_space<hbm>>) target(%dma_start3A_56 : memref<16x1x512xf32, #tpu.memory_space<vmem>>) target_semaphore(%arg6 : memref<!tpu.dma_semaphore, #tpu.memory_space<semaphore_mem>>)
    %dma_start3A_60 = arith.constant 0 : i32
    %dma_start3A_61 = arith.constant 4 : i32
    %dma_start3A_62 = arith.constant 0 : i32
    %dma_start3A_63 = tpu.memref_slice %arg4[%dma_start3A_60, %dma_start3A_61, %dma_start3A_62] : memref<16x8x512xf32, #tpu.memory_space<vmem>> -> memref<16x1x512xf32, #tpu.memory_space<vmem>>
    %dma_start3A_64 = arith.constant 3 : i32
    %dma_start3A_65 = arith.constant 0 : i32
    %dma_start3A_66 = tpu.memref_slice %arg2[%add3A_4, %dma_start3A_64, %dma_start3A_65] : memref<4096x8x512xf32, #tpu.memory_space<hbm>> -> memref<16x1x512xf32, #tpu.memory_space<hbm>>
    %dma_start3A_67 = arith.constant 0 : i32
    %dma_start3A_68 = arith.constant 4 : i32
    %dma_start3A_69 = arith.constant 0 : i32
    %dma_start3A_70 = tpu.memref_slice %arg4[%dma_start3A_67, %dma_start3A_68, %dma_start3A_69] : memref<16x8x512xf32, #tpu.memory_space<vmem>> -> memref<16x1x512xf32, #tpu.memory_space<vmem>>
    %dma_start3A_71 = arith.constant 3 : i32
    %dma_start3A_72 = arith.constant 0 : i32
    %dma_start3A_73 = tpu.memref_slice %arg2[%add3A_4, %dma_start3A_71, %dma_start3A_72] : memref<4096x8x512xf32, #tpu.memory_space<hbm>> -> memref<16x1x512xf32, #tpu.memory_space<hbm>>
    tpu.enqueue_dma source(%dma_start3A_73 : memref<16x1x512xf32, #tpu.memory_space<hbm>>) target(%dma_start3A_70 : memref<16x1x512xf32, #tpu.memory_space<vmem>>) target_semaphore(%arg6 : memref<!tpu.dma_semaphore, #tpu.memory_space<semaphore_mem>>)
    %dma_start3A_74 = arith.constant 0 : i32
    %dma_start3A_75 = arith.constant 5 : i32
    %dma_start3A_76 = arith.constant 0 : i32
    %dma_start3A_77 = tpu.memref_slice %arg4[%dma_start3A_74, %dma_start3A_75, %dma_start3A_76] : memref<16x8x512xf32, #tpu.memory_space<vmem>> -> memref<16x1x512xf32, #tpu.memory_space<vmem>>
    %dma_start3A_78 = arith.constant 6 : i32
    %dma_start3A_79 = arith.constant 0 : i32
    %dma_start3A_80 = tpu.memref_slice %arg2[%add3A_4, %dma_start3A_78, %dma_start3A_79] : memref<4096x8x512xf32, #tpu.memory_space<hbm>> -> memref<16x1x512xf32, #tpu.memory_space<hbm>>
    %dma_start3A_81 = arith.constant 0 : i32
    %dma_start3A_82 = arith.constant 5 : i32
    %dma_start3A_83 = arith.constant 0 : i32
    %dma_start3A_84 = tpu.memref_slice %arg4[%dma_start3A_81, %dma_start3A_82, %dma_start3A_83] : memref<16x8x512xf32, #tpu.memory_space<vmem>> -> memref<16x1x512xf32, #tpu.memory_space<vmem>>
    %dma_start3A_85 = arith.constant 6 : i32
    %dma_start3A_86 = arith.constant 0 : i32
    %dma_start3A_87 = tpu.memref_slice %arg2[%add3A_4, %dma_start3A_85, %dma_start3A_86] : memref<4096x8x512xf32, #tpu.memory_space<hbm>> -> memref<16x1x512xf32, #tpu.memory_space<hbm>>
    tpu.enqueue_dma source(%dma_start3A_87 : memref<16x1x512xf32, #tpu.memory_space<hbm>>) target(%dma_start3A_84 : memref<16x1x512xf32, #tpu.memory_space<vmem>>) target_semaphore(%arg6 : memref<!tpu.dma_semaphore, #tpu.memory_space<semaphore_mem>>)
    %dma_start3A_88 = arith.constant 0 : i32
    %dma_start3A_89 = arith.constant 6 : i32
    %dma_start3A_90 = arith.constant 0 : i32
    %dma_start3A_91 = tpu.memref_slice %arg4[%dma_start3A_88, %dma_start3A_89, %dma_start3A_90] : memref<16x8x512xf32, #tpu.memory_space<vmem>> -> memref<16x1x512xf32, #tpu.memory_space<vmem>>
    %dma_start3A_92 = arith.constant 0 : i32
    %dma_start3A_93 = arith.constant 0 : i32
    %dma_start3A_94 = tpu.memref_slice %arg2[%add3A_4, %dma_start3A_92, %dma_start3A_93] : memref<4096x8x512xf32, #tpu.memory_space<hbm>> -> memref<16x1x512xf32, #tpu.memory_space<hbm>>
    %dma_start3A_95 = arith.constant 0 : i32
    %dma_start3A_96 = arith.constant 6 : i32
    %dma_start3A_97 = arith.constant 0 : i32
    %dma_start3A_98 = tpu.memref_slice %arg4[%dma_start3A_95, %dma_start3A_96, %dma_start3A_97] : memref<16x8x512xf32, #tpu.memory_space<vmem>> -> memref<16x1x512xf32, #tpu.memory_space<vmem>>
    %dma_start3A_99 = arith.constant 0 : i32
    %dma_start3A_100 = arith.constant 0 : i32
    %dma_start3A_101 = tpu.memref_slice %arg2[%add3A_4, %dma_start3A_99, %dma_start3A_100] : memref<4096x8x512xf32, #tpu.memory_space<hbm>> -> memref<16x1x512xf32, #tpu.memory_space<hbm>>
    tpu.enqueue_dma source(%dma_start3A_101 : memref<16x1x512xf32, #tpu.memory_space<hbm>>) target(%dma_start3A_98 : memref<16x1x512xf32, #tpu.memory_space<vmem>>) target_semaphore(%arg6 : memref<!tpu.dma_semaphore, #tpu.memory_space<semaphore_mem>>)
    %dma_start3A_102 = arith.constant 0 : i32
    %dma_start3A_103 = arith.constant 7 : i32
    %dma_start3A_104 = arith.constant 0 : i32
    %dma_start3A_105 = tpu.memref_slice %arg4[%dma_start3A_102, %dma_start3A_103, %dma_start3A_104] : memref<16x8x512xf32, #tpu.memory_space<vmem>> -> memref<16x1x512xf32, #tpu.memory_space<vmem>>
    %dma_start3A_106 = arith.constant 1 : i32
    %dma_start3A_107 = arith.constant 0 : i32
    %dma_start3A_108 = tpu.memref_slice %arg2[%add3A_4, %dma_start3A_106, %dma_start3A_107] : memref<4096x8x512xf32, #tpu.memory_space<hbm>> -> memref<16x1x512xf32, #tpu.memory_space<hbm>>
    %dma_start3A_109 = arith.constant 0 : i32
    %dma_start3A_110 = arith.constant 7 : i32
    %dma_start3A_111 = arith.constant 0 : i32
    %dma_start3A_112 = tpu.memref_slice %arg4[%dma_start3A_109, %dma_start3A_110, %dma_start3A_111] : memref<16x8x512xf32, #tpu.memory_space<vmem>> -> memref<16x1x512xf32, #tpu.memory_space<vmem>>
    %dma_start3A_113 = arith.constant 1 : i32
    %dma_start3A_114 = arith.constant 0 : i32
    %dma_start3A_115 = tpu.memref_slice %arg2[%add3A_4, %dma_start3A_113, %dma_start3A_114] : memref<4096x8x512xf32, #tpu.memory_space<hbm>> -> memref<16x1x512xf32, #tpu.memory_space<hbm>>
    tpu.enqueue_dma source(%dma_start3A_115 : memref<16x1x512xf32, #tpu.memory_space<hbm>>) target(%dma_start3A_112 : memref<16x1x512xf32, #tpu.memory_space<vmem>>) target_semaphore(%arg6 : memref<!tpu.dma_semaphore, #tpu.memory_space<semaphore_mem>>)
    %add3A_116 = arith.constant 16 : i32
    %add3A_117 = arith.addi %mul3A_2, %add3A_116 : i32
    %dma_start3A_118 = arith.constant 0 : i32
    %dma_start3A_119 = arith.constant 0 : i32
    %dma_start3A_120 = arith.constant 0 : i32
    %dma_start3A_121 = tpu.memref_slice %arg5[%dma_start3A_118, %dma_start3A_119, %dma_start3A_120] : memref<16x8x512xf32, #tpu.memory_space<vmem>> -> memref<16x1x512xf32, #tpu.memory_space<vmem>>
    %dma_start3A_122 = arith.constant 7 : i32
    %dma_start3A_123 = arith.constant 0 : i32
    %dma_start3A_124 = tpu.memref_slice %arg2[%add3A_117, %dma_start3A_122, %dma_start3A_123] : memref<4096x8x512xf32, #tpu.memory_space<hbm>> -> memref<16x1x512xf32, #tpu.memory_space<hbm>>
    %dma_start3A_125 = arith.constant 0 : i32
    %dma_start3A_126 = arith.constant 0 : i32
    %dma_start3A_127 = arith.constant 0 : i32
    %dma_start3A_128 = tpu.memref_slice %arg5[%dma_start3A_125, %dma_start3A_126, %dma_start3A_127] : memref<16x8x512xf32, #tpu.memory_space<vmem>> -> memref<16x1x512xf32, #tpu.memory_space<vmem>>
    %dma_start3A_129 = arith.constant 7 : i32
    %dma_start3A_130 = arith.constant 0 : i32
    %dma_start3A_131 = tpu.memref_slice %arg2[%add3A_117, %dma_start3A_129, %dma_start3A_130] : memref<4096x8x512xf32, #tpu.memory_space<hbm>> -> memref<16x1x512xf32, #tpu.memory_space<hbm>>
    tpu.enqueue_dma source(%dma_start3A_131 : memref<16x1x512xf32, #tpu.memory_space<hbm>>) target(%dma_start3A_128 : memref<16x1x512xf32, #tpu.memory_space<vmem>>) target_semaphore(%arg6 : memref<!tpu.dma_semaphore, #tpu.memory_space<semaphore_mem>>)
    %dma_start3A_132 = arith.constant 0 : i32
    %dma_start3A_133 = arith.constant 1 : i32
    %dma_start3A_134 = arith.constant 0 : i32
    %dma_start3A_135 = tpu.memref_slice %arg5[%dma_start3A_132, %dma_start3A_133, %dma_start3A_134] : memref<16x8x512xf32, #tpu.memory_space<vmem>> -> memref<16x1x512xf32, #tpu.memory_space<vmem>>
    %dma_start3A_136 = arith.constant 4 : i32
    %dma_start3A_137 = arith.constant 0 : i32
    %dma_start3A_138 = tpu.memref_slice %arg2[%add3A_117, %dma_start3A_136, %dma_start3A_137] : memref<4096x8x512xf32, #tpu.memory_space<hbm>> -> memref<16x1x512xf32, #tpu.memory_space<hbm>>
    %dma_start3A_139 = arith.constant 0 : i32
    %dma_start3A_140 = arith.constant 1 : i32
    %dma_start3A_141 = arith.constant 0 : i32
    %dma_start3A_142 = tpu.memref_slice %arg5[%dma_start3A_139, %dma_start3A_140, %dma_start3A_141] : memref<16x8x512xf32, #tpu.memory_space<vmem>> -> memref<16x1x512xf32, #tpu.memory_space<vmem>>
    %dma_start3A_143 = arith.constant 4 : i32
    %dma_start3A_144 = arith.constant 0 : i32
    %dma_start3A_145 = tpu.memref_slice %arg2[%add3A_117, %dma_start3A_143, %dma_start3A_144] : memref<4096x8x512xf32, #tpu.memory_space<hbm>> -> memref<16x1x512xf32, #tpu.memory_space<hbm>>
    tpu.enqueue_dma source(%dma_start3A_145 : memref<16x1x512xf32, #tpu.memory_space<hbm>>) target(%dma_start3A_142 : memref<16x1x512xf32, #tpu.memory_space<vmem>>) target_semaphore(%arg6 : memref<!tpu.dma_semaphore, #tpu.memory_space<semaphore_mem>>)
    %dma_start3A_146 = arith.constant 0 : i32
    %dma_start3A_147 = arith.constant 2 : i32
    %dma_start3A_148 = arith.constant 0 : i32
    %dma_start3A_149 = tpu.memref_slice %arg5[%dma_start3A_146, %dma_start3A_147, %dma_start3A_148] : memref<16x8x512xf32, #tpu.memory_space<vmem>> -> memref<16x1x512xf32, #tpu.memory_space<vmem>>
    %dma_start3A_150 = arith.constant 2 : i32
    %dma_start3A_151 = arith.constant 0 : i32
    %dma_start3A_152 = tpu.memref_slice %arg2[%add3A_117, %dma_start3A_150, %dma_start3A_151] : memref<4096x8x512xf32, #tpu.memory_space<hbm>> -> memref<16x1x512xf32, #tpu.memory_space<hbm>>
    %dma_start3A_153 = arith.constant 0 : i32
    %dma_start3A_154 = arith.constant 2 : i32
    %dma_start3A_155 = arith.constant 0 : i32
    %dma_start3A_156 = tpu.memref_slice %arg5[%dma_start3A_153, %dma_start3A_154, %dma_start3A_155] : memref<16x8x512xf32, #tpu.memory_space<vmem>> -> memref<16x1x512xf32, #tpu.memory_space<vmem>>
    %dma_start3A_157 = arith.constant 2 : i32
    %dma_start3A_158 = arith.constant 0 : i32
    %dma_start3A_159 = tpu.memref_slice %arg2[%add3A_117, %dma_start3A_157, %dma_start3A_158] : memref<4096x8x512xf32, #tpu.memory_space<hbm>> -> memref<16x1x512xf32, #tpu.memory_space<hbm>>
    tpu.enqueue_dma source(%dma_start3A_159 : memref<16x1x512xf32, #tpu.memory_space<hbm>>) target(%dma_start3A_156 : memref<16x1x512xf32, #tpu.memory_space<vmem>>) target_semaphore(%arg6 : memref<!tpu.dma_semaphore, #tpu.memory_space<semaphore_mem>>)
    %dma_start3A_160 = arith.constant 0 : i32
    %dma_start3A_161 = arith.constant 3 : i32
    %dma_start3A_162 = arith.constant 0 : i32
    %dma_start3A_163 = tpu.memref_slice %arg5[%dma_start3A_160, %dma_start3A_161, %dma_start3A_162] : memref<16x8x512xf32, #tpu.memory_space<vmem>> -> memref<16x1x512xf32, #tpu.memory_space<vmem>>
    %dma_start3A_164 = arith.constant 5 : i32
    %dma_start3A_165 = arith.constant 0 : i32
    %dma_start3A_166 = tpu.memref_slice %arg2[%add3A_117, %dma_start3A_164, %dma_start3A_165] : memref<4096x8x512xf32, #tpu.memory_space<hbm>> -> memref<16x1x512xf32, #tpu.memory_space<hbm>>
    %dma_start3A_167 = arith.constant 0 : i32
    %dma_start3A_168 = arith.constant 3 : i32
    %dma_start3A_169 = arith.constant 0 : i32
    %dma_start3A_170 = tpu.memref_slice %arg5[%dma_start3A_167, %dma_start3A_168, %dma_start3A_169] : memref<16x8x512xf32, #tpu.memory_space<vmem>> -> memref<16x1x512xf32, #tpu.memory_space<vmem>>
    %dma_start3A_171 = arith.constant 5 : i32
    %dma_start3A_172 = arith.constant 0 : i32
    %dma_start3A_173 = tpu.memref_slice %arg2[%add3A_117, %dma_start3A_171, %dma_start3A_172] : memref<4096x8x512xf32, #tpu.memory_space<hbm>> -> memref<16x1x512xf32, #tpu.memory_space<hbm>>
    tpu.enqueue_dma source(%dma_start3A_173 : memref<16x1x512xf32, #tpu.memory_space<hbm>>) target(%dma_start3A_170 : memref<16x1x512xf32, #tpu.memory_space<vmem>>) target_semaphore(%arg6 : memref<!tpu.dma_semaphore, #tpu.memory_space<semaphore_mem>>)
    %dma_start3A_174 = arith.constant 0 : i32
    %dma_start3A_175 = arith.constant 4 : i32
    %dma_start3A_176 = arith.constant 0 : i32
    %dma_start3A_177 = tpu.memref_slice %arg5[%dma_start3A_174, %dma_start3A_175, %dma_start3A_176] : memref<16x8x512xf32, #tpu.memory_space<vmem>> -> memref<16x1x512xf32, #tpu.memory_space<vmem>>
    %dma_start3A_178 = arith.constant 3 : i32
    %dma_start3A_179 = arith.constant 0 : i32
    %dma_start3A_180 = tpu.memref_slice %arg2[%add3A_117, %dma_start3A_178, %dma_start3A_179] : memref<4096x8x512xf32, #tpu.memory_space<hbm>> -> memref<16x1x512xf32, #tpu.memory_space<hbm>>
    %dma_start3A_181 = arith.constant 0 : i32
    %dma_start3A_182 = arith.constant 4 : i32
    %dma_start3A_183 = arith.constant 0 : i32
    %dma_start3A_184 = tpu.memref_slice %arg5[%dma_start3A_181, %dma_start3A_182, %dma_start3A_183] : memref<16x8x512xf32, #tpu.memory_space<vmem>> -> memref<16x1x512xf32, #tpu.memory_space<vmem>>
    %dma_start3A_185 = arith.constant 3 : i32
    %dma_start3A_186 = arith.constant 0 : i32
    %dma_start3A_187 = tpu.memref_slice %arg2[%add3A_117, %dma_start3A_185, %dma_start3A_186] : memref<4096x8x512xf32, #tpu.memory_space<hbm>> -> memref<16x1x512xf32, #tpu.memory_space<hbm>>
    tpu.enqueue_dma source(%dma_start3A_187 : memref<16x1x512xf32, #tpu.memory_space<hbm>>) target(%dma_start3A_184 : memref<16x1x512xf32, #tpu.memory_space<vmem>>) target_semaphore(%arg6 : memref<!tpu.dma_semaphore, #tpu.memory_space<semaphore_mem>>)
    %dma_start3A_188 = arith.constant 0 : i32
    %dma_start3A_189 = arith.constant 5 : i32
    %dma_start3A_190 = arith.constant 0 : i32
    %dma_start3A_191 = tpu.memref_slice %arg5[%dma_start3A_188, %dma_start3A_189, %dma_start3A_190] : memref<16x8x512xf32, #tpu.memory_space<vmem>> -> memref<16x1x512xf32, #tpu.memory_space<vmem>>
    %dma_start3A_192 = arith.constant 6 : i32
    %dma_start3A_193 = arith.constant 0 : i32
    %dma_start3A_194 = tpu.memref_slice %arg2[%add3A_117, %dma_start3A_192, %dma_start3A_193] : memref<4096x8x512xf32, #tpu.memory_space<hbm>> -> memref<16x1x512xf32, #tpu.memory_space<hbm>>
    %dma_start3A_195 = arith.constant 0 : i32
    %dma_start3A_196 = arith.constant 5 : i32
    %dma_start3A_197 = arith.constant 0 : i32
    %dma_start3A_198 = tpu.memref_slice %arg5[%dma_start3A_195, %dma_start3A_196, %dma_start3A_197] : memref<16x8x512xf32, #tpu.memory_space<vmem>> -> memref<16x1x512xf32, #tpu.memory_space<vmem>>
    %dma_start3A_199 = arith.constant 6 : i32
    %dma_start3A_200 = arith.constant 0 : i32
    %dma_start3A_201 = tpu.memref_slice %arg2[%add3A_117, %dma_start3A_199, %dma_start3A_200] : memref<4096x8x512xf32, #tpu.memory_space<hbm>> -> memref<16x1x512xf32, #tpu.memory_space<hbm>>
    tpu.enqueue_dma source(%dma_start3A_201 : memref<16x1x512xf32, #tpu.memory_space<hbm>>) target(%dma_start3A_198 : memref<16x1x512xf32, #tpu.memory_space<vmem>>) target_semaphore(%arg6 : memref<!tpu.dma_semaphore, #tpu.memory_space<semaphore_mem>>)
    %dma_start3A_202 = arith.constant 0 : i32
    %dma_start3A_203 = arith.constant 6 : i32
    %dma_start3A_204 = arith.constant 0 : i32
    %dma_start3A_205 = tpu.memref_slice %arg5[%dma_start3A_202, %dma_start3A_203, %dma_start3A_204] : memref<16x8x512xf32, #tpu.memory_space<vmem>> -> memref<16x1x512xf32, #tpu.memory_space<vmem>>
    %dma_start3A_206 = arith.constant 0 : i32
    %dma_start3A_207 = arith.constant 0 : i32
    %dma_start3A_208 = tpu.memref_slice %arg2[%add3A_117, %dma_start3A_206, %dma_start3A_207] : memref<4096x8x512xf32, #tpu.memory_space<hbm>> -> memref<16x1x512xf32, #tpu.memory_space<hbm>>
    %dma_start3A_209 = arith.constant 0 : i32
    %dma_start3A_210 = arith.constant 6 : i32
    %dma_start3A_211 = arith.constant 0 : i32
    %dma_start3A_212 = tpu.memref_slice %arg5[%dma_start3A_209, %dma_start3A_210, %dma_start3A_211] : memref<16x8x512xf32, #tpu.memory_space<vmem>> -> memref<16x1x512xf32, #tpu.memory_space<vmem>>
    %dma_start3A_213 = arith.constant 0 : i32
    %dma_start3A_214 = arith.constant 0 : i32
    %dma_start3A_215 = tpu.memref_slice %arg2[%add3A_117, %dma_start3A_213, %dma_start3A_214] : memref<4096x8x512xf32, #tpu.memory_space<hbm>> -> memref<16x1x512xf32, #tpu.memory_space<hbm>>
    tpu.enqueue_dma source(%dma_start3A_215 : memref<16x1x512xf32, #tpu.memory_space<hbm>>) target(%dma_start3A_212 : memref<16x1x512xf32, #tpu.memory_space<vmem>>) target_semaphore(%arg6 : memref<!tpu.dma_semaphore, #tpu.memory_space<semaphore_mem>>)
    %dma_start3A_216 = arith.constant 0 : i32
    %dma_start3A_217 = arith.constant 7 : i32
    %dma_start3A_218 = arith.constant 0 : i32
    %dma_start3A_219 = tpu.memref_slice %arg5[%dma_start3A_216, %dma_start3A_217, %dma_start3A_218] : memref<16x8x512xf32, #tpu.memory_space<vmem>> -> memref<16x1x512xf32, #tpu.memory_space<vmem>>
    %dma_start3A_220 = arith.constant 1 : i32
    %dma_start3A_221 = arith.constant 0 : i32
    %dma_start3A_222 = tpu.memref_slice %arg2[%add3A_117, %dma_start3A_220, %dma_start3A_221] : memref<4096x8x512xf32, #tpu.memory_space<hbm>> -> memref<16x1x512xf32, #tpu.memory_space<hbm>>
    %dma_start3A_223 = arith.constant 0 : i32
    %dma_start3A_224 = arith.constant 7 : i32
    %dma_start3A_225 = arith.constant 0 : i32
    %dma_start3A_226 = tpu.memref_slice %arg5[%dma_start3A_223, %dma_start3A_224, %dma_start3A_225] : memref<16x8x512xf32, #tpu.memory_space<vmem>> -> memref<16x1x512xf32, #tpu.memory_space<vmem>>
    %dma_start3A_227 = arith.constant 1 : i32
    %dma_start3A_228 = arith.constant 0 : i32
    %dma_start3A_229 = tpu.memref_slice %arg2[%add3A_117, %dma_start3A_227, %dma_start3A_228] : memref<4096x8x512xf32, #tpu.memory_space<hbm>> -> memref<16x1x512xf32, #tpu.memory_space<hbm>>
    tpu.enqueue_dma source(%dma_start3A_229 : memref<16x1x512xf32, #tpu.memory_space<hbm>>) target(%dma_start3A_226 : memref<16x1x512xf32, #tpu.memory_space<vmem>>) target_semaphore(%arg6 : memref<!tpu.dma_semaphore, #tpu.memory_space<semaphore_mem>>)
    %dma_wait3A = arith.constant 0 : i32
    %dma_wait3A_230 = arith.constant 0 : i32
    %dma_wait3A_231 = arith.constant 0 : i32
    %dma_wait3A_232 = tpu.memref_slice %arg4[%dma_wait3A, %dma_wait3A_230, %dma_wait3A_231] : memref<16x8x512xf32, #tpu.memory_space<vmem>> -> memref<16x1x512xf32, #tpu.memory_space<vmem>>
    %dma_wait3A_233 = arith.constant 7 : i32
    %dma_wait3A_234 = arith.constant 0 : i32
    %dma_wait3A_235 = tpu.memref_slice %arg2[%add3A_4, %dma_wait3A_233, %dma_wait3A_234] : memref<4096x8x512xf32, #tpu.memory_space<hbm>> -> memref<16x1x512xf32, #tpu.memory_space<hbm>>
    %dma_wait3A_236 = arith.constant 0 : i32
    %dma_wait3A_237 = arith.constant 0 : i32
    %dma_wait3A_238 = arith.constant 0 : i32
    %dma_wait3A_239 = tpu.memref_slice %arg4[%dma_wait3A_236, %dma_wait3A_237, %dma_wait3A_238] : memref<16x8x512xf32, #tpu.memory_space<vmem>> -> memref<16x1x512xf32, #tpu.memory_space<vmem>>
    %dma_wait3A_240 = arith.constant 7 : i32
    %dma_wait3A_241 = arith.constant 0 : i32
    %dma_wait3A_242 = tpu.memref_slice %arg2[%add3A_4, %dma_wait3A_240, %dma_wait3A_241] : memref<4096x8x512xf32, #tpu.memory_space<hbm>> -> memref<16x1x512xf32, #tpu.memory_space<hbm>>
    tpu.wait_dma2 semaphore(%arg6 : memref<!tpu.dma_semaphore, #tpu.memory_space<semaphore_mem>>) src(%dma_wait3A_242 : memref<16x1x512xf32, #tpu.memory_space<hbm>>) dst(%dma_wait3A_239 : memref<16x1x512xf32, #tpu.memory_space<vmem>>)
    %dma_wait3A_243 = arith.constant 0 : i32
    %dma_wait3A_244 = arith.constant 1 : i32
    %dma_wait3A_245 = arith.constant 0 : i32
    %dma_wait3A_246 = tpu.memref_slice %arg4[%dma_wait3A_243, %dma_wait3A_244, %dma_wait3A_245] : memref<16x8x512xf32, #tpu.memory_space<vmem>> -> memref<16x1x512xf32, #tpu.memory_space<vmem>>
    %dma_wait3A_247 = arith.constant 4 : i32
    %dma_wait3A_248 = arith.constant 0 : i32
    %dma_wait3A_249 = tpu.memref_slice %arg2[%add3A_4, %dma_wait3A_247, %dma_wait3A_248] : memref<4096x8x512xf32, #tpu.memory_space<hbm>> -> memref<16x1x512xf32, #tpu.memory_space<hbm>>
    %dma_wait3A_250 = arith.constant 0 : i32
    %dma_wait3A_251 = arith.constant 1 : i32
    %dma_wait3A_252 = arith.constant 0 : i32
    %dma_wait3A_253 = tpu.memref_slice %arg4[%dma_wait3A_250, %dma_wait3A_251, %dma_wait3A_252] : memref<16x8x512xf32, #tpu.memory_space<vmem>> -> memref<16x1x512xf32, #tpu.memory_space<vmem>>
    %dma_wait3A_254 = arith.constant 4 : i32
    %dma_wait3A_255 = arith.constant 0 : i32
    %dma_wait3A_256 = tpu.memref_slice %arg2[%add3A_4, %dma_wait3A_254, %dma_wait3A_255] : memref<4096x8x512xf32, #tpu.memory_space<hbm>> -> memref<16x1x512xf32, #tpu.memory_space<hbm>>
    tpu.wait_dma2 semaphore(%arg6 : memref<!tpu.dma_semaphore, #tpu.memory_space<semaphore_mem>>) src(%dma_wait3A_256 : memref<16x1x512xf32, #tpu.memory_space<hbm>>) dst(%dma_wait3A_253 : memref<16x1x512xf32, #tpu.memory_space<vmem>>)
    %dma_wait3A_257 = arith.constant 0 : i32
    %dma_wait3A_258 = arith.constant 2 : i32
    %dma_wait3A_259 = arith.constant 0 : i32
    %dma_wait3A_260 = tpu.memref_slice %arg4[%dma_wait3A_257, %dma_wait3A_258, %dma_wait3A_259] : memref<16x8x512xf32, #tpu.memory_space<vmem>> -> memref<16x1x512xf32, #tpu.memory_space<vmem>>
    %dma_wait3A_261 = arith.constant 2 : i32
    %dma_wait3A_262 = arith.constant 0 : i32
    %dma_wait3A_263 = tpu.memref_slice %arg2[%add3A_4, %dma_wait3A_261, %dma_wait3A_262] : memref<4096x8x512xf32, #tpu.memory_space<hbm>> -> memref<16x1x512xf32, #tpu.memory_space<hbm>>
    %dma_wait3A_264 = arith.constant 0 : i32
    %dma_wait3A_265 = arith.constant 2 : i32
    %dma_wait3A_266 = arith.constant 0 : i32
    %dma_wait3A_267 = tpu.memref_slice %arg4[%dma_wait3A_264, %dma_wait3A_265, %dma_wait3A_266] : memref<16x8x512xf32, #tpu.memory_space<vmem>> -> memref<16x1x512xf32, #tpu.memory_space<vmem>>
    %dma_wait3A_268 = arith.constant 2 : i32
    %dma_wait3A_269 = arith.constant 0 : i32
    %dma_wait3A_270 = tpu.memref_slice %arg2[%add3A_4, %dma_wait3A_268, %dma_wait3A_269] : memref<4096x8x512xf32, #tpu.memory_space<hbm>> -> memref<16x1x512xf32, #tpu.memory_space<hbm>>
    tpu.wait_dma2 semaphore(%arg6 : memref<!tpu.dma_semaphore, #tpu.memory_space<semaphore_mem>>) src(%dma_wait3A_270 : memref<16x1x512xf32, #tpu.memory_space<hbm>>) dst(%dma_wait3A_267 : memref<16x1x512xf32, #tpu.memory_space<vmem>>)
    %dma_wait3A_271 = arith.constant 0 : i32
    %dma_wait3A_272 = arith.constant 3 : i32
    %dma_wait3A_273 = arith.constant 0 : i32
    %dma_wait3A_274 = tpu.memref_slice %arg4[%dma_wait3A_271, %dma_wait3A_272, %dma_wait3A_273] : memref<16x8x512xf32, #tpu.memory_space<vmem>> -> memref<16x1x512xf32, #tpu.memory_space<vmem>>
    %dma_wait3A_275 = arith.constant 5 : i32
    %dma_wait3A_276 = arith.constant 0 : i32
    %dma_wait3A_277 = tpu.memref_slice %arg2[%add3A_4, %dma_wait3A_275, %dma_wait3A_276] : memref<4096x8x512xf32, #tpu.memory_space<hbm>> -> memref<16x1x512xf32, #tpu.memory_space<hbm>>
    %dma_wait3A_278 = arith.constant 0 : i32
    %dma_wait3A_279 = arith.constant 3 : i32
    %dma_wait3A_280 = arith.constant 0 : i32
    %dma_wait3A_281 = tpu.memref_slice %arg4[%dma_wait3A_278, %dma_wait3A_279, %dma_wait3A_280] : memref<16x8x512xf32, #tpu.memory_space<vmem>> -> memref<16x1x512xf32, #tpu.memory_space<vmem>>
    %dma_wait3A_282 = arith.constant 5 : i32
    %dma_wait3A_283 = arith.constant 0 : i32
    %dma_wait3A_284 = tpu.memref_slice %arg2[%add3A_4, %dma_wait3A_282, %dma_wait3A_283] : memref<4096x8x512xf32, #tpu.memory_space<hbm>> -> memref<16x1x512xf32, #tpu.memory_space<hbm>>
    tpu.wait_dma2 semaphore(%arg6 : memref<!tpu.dma_semaphore, #tpu.memory_space<semaphore_mem>>) src(%dma_wait3A_284 : memref<16x1x512xf32, #tpu.memory_space<hbm>>) dst(%dma_wait3A_281 : memref<16x1x512xf32, #tpu.memory_space<vmem>>)
    %dma_wait3A_285 = arith.constant 0 : i32
    %dma_wait3A_286 = arith.constant 4 : i32
    %dma_wait3A_287 = arith.constant 0 : i32
    %dma_wait3A_288 = tpu.memref_slice %arg4[%dma_wait3A_285, %dma_wait3A_286, %dma_wait3A_287] : memref<16x8x512xf32, #tpu.memory_space<vmem>> -> memref<16x1x512xf32, #tpu.memory_space<vmem>>
    %dma_wait3A_289 = arith.constant 3 : i32
    %dma_wait3A_290 = arith.constant 0 : i32
    %dma_wait3A_291 = tpu.memref_slice %arg2[%add3A_4, %dma_wait3A_289, %dma_wait3A_290] : memref<4096x8x512xf32, #tpu.memory_space<hbm>> -> memref<16x1x512xf32, #tpu.memory_space<hbm>>
    %dma_wait3A_292 = arith.constant 0 : i32
    %dma_wait3A_293 = arith.constant 4 : i32
    %dma_wait3A_294 = arith.constant 0 : i32
    %dma_wait3A_295 = tpu.memref_slice %arg4[%dma_wait3A_292, %dma_wait3A_293, %dma_wait3A_294] : memref<16x8x512xf32, #tpu.memory_space<vmem>> -> memref<16x1x512xf32, #tpu.memory_space<vmem>>
    %dma_wait3A_296 = arith.constant 3 : i32
    %dma_wait3A_297 = arith.constant 0 : i32
    %dma_wait3A_298 = tpu.memref_slice %arg2[%add3A_4, %dma_wait3A_296, %dma_wait3A_297] : memref<4096x8x512xf32, #tpu.memory_space<hbm>> -> memref<16x1x512xf32, #tpu.memory_space<hbm>>
    tpu.wait_dma2 semaphore(%arg6 : memref<!tpu.dma_semaphore, #tpu.memory_space<semaphore_mem>>) src(%dma_wait3A_298 : memref<16x1x512xf32, #tpu.memory_space<hbm>>) dst(%dma_wait3A_295 : memref<16x1x512xf32, #tpu.memory_space<vmem>>)
    %dma_wait3A_299 = arith.constant 0 : i32
    %dma_wait3A_300 = arith.constant 5 : i32
    %dma_wait3A_301 = arith.constant 0 : i32
    %dma_wait3A_302 = tpu.memref_slice %arg4[%dma_wait3A_299, %dma_wait3A_300, %dma_wait3A_301] : memref<16x8x512xf32, #tpu.memory_space<vmem>> -> memref<16x1x512xf32, #tpu.memory_space<vmem>>
    %dma_wait3A_303 = arith.constant 6 : i32
    %dma_wait3A_304 = arith.constant 0 : i32
    %dma_wait3A_305 = tpu.memref_slice %arg2[%add3A_4, %dma_wait3A_303, %dma_wait3A_304] : memref<4096x8x512xf32, #tpu.memory_space<hbm>> -> memref<16x1x512xf32, #tpu.memory_space<hbm>>
    %dma_wait3A_306 = arith.constant 0 : i32
    %dma_wait3A_307 = arith.constant 5 : i32
    %dma_wait3A_308 = arith.constant 0 : i32
    %dma_wait3A_309 = tpu.memref_slice %arg4[%dma_wait3A_306, %dma_wait3A_307, %dma_wait3A_308] : memref<16x8x512xf32, #tpu.memory_space<vmem>> -> memref<16x1x512xf32, #tpu.memory_space<vmem>>
    %dma_wait3A_310 = arith.constant 6 : i32
    %dma_wait3A_311 = arith.constant 0 : i32
    %dma_wait3A_312 = tpu.memref_slice %arg2[%add3A_4, %dma_wait3A_310, %dma_wait3A_311] : memref<4096x8x512xf32, #tpu.memory_space<hbm>> -> memref<16x1x512xf32, #tpu.memory_space<hbm>>
    tpu.wait_dma2 semaphore(%arg6 : memref<!tpu.dma_semaphore, #tpu.memory_space<semaphore_mem>>) src(%dma_wait3A_312 : memref<16x1x512xf32, #tpu.memory_space<hbm>>) dst(%dma_wait3A_309 : memref<16x1x512xf32, #tpu.memory_space<vmem>>)
    %dma_wait3A_313 = arith.constant 0 : i32
    %dma_wait3A_314 = arith.constant 6 : i32
    %dma_wait3A_315 = arith.constant 0 : i32
    %dma_wait3A_316 = tpu.memref_slice %arg4[%dma_wait3A_313, %dma_wait3A_314, %dma_wait3A_315] : memref<16x8x512xf32, #tpu.memory_space<vmem>> -> memref<16x1x512xf32, #tpu.memory_space<vmem>>
    %dma_wait3A_317 = arith.constant 0 : i32
    %dma_wait3A_318 = arith.constant 0 : i32
    %dma_wait3A_319 = tpu.memref_slice %arg2[%add3A_4, %dma_wait3A_317, %dma_wait3A_318] : memref<4096x8x512xf32, #tpu.memory_space<hbm>> -> memref<16x1x512xf32, #tpu.memory_space<hbm>>
    %dma_wait3A_320 = arith.constant 0 : i32
    %dma_wait3A_321 = arith.constant 6 : i32
    %dma_wait3A_322 = arith.constant 0 : i32
    %dma_wait3A_323 = tpu.memref_slice %arg4[%dma_wait3A_320, %dma_wait3A_321, %dma_wait3A_322] : memref<16x8x512xf32, #tpu.memory_space<vmem>> -> memref<16x1x512xf32, #tpu.memory_space<vmem>>
    %dma_wait3A_324 = arith.constant 0 : i32
    %dma_wait3A_325 = arith.constant 0 : i32
    %dma_wait3A_326 = tpu.memref_slice %arg2[%add3A_4, %dma_wait3A_324, %dma_wait3A_325] : memref<4096x8x512xf32, #tpu.memory_space<hbm>> -> memref<16x1x512xf32, #tpu.memory_space<hbm>>
    tpu.wait_dma2 semaphore(%arg6 : memref<!tpu.dma_semaphore, #tpu.memory_space<semaphore_mem>>) src(%dma_wait3A_326 : memref<16x1x512xf32, #tpu.memory_space<hbm>>) dst(%dma_wait3A_323 : memref<16x1x512xf32, #tpu.memory_space<vmem>>)
    %dma_wait3A_327 = arith.constant 0 : i32
    %dma_wait3A_328 = arith.constant 7 : i32
    %dma_wait3A_329 = arith.constant 0 : i32
    %dma_wait3A_330 = tpu.memref_slice %arg4[%dma_wait3A_327, %dma_wait3A_328, %dma_wait3A_329] : memref<16x8x512xf32, #tpu.memory_space<vmem>> -> memref<16x1x512xf32, #tpu.memory_space<vmem>>
    %dma_wait3A_331 = arith.constant 1 : i32
    %dma_wait3A_332 = arith.constant 0 : i32
    %dma_wait3A_333 = tpu.memref_slice %arg2[%add3A_4, %dma_wait3A_331, %dma_wait3A_332] : memref<4096x8x512xf32, #tpu.memory_space<hbm>> -> memref<16x1x512xf32, #tpu.memory_space<hbm>>
    %dma_wait3A_334 = arith.constant 0 : i32
    %dma_wait3A_335 = arith.constant 7 : i32
    %dma_wait3A_336 = arith.constant 0 : i32
    %dma_wait3A_337 = tpu.memref_slice %arg4[%dma_wait3A_334, %dma_wait3A_335, %dma_wait3A_336] : memref<16x8x512xf32, #tpu.memory_space<vmem>> -> memref<16x1x512xf32, #tpu.memory_space<vmem>>
    %dma_wait3A_338 = arith.constant 1 : i32
    %dma_wait3A_339 = arith.constant 0 : i32
    %dma_wait3A_340 = tpu.memref_slice %arg2[%add3A_4, %dma_wait3A_338, %dma_wait3A_339] : memref<4096x8x512xf32, #tpu.memory_space<hbm>> -> memref<16x1x512xf32, #tpu.memory_space<hbm>>
    tpu.wait_dma2 semaphore(%arg6 : memref<!tpu.dma_semaphore, #tpu.memory_space<semaphore_mem>>) src(%dma_wait3A_340 : memref<16x1x512xf32, #tpu.memory_space<hbm>>) dst(%dma_wait3A_337 : memref<16x1x512xf32, #tpu.memory_space<vmem>>)
    %add3A_341 = arith.constant 0 : i32
    %add3A_342 = arith.addi %mul3A_2, %add3A_341 : i32
    %dma_start3A_343 = arith.constant 0 : i32
    %dma_start3A_344 = arith.constant 0 : i32
    %dma_start3A_345 = tpu.memref_slice %arg3[%add3A_342, %dma_start3A_343, %dma_start3A_344] : memref<4096x8x512xf32, #tpu.memory_space<hbm>> -> memref<16x8x512xf32, #tpu.memory_space<hbm>>
    %dma_start3A_346 = arith.constant 0 : i32
    %dma_start3A_347 = arith.constant 0 : i32
    %dma_start3A_348 = tpu.memref_slice %arg3[%add3A_342, %dma_start3A_346, %dma_start3A_347] : memref<4096x8x512xf32, #tpu.memory_space<hbm>> -> memref<16x8x512xf32, #tpu.memory_space<hbm>>
    tpu.enqueue_dma source(%arg4 : memref<16x8x512xf32, #tpu.memory_space<vmem>>) target(%dma_start3A_348 : memref<16x8x512xf32, #tpu.memory_space<hbm>>) target_semaphore(%arg7 : memref<!tpu.dma_semaphore, #tpu.memory_space<semaphore_mem>>)
    %dma_wait3A_349 = arith.constant 0 : i32
    %dma_wait3A_350 = arith.constant 0 : i32
    %dma_wait3A_351 = tpu.memref_slice %arg3[%add3A_342, %dma_wait3A_349, %dma_wait3A_350] : memref<4096x8x512xf32, #tpu.memory_space<hbm>> -> memref<16x8x512xf32, #tpu.memory_space<hbm>>
    %dma_wait3A_352 = arith.constant 0 : i32
    %dma_wait3A_353 = arith.constant 0 : i32
    %dma_wait3A_354 = tpu.memref_slice %arg3[%add3A_342, %dma_wait3A_352, %dma_wait3A_353] : memref<4096x8x512xf32, #tpu.memory_space<hbm>> -> memref<16x8x512xf32, #tpu.memory_space<hbm>>
    tpu.wait_dma2 semaphore(%arg7 : memref<!tpu.dma_semaphore, #tpu.memory_space<semaphore_mem>>) src(%arg4 : memref<16x8x512xf32, #tpu.memory_space<vmem>>) dst(%dma_wait3A_354 : memref<16x8x512xf32, #tpu.memory_space<hbm>>)
    %add3A_355 = arith.constant 32 : i32
    %add3A_356 = arith.addi %mul3A_2, %add3A_355 : i32
    %dma_start3A_357 = arith.constant 0 : i32
    %dma_start3A_358 = arith.constant 0 : i32
    %dma_start3A_359 = arith.constant 0 : i32
    %dma_start3A_360 = tpu.memref_slice %arg4[%dma_start3A_357, %dma_start3A_358, %dma_start3A_359] : memref<16x8x512xf32, #tpu.memory_space<vmem>> -> memref<16x1x512xf32, #tpu.memory_space<vmem>>
    %dma_start3A_361 = arith.constant 7 : i32
    %dma_start3A_362 = arith.constant 0 : i32
    %dma_start3A_363 = tpu.memref_slice %arg2[%add3A_356, %dma_start3A_361, %dma_start3A_362] : memref<4096x8x512xf32, #tpu.memory_space<hbm>> -> memref<16x1x512xf32, #tpu.memory_space<hbm>>
    %dma_start3A_364 = arith.constant 0 : i32
    %dma_start3A_365 = arith.constant 0 : i32
    %dma_start3A_366 = arith.constant 0 : i32
    %dma_start3A_367 = tpu.memref_slice %arg4[%dma_start3A_364, %dma_start3A_365, %dma_start3A_366] : memref<16x8x512xf32, #tpu.memory_space<vmem>> -> memref<16x1x512xf32, #tpu.memory_space<vmem>>
    %dma_start3A_368 = arith.constant 7 : i32
    %dma_start3A_369 = arith.constant 0 : i32
    %dma_start3A_370 = tpu.memref_slice %arg2[%add3A_356, %dma_start3A_368, %dma_start3A_369] : memref<4096x8x512xf32, #tpu.memory_space<hbm>> -> memref<16x1x512xf32, #tpu.memory_space<hbm>>
    tpu.enqueue_dma source(%dma_start3A_370 : memref<16x1x512xf32, #tpu.memory_space<hbm>>) target(%dma_start3A_367 : memref<16x1x512xf32, #tpu.memory_space<vmem>>) target_semaphore(%arg6 : memref<!tpu.dma_semaphore, #tpu.memory_space<semaphore_mem>>)
    %dma_start3A_371 = arith.constant 0 : i32
    %dma_start3A_372 = arith.constant 1 : i32
    %dma_start3A_373 = arith.constant 0 : i32
    %dma_start3A_374 = tpu.memref_slice %arg4[%dma_start3A_371, %dma_start3A_372, %dma_start3A_373] : memref<16x8x512xf32, #tpu.memory_space<vmem>> -> memref<16x1x512xf32, #tpu.memory_space<vmem>>
    %dma_start3A_375 = arith.constant 4 : i32
    %dma_start3A_376 = arith.constant 0 : i32
    %dma_start3A_377 = tpu.memref_slice %arg2[%add3A_356, %dma_start3A_375, %dma_start3A_376] : memref<4096x8x512xf32, #tpu.memory_space<hbm>> -> memref<16x1x512xf32, #tpu.memory_space<hbm>>
    %dma_start3A_378 = arith.constant 0 : i32
    %dma_start3A_379 = arith.constant 1 : i32
    %dma_start3A_380 = arith.constant 0 : i32
    %dma_start3A_381 = tpu.memref_slice %arg4[%dma_start3A_378, %dma_start3A_379, %dma_start3A_380] : memref<16x8x512xf32, #tpu.memory_space<vmem>> -> memref<16x1x512xf32, #tpu.memory_space<vmem>>
    %dma_start3A_382 = arith.constant 4 : i32
    %dma_start3A_383 = arith.constant 0 : i32
    %dma_start3A_384 = tpu.memref_slice %arg2[%add3A_356, %dma_start3A_382, %dma_start3A_383] : memref<4096x8x512xf32, #tpu.memory_space<hbm>> -> memref<16x1x512xf32, #tpu.memory_space<hbm>>
    tpu.enqueue_dma source(%dma_start3A_384 : memref<16x1x512xf32, #tpu.memory_space<hbm>>) target(%dma_start3A_381 : memref<16x1x512xf32, #tpu.memory_space<vmem>>) target_semaphore(%arg6 : memref<!tpu.dma_semaphore, #tpu.memory_space<semaphore_mem>>)
    %dma_start3A_385 = arith.constant 0 : i32
    %dma_start3A_386 = arith.constant 2 : i32
    %dma_start3A_387 = arith.constant 0 : i32
    %dma_start3A_388 = tpu.memref_slice %arg4[%dma_start3A_385, %dma_start3A_386, %dma_start3A_387] : memref<16x8x512xf32, #tpu.memory_space<vmem>> -> memref<16x1x512xf32, #tpu.memory_space<vmem>>
    %dma_start3A_389 = arith.constant 2 : i32
    %dma_start3A_390 = arith.constant 0 : i32
    %dma_start3A_391 = tpu.memref_slice %arg2[%add3A_356, %dma_start3A_389, %dma_start3A_390] : memref<4096x8x512xf32, #tpu.memory_space<hbm>> -> memref<16x1x512xf32, #tpu.memory_space<hbm>>
    %dma_start3A_392 = arith.constant 0 : i32
    %dma_start3A_393 = arith.constant 2 : i32
    %dma_start3A_394 = arith.constant 0 : i32
    %dma_start3A_395 = tpu.memref_slice %arg4[%dma_start3A_392, %dma_start3A_393, %dma_start3A_394] : memref<16x8x512xf32, #tpu.memory_space<vmem>> -> memref<16x1x512xf32, #tpu.memory_space<vmem>>
    %dma_start3A_396 = arith.constant 2 : i32
    %dma_start3A_397 = arith.constant 0 : i32
    %dma_start3A_398 = tpu.memref_slice %arg2[%add3A_356, %dma_start3A_396, %dma_start3A_397] : memref<4096x8x512xf32, #tpu.memory_space<hbm>> -> memref<16x1x512xf32, #tpu.memory_space<hbm>>
    tpu.enqueue_dma source(%dma_start3A_398 : memref<16x1x512xf32, #tpu.memory_space<hbm>>) target(%dma_start3A_395 : memref<16x1x512xf32, #tpu.memory_space<vmem>>) target_semaphore(%arg6 : memref<!tpu.dma_semaphore, #tpu.memory_space<semaphore_mem>>)
    %dma_start3A_399 = arith.constant 0 : i32
    %dma_start3A_400 = arith.constant 3 : i32
    %dma_start3A_401 = arith.constant 0 : i32
    %dma_start3A_402 = tpu.memref_slice %arg4[%dma_start3A_399, %dma_start3A_400, %dma_start3A_401] : memref<16x8x512xf32, #tpu.memory_space<vmem>> -> memref<16x1x512xf32, #tpu.memory_space<vmem>>
    %dma_start3A_403 = arith.constant 5 : i32
    %dma_start3A_404 = arith.constant 0 : i32
    %dma_start3A_405 = tpu.memref_slice %arg2[%add3A_356, %dma_start3A_403, %dma_start3A_404] : memref<4096x8x512xf32, #tpu.memory_space<hbm>> -> memref<16x1x512xf32, #tpu.memory_space<hbm>>
    %dma_start3A_406 = arith.constant 0 : i32
    %dma_start3A_407 = arith.constant 3 : i32
    %dma_start3A_408 = arith.constant 0 : i32
    %dma_start3A_409 = tpu.memref_slice %arg4[%dma_start3A_406, %dma_start3A_407, %dma_start3A_408] : memref<16x8x512xf32, #tpu.memory_space<vmem>> -> memref<16x1x512xf32, #tpu.memory_space<vmem>>
    %dma_start3A_410 = arith.constant 5 : i32
    %dma_start3A_411 = arith.constant 0 : i32
    %dma_start3A_412 = tpu.memref_slice %arg2[%add3A_356, %dma_start3A_410, %dma_start3A_411] : memref<4096x8x512xf32, #tpu.memory_space<hbm>> -> memref<16x1x512xf32, #tpu.memory_space<hbm>>
    tpu.enqueue_dma source(%dma_start3A_412 : memref<16x1x512xf32, #tpu.memory_space<hbm>>) target(%dma_start3A_409 : memref<16x1x512xf32, #tpu.memory_space<vmem>>) target_semaphore(%arg6 : memref<!tpu.dma_semaphore, #tpu.memory_space<semaphore_mem>>)
    %dma_start3A_413 = arith.constant 0 : i32
    %dma_start3A_414 = arith.constant 4 : i32
    %dma_start3A_415 = arith.constant 0 : i32
    %dma_start3A_416 = tpu.memref_slice %arg4[%dma_start3A_413, %dma_start3A_414, %dma_start3A_415] : memref<16x8x512xf32, #tpu.memory_space<vmem>> -> memref<16x1x512xf32, #tpu.memory_space<vmem>>
    %dma_start3A_417 = arith.constant 3 : i32
    %dma_start3A_418 = arith.constant 0 : i32
    %dma_start3A_419 = tpu.memref_slice %arg2[%add3A_356, %dma_start3A_417, %dma_start3A_418] : memref<4096x8x512xf32, #tpu.memory_space<hbm>> -> memref<16x1x512xf32, #tpu.memory_space<hbm>>
    %dma_start3A_420 = arith.constant 0 : i32
    %dma_start3A_421 = arith.constant 4 : i32
    %dma_start3A_422 = arith.constant 0 : i32
    %dma_start3A_423 = tpu.memref_slice %arg4[%dma_start3A_420, %dma_start3A_421, %dma_start3A_422] : memref<16x8x512xf32, #tpu.memory_space<vmem>> -> memref<16x1x512xf32, #tpu.memory_space<vmem>>
    %dma_start3A_424 = arith.constant 3 : i32
    %dma_start3A_425 = arith.constant 0 : i32
    %dma_start3A_426 = tpu.memref_slice %arg2[%add3A_356, %dma_start3A_424, %dma_start3A_425] : memref<4096x8x512xf32, #tpu.memory_space<hbm>> -> memref<16x1x512xf32, #tpu.memory_space<hbm>>
    tpu.enqueue_dma source(%dma_start3A_426 : memref<16x1x512xf32, #tpu.memory_space<hbm>>) target(%dma_start3A_423 : memref<16x1x512xf32, #tpu.memory_space<vmem>>) target_semaphore(%arg6 : memref<!tpu.dma_semaphore, #tpu.memory_space<semaphore_mem>>)
    %dma_start3A_427 = arith.constant 0 : i32
    %dma_start3A_428 = arith.constant 5 : i32
    %dma_start3A_429 = arith.constant 0 : i32
    %dma_start3A_430 = tpu.memref_slice %arg4[%dma_start3A_427, %dma_start3A_428, %dma_start3A_429] : memref<16x8x512xf32, #tpu.memory_space<vmem>> -> memref<16x1x512xf32, #tpu.memory_space<vmem>>
    %dma_start3A_431 = arith.constant 6 : i32
    %dma_start3A_432 = arith.constant 0 : i32
    %dma_start3A_433 = tpu.memref_slice %arg2[%add3A_356, %dma_start3A_431, %dma_start3A_432] : memref<4096x8x512xf32, #tpu.memory_space<hbm>> -> memref<16x1x512xf32, #tpu.memory_space<hbm>>
    %dma_start3A_434 = arith.constant 0 : i32
    %dma_start3A_435 = arith.constant 5 : i32
    %dma_start3A_436 = arith.constant 0 : i32
    %dma_start3A_437 = tpu.memref_slice %arg4[%dma_start3A_434, %dma_start3A_435, %dma_start3A_436] : memref<16x8x512xf32, #tpu.memory_space<vmem>> -> memref<16x1x512xf32, #tpu.memory_space<vmem>>
    %dma_start3A_438 = arith.constant 6 : i32
    %dma_start3A_439 = arith.constant 0 : i32
    %dma_start3A_440 = tpu.memref_slice %arg2[%add3A_356, %dma_start3A_438, %dma_start3A_439] : memref<4096x8x512xf32, #tpu.memory_space<hbm>> -> memref<16x1x512xf32, #tpu.memory_space<hbm>>
    tpu.enqueue_dma source(%dma_start3A_440 : memref<16x1x512xf32, #tpu.memory_space<hbm>>) target(%dma_start3A_437 : memref<16x1x512xf32, #tpu.memory_space<vmem>>) target_semaphore(%arg6 : memref<!tpu.dma_semaphore, #tpu.memory_space<semaphore_mem>>)
    %dma_start3A_441 = arith.constant 0 : i32
    %dma_start3A_442 = arith.constant 6 : i32
    %dma_start3A_443 = arith.constant 0 : i32
    %dma_start3A_444 = tpu.memref_slice %arg4[%dma_start3A_441, %dma_start3A_442, %dma_start3A_443] : memref<16x8x512xf32, #tpu.memory_space<vmem>> -> memref<16x1x512xf32, #tpu.memory_space<vmem>>
    %dma_start3A_445 = arith.constant 0 : i32
    %dma_start3A_446 = arith.constant 0 : i32
    %dma_start3A_447 = tpu.memref_slice %arg2[%add3A_356, %dma_start3A_445, %dma_start3A_446] : memref<4096x8x512xf32, #tpu.memory_space<hbm>> -> memref<16x1x512xf32, #tpu.memory_space<hbm>>
    %dma_start3A_448 = arith.constant 0 : i32
    %dma_start3A_449 = arith.constant 6 : i32
    %dma_start3A_450 = arith.constant 0 : i32
    %dma_start3A_451 = tpu.memref_slice %arg4[%dma_start3A_448, %dma_start3A_449, %dma_start3A_450] : memref<16x8x512xf32, #tpu.memory_space<vmem>> -> memref<16x1x512xf32, #tpu.memory_space<vmem>>
    %dma_start3A_452 = arith.constant 0 : i32
    %dma_start3A_453 = arith.constant 0 : i32
    %dma_start3A_454 = tpu.memref_slice %arg2[%add3A_356, %dma_start3A_452, %dma_start3A_453] : memref<4096x8x512xf32, #tpu.memory_space<hbm>> -> memref<16x1x512xf32, #tpu.memory_space<hbm>>
    tpu.enqueue_dma source(%dma_start3A_454 : memref<16x1x512xf32, #tpu.memory_space<hbm>>) target(%dma_start3A_451 : memref<16x1x512xf32, #tpu.memory_space<vmem>>) target_semaphore(%arg6 : memref<!tpu.dma_semaphore, #tpu.memory_space<semaphore_mem>>)
    %dma_start3A_455 = arith.constant 0 : i32
    %dma_start3A_456 = arith.constant 7 : i32
    %dma_start3A_457 = arith.constant 0 : i32
    %dma_start3A_458 = tpu.memref_slice %arg4[%dma_start3A_455, %dma_start3A_456, %dma_start3A_457] : memref<16x8x512xf32, #tpu.memory_space<vmem>> -> memref<16x1x512xf32, #tpu.memory_space<vmem>>
    %dma_start3A_459 = arith.constant 1 : i32
    %dma_start3A_460 = arith.constant 0 : i32
    %dma_start3A_461 = tpu.memref_slice %arg2[%add3A_356, %dma_start3A_459, %dma_start3A_460] : memref<4096x8x512xf32, #tpu.memory_space<hbm>> -> memref<16x1x512xf32, #tpu.memory_space<hbm>>
    %dma_start3A_462 = arith.constant 0 : i32
    %dma_start3A_463 = arith.constant 7 : i32
    %dma_start3A_464 = arith.constant 0 : i32
    %dma_start3A_465 = tpu.memref_slice %arg4[%dma_start3A_462, %dma_start3A_463, %dma_start3A_464] : memref<16x8x512xf32, #tpu.memory_space<vmem>> -> memref<16x1x512xf32, #tpu.memory_space<vmem>>
    %dma_start3A_466 = arith.constant 1 : i32
    %dma_start3A_467 = arith.constant 0 : i32
    %dma_start3A_468 = tpu.memref_slice %arg2[%add3A_356, %dma_start3A_466, %dma_start3A_467] : memref<4096x8x512xf32, #tpu.memory_space<hbm>> -> memref<16x1x512xf32, #tpu.memory_space<hbm>>
    tpu.enqueue_dma source(%dma_start3A_468 : memref<16x1x512xf32, #tpu.memory_space<hbm>>) target(%dma_start3A_465 : memref<16x1x512xf32, #tpu.memory_space<vmem>>) target_semaphore(%arg6 : memref<!tpu.dma_semaphore, #tpu.memory_space<semaphore_mem>>)
    %dma_wait3A_469 = arith.constant 0 : i32
    %dma_wait3A_470 = arith.constant 0 : i32
    %dma_wait3A_471 = arith.constant 0 : i32
    %dma_wait3A_472 = tpu.memref_slice %arg5[%dma_wait3A_469, %dma_wait3A_470, %dma_wait3A_471] : memref<16x8x512xf32, #tpu.memory_space<vmem>> -> memref<16x1x512xf32, #tpu.memory_space<vmem>>
    %dma_wait3A_473 = arith.constant 7 : i32
    %dma_wait3A_474 = arith.constant 0 : i32
    %dma_wait3A_475 = tpu.memref_slice %arg2[%add3A_117, %dma_wait3A_473, %dma_wait3A_474] : memref<4096x8x512xf32, #tpu.memory_space<hbm>> -> memref<16x1x512xf32, #tpu.memory_space<hbm>>
    %dma_wait3A_476 = arith.constant 0 : i32
    %dma_wait3A_477 = arith.constant 0 : i32
    %dma_wait3A_478 = arith.constant 0 : i32
    %dma_wait3A_479 = tpu.memref_slice %arg5[%dma_wait3A_476, %dma_wait3A_477, %dma_wait3A_478] : memref<16x8x512xf32, #tpu.memory_space<vmem>> -> memref<16x1x512xf32, #tpu.memory_space<vmem>>
    %dma_wait3A_480 = arith.constant 7 : i32
    %dma_wait3A_481 = arith.constant 0 : i32
    %dma_wait3A_482 = tpu.memref_slice %arg2[%add3A_117, %dma_wait3A_480, %dma_wait3A_481] : memref<4096x8x512xf32, #tpu.memory_space<hbm>> -> memref<16x1x512xf32, #tpu.memory_space<hbm>>
    tpu.wait_dma2 semaphore(%arg6 : memref<!tpu.dma_semaphore, #tpu.memory_space<semaphore_mem>>) src(%dma_wait3A_482 : memref<16x1x512xf32, #tpu.memory_space<hbm>>) dst(%dma_wait3A_479 : memref<16x1x512xf32, #tpu.memory_space<vmem>>)
    %dma_wait3A_483 = arith.constant 0 : i32
    %dma_wait3A_484 = arith.constant 1 : i32
    %dma_wait3A_485 = arith.constant 0 : i32
    %dma_wait3A_486 = tpu.memref_slice %arg5[%dma_wait3A_483, %dma_wait3A_484, %dma_wait3A_485] : memref<16x8x512xf32, #tpu.memory_space<vmem>> -> memref<16x1x512xf32, #tpu.memory_space<vmem>>
    %dma_wait3A_487 = arith.constant 4 : i32
    %dma_wait3A_488 = arith.constant 0 : i32
    %dma_wait3A_489 = tpu.memref_slice %arg2[%add3A_117, %dma_wait3A_487, %dma_wait3A_488] : memref<4096x8x512xf32, #tpu.memory_space<hbm>> -> memref<16x1x512xf32, #tpu.memory_space<hbm>>
    %dma_wait3A_490 = arith.constant 0 : i32
    %dma_wait3A_491 = arith.constant 1 : i32
    %dma_wait3A_492 = arith.constant 0 : i32
    %dma_wait3A_493 = tpu.memref_slice %arg5[%dma_wait3A_490, %dma_wait3A_491, %dma_wait3A_492] : memref<16x8x512xf32, #tpu.memory_space<vmem>> -> memref<16x1x512xf32, #tpu.memory_space<vmem>>
    %dma_wait3A_494 = arith.constant 4 : i32
    %dma_wait3A_495 = arith.constant 0 : i32
    %dma_wait3A_496 = tpu.memref_slice %arg2[%add3A_117, %dma_wait3A_494, %dma_wait3A_495] : memref<4096x8x512xf32, #tpu.memory_space<hbm>> -> memref<16x1x512xf32, #tpu.memory_space<hbm>>
    tpu.wait_dma2 semaphore(%arg6 : memref<!tpu.dma_semaphore, #tpu.memory_space<semaphore_mem>>) src(%dma_wait3A_496 : memref<16x1x512xf32, #tpu.memory_space<hbm>>) dst(%dma_wait3A_493 : memref<16x1x512xf32, #tpu.memory_space<vmem>>)
    %dma_wait3A_497 = arith.constant 0 : i32
    %dma_wait3A_498 = arith.constant 2 : i32
    %dma_wait3A_499 = arith.constant 0 : i32
    %dma_wait3A_500 = tpu.memref_slice %arg5[%dma_wait3A_497, %dma_wait3A_498, %dma_wait3A_499] : memref<16x8x512xf32, #tpu.memory_space<vmem>> -> memref<16x1x512xf32, #tpu.memory_space<vmem>>
    %dma_wait3A_501 = arith.constant 2 : i32
    %dma_wait3A_502 = arith.constant 0 : i32
    %dma_wait3A_503 = tpu.memref_slice %arg2[%add3A_117, %dma_wait3A_501, %dma_wait3A_502] : memref<4096x8x512xf32, #tpu.memory_space<hbm>> -> memref<16x1x512xf32, #tpu.memory_space<hbm>>
    %dma_wait3A_504 = arith.constant 0 : i32
    %dma_wait3A_505 = arith.constant 2 : i32
    %dma_wait3A_506 = arith.constant 0 : i32
    %dma_wait3A_507 = tpu.memref_slice %arg5[%dma_wait3A_504, %dma_wait3A_505, %dma_wait3A_506] : memref<16x8x512xf32, #tpu.memory_space<vmem>> -> memref<16x1x512xf32, #tpu.memory_space<vmem>>
    %dma_wait3A_508 = arith.constant 2 : i32
    %dma_wait3A_509 = arith.constant 0 : i32
    %dma_wait3A_510 = tpu.memref_slice %arg2[%add3A_117, %dma_wait3A_508, %dma_wait3A_509] : memref<4096x8x512xf32, #tpu.memory_space<hbm>> -> memref<16x1x512xf32, #tpu.memory_space<hbm>>
    tpu.wait_dma2 semaphore(%arg6 : memref<!tpu.dma_semaphore, #tpu.memory_space<semaphore_mem>>) src(%dma_wait3A_510 : memref<16x1x512xf32, #tpu.memory_space<hbm>>) dst(%dma_wait3A_507 : memref<16x1x512xf32, #tpu.memory_space<vmem>>)
    %dma_wait3A_511 = arith.constant 0 : i32
    %dma_wait3A_512 = arith.constant 3 : i32
    %dma_wait3A_513 = arith.constant 0 : i32
    %dma_wait3A_514 = tpu.memref_slice %arg5[%dma_wait3A_511, %dma_wait3A_512, %dma_wait3A_513] : memref<16x8x512xf32, #tpu.memory_space<vmem>> -> memref<16x1x512xf32, #tpu.memory_space<vmem>>
    %dma_wait3A_515 = arith.constant 5 : i32
    %dma_wait3A_516 = arith.constant 0 : i32
    %dma_wait3A_517 = tpu.memref_slice %arg2[%add3A_117, %dma_wait3A_515, %dma_wait3A_516] : memref<4096x8x512xf32, #tpu.memory_space<hbm>> -> memref<16x1x512xf32, #tpu.memory_space<hbm>>
    %dma_wait3A_518 = arith.constant 0 : i32
    %dma_wait3A_519 = arith.constant 3 : i32
    %dma_wait3A_520 = arith.constant 0 : i32
    %dma_wait3A_521 = tpu.memref_slice %arg5[%dma_wait3A_518, %dma_wait3A_519, %dma_wait3A_520] : memref<16x8x512xf32, #tpu.memory_space<vmem>> -> memref<16x1x512xf32, #tpu.memory_space<vmem>>
    %dma_wait3A_522 = arith.constant 5 : i32
    %dma_wait3A_523 = arith.constant 0 : i32
    %dma_wait3A_524 = tpu.memref_slice %arg2[%add3A_117, %dma_wait3A_522, %dma_wait3A_523] : memref<4096x8x512xf32, #tpu.memory_space<hbm>> -> memref<16x1x512xf32, #tpu.memory_space<hbm>>
    tpu.wait_dma2 semaphore(%arg6 : memref<!tpu.dma_semaphore, #tpu.memory_space<semaphore_mem>>) src(%dma_wait3A_524 : memref<16x1x512xf32, #tpu.memory_space<hbm>>) dst(%dma_wait3A_521 : memref<16x1x512xf32, #tpu.memory_space<vmem>>)
    %dma_wait3A_525 = arith.constant 0 : i32
    %dma_wait3A_526 = arith.constant 4 : i32
    %dma_wait3A_527 = arith.constant 0 : i32
    %dma_wait3A_528 = tpu.memref_slice %arg5[%dma_wait3A_525, %dma_wait3A_526, %dma_wait3A_527] : memref<16x8x512xf32, #tpu.memory_space<vmem>> -> memref<16x1x512xf32, #tpu.memory_space<vmem>>
    %dma_wait3A_529 = arith.constant 3 : i32
    %dma_wait3A_530 = arith.constant 0 : i32
    %dma_wait3A_531 = tpu.memref_slice %arg2[%add3A_117, %dma_wait3A_529, %dma_wait3A_530] : memref<4096x8x512xf32, #tpu.memory_space<hbm>> -> memref<16x1x512xf32, #tpu.memory_space<hbm>>
    %dma_wait3A_532 = arith.constant 0 : i32
    %dma_wait3A_533 = arith.constant 4 : i32
    %dma_wait3A_534 = arith.constant 0 : i32
    %dma_wait3A_535 = tpu.memref_slice %arg5[%dma_wait3A_532, %dma_wait3A_533, %dma_wait3A_534] : memref<16x8x512xf32, #tpu.memory_space<vmem>> -> memref<16x1x512xf32, #tpu.memory_space<vmem>>
    %dma_wait3A_536 = arith.constant 3 : i32
    %dma_wait3A_537 = arith.constant 0 : i32
    %dma_wait3A_538 = tpu.memref_slice %arg2[%add3A_117, %dma_wait3A_536, %dma_wait3A_537] : memref<4096x8x512xf32, #tpu.memory_space<hbm>> -> memref<16x1x512xf32, #tpu.memory_space<hbm>>
    tpu.wait_dma2 semaphore(%arg6 : memref<!tpu.dma_semaphore, #tpu.memory_space<semaphore_mem>>) src(%dma_wait3A_538 : memref<16x1x512xf32, #tpu.memory_space<hbm>>) dst(%dma_wait3A_535 : memref<16x1x512xf32, #tpu.memory_space<vmem>>)
    %dma_wait3A_539 = arith.constant 0 : i32
    %dma_wait3A_540 = arith.constant 5 : i32
    %dma_wait3A_541 = arith.constant 0 : i32
    %dma_wait3A_542 = tpu.memref_slice %arg5[%dma_wait3A_539, %dma_wait3A_540, %dma_wait3A_541] : memref<16x8x512xf32, #tpu.memory_space<vmem>> -> memref<16x1x512xf32, #tpu.memory_space<vmem>>
    %dma_wait3A_543 = arith.constant 6 : i32
    %dma_wait3A_544 = arith.constant 0 : i32
    %dma_wait3A_545 = tpu.memref_slice %arg2[%add3A_117, %dma_wait3A_543, %dma_wait3A_544] : memref<4096x8x512xf32, #tpu.memory_space<hbm>> -> memref<16x1x512xf32, #tpu.memory_space<hbm>>
    %dma_wait3A_546 = arith.constant 0 : i32
    %dma_wait3A_547 = arith.constant 5 : i32
    %dma_wait3A_548 = arith.constant 0 : i32
    %dma_wait3A_549 = tpu.memref_slice %arg5[%dma_wait3A_546, %dma_wait3A_547, %dma_wait3A_548] : memref<16x8x512xf32, #tpu.memory_space<vmem>> -> memref<16x1x512xf32, #tpu.memory_space<vmem>>
    %dma_wait3A_550 = arith.constant 6 : i32
    %dma_wait3A_551 = arith.constant 0 : i32
    %dma_wait3A_552 = tpu.memref_slice %arg2[%add3A_117, %dma_wait3A_550, %dma_wait3A_551] : memref<4096x8x512xf32, #tpu.memory_space<hbm>> -> memref<16x1x512xf32, #tpu.memory_space<hbm>>
    tpu.wait_dma2 semaphore(%arg6 : memref<!tpu.dma_semaphore, #tpu.memory_space<semaphore_mem>>) src(%dma_wait3A_552 : memref<16x1x512xf32, #tpu.memory_space<hbm>>) dst(%dma_wait3A_549 : memref<16x1x512xf32, #tpu.memory_space<vmem>>)
    %dma_wait3A_553 = arith.constant 0 : i32
    %dma_wait3A_554 = arith.constant 6 : i32
    %dma_wait3A_555 = arith.constant 0 : i32
    %dma_wait3A_556 = tpu.memref_slice %arg5[%dma_wait3A_553, %dma_wait3A_554, %dma_wait3A_555] : memref<16x8x512xf32, #tpu.memory_space<vmem>> -> memref<16x1x512xf32, #tpu.memory_space<vmem>>
    %dma_wait3A_557 = arith.constant 0 : i32
    %dma_wait3A_558 = arith.constant 0 : i32
    %dma_wait3A_559 = tpu.memref_slice %arg2[%add3A_117, %dma_wait3A_557, %dma_wait3A_558] : memref<4096x8x512xf32, #tpu.memory_space<hbm>> -> memref<16x1x512xf32, #tpu.memory_space<hbm>>
    %dma_wait3A_560 = arith.constant 0 : i32
    %dma_wait3A_561 = arith.constant 6 : i32
    %dma_wait3A_562 = arith.constant 0 : i32
    %dma_wait3A_563 = tpu.memref_slice %arg5[%dma_wait3A_560, %dma_wait3A_561, %dma_wait3A_562] : memref<16x8x512xf32, #tpu.memory_space<vmem>> -> memref<16x1x512xf32, #tpu.memory_space<vmem>>
    %dma_wait3A_564 = arith.constant 0 : i32
    %dma_wait3A_565 = arith.constant 0 : i32
    %dma_wait3A_566 = tpu.memref_slice %arg2[%add3A_117, %dma_wait3A_564, %dma_wait3A_565] : memref<4096x8x512xf32, #tpu.memory_space<hbm>> -> memref<16x1x512xf32, #tpu.memory_space<hbm>>
    tpu.wait_dma2 semaphore(%arg6 : memref<!tpu.dma_semaphore, #tpu.memory_space<semaphore_mem>>) src(%dma_wait3A_566 : memref<16x1x512xf32, #tpu.memory_space<hbm>>) dst(%dma_wait3A_563 : memref<16x1x512xf32, #tpu.memory_space<vmem>>)
    %dma_wait3A_567 = arith.constant 0 : i32
    %dma_wait3A_568 = arith.constant 7 : i32
    %dma_wait3A_569 = arith.constant 0 : i32
    %dma_wait3A_570 = tpu.memref_slice %arg5[%dma_wait3A_567, %dma_wait3A_568, %dma_wait3A_569] : memref<16x8x512xf32, #tpu.memory_space<vmem>> -> memref<16x1x512xf32, #tpu.memory_space<vmem>>
    %dma_wait3A_571 = arith.constant 1 : i32
    %dma_wait3A_572 = arith.constant 0 : i32
    %dma_wait3A_573 = tpu.memref_slice %arg2[%add3A_117, %dma_wait3A_571, %dma_wait3A_572] : memref<4096x8x512xf32, #tpu.memory_space<hbm>> -> memref<16x1x512xf32, #tpu.memory_space<hbm>>
    %dma_wait3A_574 = arith.constant 0 : i32
    %dma_wait3A_575 = arith.constant 7 : i32
    %dma_wait3A_576 = arith.constant 0 : i32
    %dma_wait3A_577 = tpu.memref_slice %arg5[%dma_wait3A_574, %dma_wait3A_575, %dma_wait3A_576] : memref<16x8x512xf32, #tpu.memory_space<vmem>> -> memref<16x1x512xf32, #tpu.memory_space<vmem>>
    %dma_wait3A_578 = arith.constant 1 : i32
    %dma_wait3A_579 = arith.constant 0 : i32
    %dma_wait3A_580 = tpu.memref_slice %arg2[%add3A_117, %dma_wait3A_578, %dma_wait3A_579] : memref<4096x8x512xf32, #tpu.memory_space<hbm>> -> memref<16x1x512xf32, #tpu.memory_space<hbm>>
    tpu.wait_dma2 semaphore(%arg6 : memref<!tpu.dma_semaphore, #tpu.memory_space<semaphore_mem>>) src(%dma_wait3A_580 : memref<16x1x512xf32, #tpu.memory_space<hbm>>) dst(%dma_wait3A_577 : memref<16x1x512xf32, #tpu.memory_space<vmem>>)
    %add3A_581 = arith.constant 16 : i32
    %add3A_582 = arith.addi %mul3A_2, %add3A_581 : i32
    %dma_start3A_583 = arith.constant 0 : i32
    %dma_start3A_584 = arith.constant 0 : i32
    %dma_start3A_585 = tpu.memref_slice %arg3[%add3A_582, %dma_start3A_583, %dma_start3A_584] : memref<4096x8x512xf32, #tpu.memory_space<hbm>> -> memref<16x8x512xf32, #tpu.memory_space<hbm>>
    %dma_start3A_586 = arith.constant 0 : i32
    %dma_start3A_587 = arith.constant 0 : i32
    %dma_start3A_588 = tpu.memref_slice %arg3[%add3A_582, %dma_start3A_586, %dma_start3A_587] : memref<4096x8x512xf32, #tpu.memory_space<hbm>> -> memref<16x8x512xf32, #tpu.memory_space<hbm>>
    tpu.enqueue_dma source(%arg5 : memref<16x8x512xf32, #tpu.memory_space<vmem>>) target(%dma_start3A_588 : memref<16x8x512xf32, #tpu.memory_space<hbm>>) target_semaphore(%arg7 : memref<!tpu.dma_semaphore, #tpu.memory_space<semaphore_mem>>)
    %dma_wait3A_589 = arith.constant 0 : i32
    %dma_wait3A_590 = arith.constant 0 : i32
    %dma_wait3A_591 = tpu.memref_slice %arg3[%add3A_582, %dma_wait3A_589, %dma_wait3A_590] : memref<4096x8x512xf32, #tpu.memory_space<hbm>> -> memref<16x8x512xf32, #tpu.memory_space<hbm>>
    %dma_wait3A_592 = arith.constant 0 : i32
    %dma_wait3A_593 = arith.constant 0 : i32
    %dma_wait3A_594 = tpu.memref_slice %arg3[%add3A_582, %dma_wait3A_592, %dma_wait3A_593] : memref<4096x8x512xf32, #tpu.memory_space<hbm>> -> memref<16x8x512xf32, #tpu.memory_space<hbm>>
    tpu.wait_dma2 semaphore(%arg7 : memref<!tpu.dma_semaphore, #tpu.memory_space<semaphore_mem>>) src(%arg5 : memref<16x8x512xf32, #tpu.memory_space<vmem>>) dst(%dma_wait3A_594 : memref<16x8x512xf32, #tpu.memory_space<hbm>>)
    %add3A_595 = arith.constant 48 : i32
    %add3A_596 = arith.addi %mul3A_2, %add3A_595 : i32
    %dma_start3A_597 = arith.constant 0 : i32
    %dma_start3A_598 = arith.constant 0 : i32
    %dma_start3A_599 = arith.constant 0 : i32
    %dma_start3A_600 = tpu.memref_slice %arg5[%dma_start3A_597, %dma_start3A_598, %dma_start3A_599] : memref<16x8x512xf32, #tpu.memory_space<vmem>> -> memref<16x1x512xf32, #tpu.memory_space<vmem>>
    %dma_start3A_601 = arith.constant 7 : i32
    %dma_start3A_602 = arith.constant 0 : i32
    %dma_start3A_603 = tpu.memref_slice %arg2[%add3A_596, %dma_start3A_601, %dma_start3A_602] : memref<4096x8x512xf32, #tpu.memory_space<hbm>> -> memref<16x1x512xf32, #tpu.memory_space<hbm>>
    %dma_start3A_604 = arith.constant 0 : i32
    %dma_start3A_605 = arith.constant 0 : i32
    %dma_start3A_606 = arith.constant 0 : i32
    %dma_start3A_607 = tpu.memref_slice %arg5[%dma_start3A_604, %dma_start3A_605, %dma_start3A_606] : memref<16x8x512xf32, #tpu.memory_space<vmem>> -> memref<16x1x512xf32, #tpu.memory_space<vmem>>
    %dma_start3A_608 = arith.constant 7 : i32
    %dma_start3A_609 = arith.constant 0 : i32
    %dma_start3A_610 = tpu.memref_slice %arg2[%add3A_596, %dma_start3A_608, %dma_start3A_609] : memref<4096x8x512xf32, #tpu.memory_space<hbm>> -> memref<16x1x512xf32, #tpu.memory_space<hbm>>
    tpu.enqueue_dma source(%dma_start3A_610 : memref<16x1x512xf32, #tpu.memory_space<hbm>>) target(%dma_start3A_607 : memref<16x1x512xf32, #tpu.memory_space<vmem>>) target_semaphore(%arg6 : memref<!tpu.dma_semaphore, #tpu.memory_space<semaphore_mem>>)
    %dma_start3A_611 = arith.constant 0 : i32
    %dma_start3A_612 = arith.constant 1 : i32
    %dma_start3A_613 = arith.constant 0 : i32
    %dma_start3A_614 = tpu.memref_slice %arg5[%dma_start3A_611, %dma_start3A_612, %dma_start3A_613] : memref<16x8x512xf32, #tpu.memory_space<vmem>> -> memref<16x1x512xf32, #tpu.memory_space<vmem>>
    %dma_start3A_615 = arith.constant 4 : i32
    %dma_start3A_616 = arith.constant 0 : i32
    %dma_start3A_617 = tpu.memref_slice %arg2[%add3A_596, %dma_start3A_615, %dma_start3A_616] : memref<4096x8x512xf32, #tpu.memory_space<hbm>> -> memref<16x1x512xf32, #tpu.memory_space<hbm>>
    %dma_start3A_618 = arith.constant 0 : i32
    %dma_start3A_619 = arith.constant 1 : i32
    %dma_start3A_620 = arith.constant 0 : i32
    %dma_start3A_621 = tpu.memref_slice %arg5[%dma_start3A_618, %dma_start3A_619, %dma_start3A_620] : memref<16x8x512xf32, #tpu.memory_space<vmem>> -> memref<16x1x512xf32, #tpu.memory_space<vmem>>
    %dma_start3A_622 = arith.constant 4 : i32
    %dma_start3A_623 = arith.constant 0 : i32
    %dma_start3A_624 = tpu.memref_slice %arg2[%add3A_596, %dma_start3A_622, %dma_start3A_623] : memref<4096x8x512xf32, #tpu.memory_space<hbm>> -> memref<16x1x512xf32, #tpu.memory_space<hbm>>
    tpu.enqueue_dma source(%dma_start3A_624 : memref<16x1x512xf32, #tpu.memory_space<hbm>>) target(%dma_start3A_621 : memref<16x1x512xf32, #tpu.memory_space<vmem>>) target_semaphore(%arg6 : memref<!tpu.dma_semaphore, #tpu.memory_space<semaphore_mem>>)
    %dma_start3A_625 = arith.constant 0 : i32
    %dma_start3A_626 = arith.constant 2 : i32
    %dma_start3A_627 = arith.constant 0 : i32
    %dma_start3A_628 = tpu.memref_slice %arg5[%dma_start3A_625, %dma_start3A_626, %dma_start3A_627] : memref<16x8x512xf32, #tpu.memory_space<vmem>> -> memref<16x1x512xf32, #tpu.memory_space<vmem>>
    %dma_start3A_629 = arith.constant 2 : i32
    %dma_start3A_630 = arith.constant 0 : i32
    %dma_start3A_631 = tpu.memref_slice %arg2[%add3A_596, %dma_start3A_629, %dma_start3A_630] : memref<4096x8x512xf32, #tpu.memory_space<hbm>> -> memref<16x1x512xf32, #tpu.memory_space<hbm>>
    %dma_start3A_632 = arith.constant 0 : i32
    %dma_start3A_633 = arith.constant 2 : i32
    %dma_start3A_634 = arith.constant 0 : i32
    %dma_start3A_635 = tpu.memref_slice %arg5[%dma_start3A_632, %dma_start3A_633, %dma_start3A_634] : memref<16x8x512xf32, #tpu.memory_space<vmem>> -> memref<16x1x512xf32, #tpu.memory_space<vmem>>
    %dma_start3A_636 = arith.constant 2 : i32
    %dma_start3A_637 = arith.constant 0 : i32
    %dma_start3A_638 = tpu.memref_slice %arg2[%add3A_596, %dma_start3A_636, %dma_start3A_637] : memref<4096x8x512xf32, #tpu.memory_space<hbm>> -> memref<16x1x512xf32, #tpu.memory_space<hbm>>
    tpu.enqueue_dma source(%dma_start3A_638 : memref<16x1x512xf32, #tpu.memory_space<hbm>>) target(%dma_start3A_635 : memref<16x1x512xf32, #tpu.memory_space<vmem>>) target_semaphore(%arg6 : memref<!tpu.dma_semaphore, #tpu.memory_space<semaphore_mem>>)
    %dma_start3A_639 = arith.constant 0 : i32
    %dma_start3A_640 = arith.constant 3 : i32
    %dma_start3A_641 = arith.constant 0 : i32
    %dma_start3A_642 = tpu.memref_slice %arg5[%dma_start3A_639, %dma_start3A_640, %dma_start3A_641] : memref<16x8x512xf32, #tpu.memory_space<vmem>> -> memref<16x1x512xf32, #tpu.memory_space<vmem>>
    %dma_start3A_643 = arith.constant 5 : i32
    %dma_start3A_644 = arith.constant 0 : i32
    %dma_start3A_645 = tpu.memref_slice %arg2[%add3A_596, %dma_start3A_643, %dma_start3A_644] : memref<4096x8x512xf32, #tpu.memory_space<hbm>> -> memref<16x1x512xf32, #tpu.memory_space<hbm>>
    %dma_start3A_646 = arith.constant 0 : i32
    %dma_start3A_647 = arith.constant 3 : i32
    %dma_start3A_648 = arith.constant 0 : i32
    %dma_start3A_649 = tpu.memref_slice %arg5[%dma_start3A_646, %dma_start3A_647, %dma_start3A_648] : memref<16x8x512xf32, #tpu.memory_space<vmem>> -> memref<16x1x512xf32, #tpu.memory_space<vmem>>
    %dma_start3A_650 = arith.constant 5 : i32
    %dma_start3A_651 = arith.constant 0 : i32
    %dma_start3A_652 = tpu.memref_slice %arg2[%add3A_596, %dma_start3A_650, %dma_start3A_651] : memref<4096x8x512xf32, #tpu.memory_space<hbm>> -> memref<16x1x512xf32, #tpu.memory_space<hbm>>
    tpu.enqueue_dma source(%dma_start3A_652 : memref<16x1x512xf32, #tpu.memory_space<hbm>>) target(%dma_start3A_649 : memref<16x1x512xf32, #tpu.memory_space<vmem>>) target_semaphore(%arg6 : memref<!tpu.dma_semaphore, #tpu.memory_space<semaphore_mem>>)
    %dma_start3A_653 = arith.constant 0 : i32
    %dma_start3A_654 = arith.constant 4 : i32
    %dma_start3A_655 = arith.constant 0 : i32
    %dma_start3A_656 = tpu.memref_slice %arg5[%dma_start3A_653, %dma_start3A_654, %dma_start3A_655] : memref<16x8x512xf32, #tpu.memory_space<vmem>> -> memref<16x1x512xf32, #tpu.memory_space<vmem>>
    %dma_start3A_657 = arith.constant 3 : i32
    %dma_start3A_658 = arith.constant 0 : i32
    %dma_start3A_659 = tpu.memref_slice %arg2[%add3A_596, %dma_start3A_657, %dma_start3A_658] : memref<4096x8x512xf32, #tpu.memory_space<hbm>> -> memref<16x1x512xf32, #tpu.memory_space<hbm>>
    %dma_start3A_660 = arith.constant 0 : i32
    %dma_start3A_661 = arith.constant 4 : i32
    %dma_start3A_662 = arith.constant 0 : i32
    %dma_start3A_663 = tpu.memref_slice %arg5[%dma_start3A_660, %dma_start3A_661, %dma_start3A_662] : memref<16x8x512xf32, #tpu.memory_space<vmem>> -> memref<16x1x512xf32, #tpu.memory_space<vmem>>
    %dma_start3A_664 = arith.constant 3 : i32
    %dma_start3A_665 = arith.constant 0 : i32
    %dma_start3A_666 = tpu.memref_slice %arg2[%add3A_596, %dma_start3A_664, %dma_start3A_665] : memref<4096x8x512xf32, #tpu.memory_space<hbm>> -> memref<16x1x512xf32, #tpu.memory_space<hbm>>
    tpu.enqueue_dma source(%dma_start3A_666 : memref<16x1x512xf32, #tpu.memory_space<hbm>>) target(%dma_start3A_663 : memref<16x1x512xf32, #tpu.memory_space<vmem>>) target_semaphore(%arg6 : memref<!tpu.dma_semaphore, #tpu.memory_space<semaphore_mem>>)
    %dma_start3A_667 = arith.constant 0 : i32
    %dma_start3A_668 = arith.constant 5 : i32
    %dma_start3A_669 = arith.constant 0 : i32
    %dma_start3A_670 = tpu.memref_slice %arg5[%dma_start3A_667, %dma_start3A_668, %dma_start3A_669] : memref<16x8x512xf32, #tpu.memory_space<vmem>> -> memref<16x1x512xf32, #tpu.memory_space<vmem>>
    %dma_start3A_671 = arith.constant 6 : i32
    %dma_start3A_672 = arith.constant 0 : i32
    %dma_start3A_673 = tpu.memref_slice %arg2[%add3A_596, %dma_start3A_671, %dma_start3A_672] : memref<4096x8x512xf32, #tpu.memory_space<hbm>> -> memref<16x1x512xf32, #tpu.memory_space<hbm>>
    %dma_start3A_674 = arith.constant 0 : i32
    %dma_start3A_675 = arith.constant 5 : i32
    %dma_start3A_676 = arith.constant 0 : i32
    %dma_start3A_677 = tpu.memref_slice %arg5[%dma_start3A_674, %dma_start3A_675, %dma_start3A_676] : memref<16x8x512xf32, #tpu.memory_space<vmem>> -> memref<16x1x512xf32, #tpu.memory_space<vmem>>
    %dma_start3A_678 = arith.constant 6 : i32
    %dma_start3A_679 = arith.constant 0 : i32
    %dma_start3A_680 = tpu.memref_slice %arg2[%add3A_596, %dma_start3A_678, %dma_start3A_679] : memref<4096x8x512xf32, #tpu.memory_space<hbm>> -> memref<16x1x512xf32, #tpu.memory_space<hbm>>
    tpu.enqueue_dma source(%dma_start3A_680 : memref<16x1x512xf32, #tpu.memory_space<hbm>>) target(%dma_start3A_677 : memref<16x1x512xf32, #tpu.memory_space<vmem>>) target_semaphore(%arg6 : memref<!tpu.dma_semaphore, #tpu.memory_space<semaphore_mem>>)
    %dma_start3A_681 = arith.constant 0 : i32
    %dma_start3A_682 = arith.constant 6 : i32
    %dma_start3A_683 = arith.constant 0 : i32
    %dma_start3A_684 = tpu.memref_slice %arg5[%dma_start3A_681, %dma_start3A_682, %dma_start3A_683] : memref<16x8x512xf32, #tpu.memory_space<vmem>> -> memref<16x1x512xf32, #tpu.memory_space<vmem>>
    %dma_start3A_685 = arith.constant 0 : i32
    %dma_start3A_686 = arith.constant 0 : i32
    %dma_start3A_687 = tpu.memref_slice %arg2[%add3A_596, %dma_start3A_685, %dma_start3A_686] : memref<4096x8x512xf32, #tpu.memory_space<hbm>> -> memref<16x1x512xf32, #tpu.memory_space<hbm>>
    %dma_start3A_688 = arith.constant 0 : i32
    %dma_start3A_689 = arith.constant 6 : i32
    %dma_start3A_690 = arith.constant 0 : i32
    %dma_start3A_691 = tpu.memref_slice %arg5[%dma_start3A_688, %dma_start3A_689, %dma_start3A_690] : memref<16x8x512xf32, #tpu.memory_space<vmem>> -> memref<16x1x512xf32, #tpu.memory_space<vmem>>
    %dma_start3A_692 = arith.constant 0 : i32
    %dma_start3A_693 = arith.constant 0 : i32
    %dma_start3A_694 = tpu.memref_slice %arg2[%add3A_596, %dma_start3A_692, %dma_start3A_693] : memref<4096x8x512xf32, #tpu.memory_space<hbm>> -> memref<16x1x512xf32, #tpu.memory_space<hbm>>
    tpu.enqueue_dma source(%dma_start3A_694 : memref<16x1x512xf32, #tpu.memory_space<hbm>>) target(%dma_start3A_691 : memref<16x1x512xf32, #tpu.memory_space<vmem>>) target_semaphore(%arg6 : memref<!tpu.dma_semaphore, #tpu.memory_space<semaphore_mem>>)
    %dma_start3A_695 = arith.constant 0 : i32
    %dma_start3A_696 = arith.constant 7 : i32
    %dma_start3A_697 = arith.constant 0 : i32
    %dma_start3A_698 = tpu.memref_slice %arg5[%dma_start3A_695, %dma_start3A_696, %dma_start3A_697] : memref<16x8x512xf32, #tpu.memory_space<vmem>> -> memref<16x1x512xf32, #tpu.memory_space<vmem>>
    %dma_start3A_699 = arith.constant 1 : i32
    %dma_start3A_700 = arith.constant 0 : i32
    %dma_start3A_701 = tpu.memref_slice %arg2[%add3A_596, %dma_start3A_699, %dma_start3A_700] : memref<4096x8x512xf32, #tpu.memory_space<hbm>> -> memref<16x1x512xf32, #tpu.memory_space<hbm>>
    %dma_start3A_702 = arith.constant 0 : i32
    %dma_start3A_703 = arith.constant 7 : i32
    %dma_start3A_704 = arith.constant 0 : i32
    %dma_start3A_705 = tpu.memref_slice %arg5[%dma_start3A_702, %dma_start3A_703, %dma_start3A_704] : memref<16x8x512xf32, #tpu.memory_space<vmem>> -> memref<16x1x512xf32, #tpu.memory_space<vmem>>
    %dma_start3A_706 = arith.constant 1 : i32
    %dma_start3A_707 = arith.constant 0 : i32
    %dma_start3A_708 = tpu.memref_slice %arg2[%add3A_596, %dma_start3A_706, %dma_start3A_707] : memref<4096x8x512xf32, #tpu.memory_space<hbm>> -> memref<16x1x512xf32, #tpu.memory_space<hbm>>
    tpu.enqueue_dma source(%dma_start3A_708 : memref<16x1x512xf32, #tpu.memory_space<hbm>>) target(%dma_start3A_705 : memref<16x1x512xf32, #tpu.memory_space<vmem>>) target_semaphore(%arg6 : memref<!tpu.dma_semaphore, #tpu.memory_space<semaphore_mem>>)
    %dma_wait3A_709 = arith.constant 0 : i32
    %dma_wait3A_710 = arith.constant 0 : i32
    %dma_wait3A_711 = arith.constant 0 : i32
    %dma_wait3A_712 = tpu.memref_slice %arg4[%dma_wait3A_709, %dma_wait3A_710, %dma_wait3A_711] : memref<16x8x512xf32, #tpu.memory_space<vmem>> -> memref<16x1x512xf32, #tpu.memory_space<vmem>>
    %dma_wait3A_713 = arith.constant 7 : i32
    %dma_wait3A_714 = arith.constant 0 : i32
    %dma_wait3A_715 = tpu.memref_slice %arg2[%add3A_356, %dma_wait3A_713, %dma_wait3A_714] : memref<4096x8x512xf32, #tpu.memory_space<hbm>> -> memref<16x1x512xf32, #tpu.memory_space<hbm>>
    %dma_wait3A_716 = arith.constant 0 : i32
    %dma_wait3A_717 = arith.constant 0 : i32
    %dma_wait3A_718 = arith.constant 0 : i32
    %dma_wait3A_719 = tpu.memref_slice %arg4[%dma_wait3A_716, %dma_wait3A_717, %dma_wait3A_718] : memref<16x8x512xf32, #tpu.memory_space<vmem>> -> memref<16x1x512xf32, #tpu.memory_space<vmem>>
    %dma_wait3A_720 = arith.constant 7 : i32
    %dma_wait3A_721 = arith.constant 0 : i32
    %dma_wait3A_722 = tpu.memref_slice %arg2[%add3A_356, %dma_wait3A_720, %dma_wait3A_721] : memref<4096x8x512xf32, #tpu.memory_space<hbm>> -> memref<16x1x512xf32, #tpu.memory_space<hbm>>
    tpu.wait_dma2 semaphore(%arg6 : memref<!tpu.dma_semaphore, #tpu.memory_space<semaphore_mem>>) src(%dma_wait3A_722 : memref<16x1x512xf32, #tpu.memory_space<hbm>>) dst(%dma_wait3A_719 : memref<16x1x512xf32, #tpu.memory_space<vmem>>)
    %dma_wait3A_723 = arith.constant 0 : i32
    %dma_wait3A_724 = arith.constant 1 : i32
    %dma_wait3A_725 = arith.constant 0 : i32
    %dma_wait3A_726 = tpu.memref_slice %arg4[%dma_wait3A_723, %dma_wait3A_724, %dma_wait3A_725] : memref<16x8x512xf32, #tpu.memory_space<vmem>> -> memref<16x1x512xf32, #tpu.memory_space<vmem>>
    %dma_wait3A_727 = arith.constant 4 : i32
    %dma_wait3A_728 = arith.constant 0 : i32
    %dma_wait3A_729 = tpu.memref_slice %arg2[%add3A_356, %dma_wait3A_727, %dma_wait3A_728] : memref<4096x8x512xf32, #tpu.memory_space<hbm>> -> memref<16x1x512xf32, #tpu.memory_space<hbm>>
    %dma_wait3A_730 = arith.constant 0 : i32
    %dma_wait3A_731 = arith.constant 1 : i32
    %dma_wait3A_732 = arith.constant 0 : i32
    %dma_wait3A_733 = tpu.memref_slice %arg4[%dma_wait3A_730, %dma_wait3A_731, %dma_wait3A_732] : memref<16x8x512xf32, #tpu.memory_space<vmem>> -> memref<16x1x512xf32, #tpu.memory_space<vmem>>
    %dma_wait3A_734 = arith.constant 4 : i32
    %dma_wait3A_735 = arith.constant 0 : i32
    %dma_wait3A_736 = tpu.memref_slice %arg2[%add3A_356, %dma_wait3A_734, %dma_wait3A_735] : memref<4096x8x512xf32, #tpu.memory_space<hbm>> -> memref<16x1x512xf32, #tpu.memory_space<hbm>>
    tpu.wait_dma2 semaphore(%arg6 : memref<!tpu.dma_semaphore, #tpu.memory_space<semaphore_mem>>) src(%dma_wait3A_736 : memref<16x1x512xf32, #tpu.memory_space<hbm>>) dst(%dma_wait3A_733 : memref<16x1x512xf32, #tpu.memory_space<vmem>>)
    %dma_wait3A_737 = arith.constant 0 : i32
    %dma_wait3A_738 = arith.constant 2 : i32
    %dma_wait3A_739 = arith.constant 0 : i32
    %dma_wait3A_740 = tpu.memref_slice %arg4[%dma_wait3A_737, %dma_wait3A_738, %dma_wait3A_739] : memref<16x8x512xf32, #tpu.memory_space<vmem>> -> memref<16x1x512xf32, #tpu.memory_space<vmem>>
    %dma_wait3A_741 = arith.constant 2 : i32
    %dma_wait3A_742 = arith.constant 0 : i32
    %dma_wait3A_743 = tpu.memref_slice %arg2[%add3A_356, %dma_wait3A_741, %dma_wait3A_742] : memref<4096x8x512xf32, #tpu.memory_space<hbm>> -> memref<16x1x512xf32, #tpu.memory_space<hbm>>
    %dma_wait3A_744 = arith.constant 0 : i32
    %dma_wait3A_745 = arith.constant 2 : i32
    %dma_wait3A_746 = arith.constant 0 : i32
    %dma_wait3A_747 = tpu.memref_slice %arg4[%dma_wait3A_744, %dma_wait3A_745, %dma_wait3A_746] : memref<16x8x512xf32, #tpu.memory_space<vmem>> -> memref<16x1x512xf32, #tpu.memory_space<vmem>>
    %dma_wait3A_748 = arith.constant 2 : i32
    %dma_wait3A_749 = arith.constant 0 : i32
    %dma_wait3A_750 = tpu.memref_slice %arg2[%add3A_356, %dma_wait3A_748, %dma_wait3A_749] : memref<4096x8x512xf32, #tpu.memory_space<hbm>> -> memref<16x1x512xf32, #tpu.memory_space<hbm>>
    tpu.wait_dma2 semaphore(%arg6 : memref<!tpu.dma_semaphore, #tpu.memory_space<semaphore_mem>>) src(%dma_wait3A_750 : memref<16x1x512xf32, #tpu.memory_space<hbm>>) dst(%dma_wait3A_747 : memref<16x1x512xf32, #tpu.memory_space<vmem>>)
    %dma_wait3A_751 = arith.constant 0 : i32
    %dma_wait3A_752 = arith.constant 3 : i32
    %dma_wait3A_753 = arith.constant 0 : i32
    %dma_wait3A_754 = tpu.memref_slice %arg4[%dma_wait3A_751, %dma_wait3A_752, %dma_wait3A_753] : memref<16x8x512xf32, #tpu.memory_space<vmem>> -> memref<16x1x512xf32, #tpu.memory_space<vmem>>
    %dma_wait3A_755 = arith.constant 5 : i32
    %dma_wait3A_756 = arith.constant 0 : i32
    %dma_wait3A_757 = tpu.memref_slice %arg2[%add3A_356, %dma_wait3A_755, %dma_wait3A_756] : memref<4096x8x512xf32, #tpu.memory_space<hbm>> -> memref<16x1x512xf32, #tpu.memory_space<hbm>>
    %dma_wait3A_758 = arith.constant 0 : i32
    %dma_wait3A_759 = arith.constant 3 : i32
    %dma_wait3A_760 = arith.constant 0 : i32
    %dma_wait3A_761 = tpu.memref_slice %arg4[%dma_wait3A_758, %dma_wait3A_759, %dma_wait3A_760] : memref<16x8x512xf32, #tpu.memory_space<vmem>> -> memref<16x1x512xf32, #tpu.memory_space<vmem>>
    %dma_wait3A_762 = arith.constant 5 : i32
    %dma_wait3A_763 = arith.constant 0 : i32
    %dma_wait3A_764 = tpu.memref_slice %arg2[%add3A_356, %dma_wait3A_762, %dma_wait3A_763] : memref<4096x8x512xf32, #tpu.memory_space<hbm>> -> memref<16x1x512xf32, #tpu.memory_space<hbm>>
    tpu.wait_dma2 semaphore(%arg6 : memref<!tpu.dma_semaphore, #tpu.memory_space<semaphore_mem>>) src(%dma_wait3A_764 : memref<16x1x512xf32, #tpu.memory_space<hbm>>) dst(%dma_wait3A_761 : memref<16x1x512xf32, #tpu.memory_space<vmem>>)
    %dma_wait3A_765 = arith.constant 0 : i32
    %dma_wait3A_766 = arith.constant 4 : i32
    %dma_wait3A_767 = arith.constant 0 : i32
    %dma_wait3A_768 = tpu.memref_slice %arg4[%dma_wait3A_765, %dma_wait3A_766, %dma_wait3A_767] : memref<16x8x512xf32, #tpu.memory_space<vmem>> -> memref<16x1x512xf32, #tpu.memory_space<vmem>>
    %dma_wait3A_769 = arith.constant 3 : i32
    %dma_wait3A_770 = arith.constant 0 : i32
    %dma_wait3A_771 = tpu.memref_slice %arg2[%add3A_356, %dma_wait3A_769, %dma_wait3A_770] : memref<4096x8x512xf32, #tpu.memory_space<hbm>> -> memref<16x1x512xf32, #tpu.memory_space<hbm>>
    %dma_wait3A_772 = arith.constant 0 : i32
    %dma_wait3A_773 = arith.constant 4 : i32
    %dma_wait3A_774 = arith.constant 0 : i32
    %dma_wait3A_775 = tpu.memref_slice %arg4[%dma_wait3A_772, %dma_wait3A_773, %dma_wait3A_774] : memref<16x8x512xf32, #tpu.memory_space<vmem>> -> memref<16x1x512xf32, #tpu.memory_space<vmem>>
    %dma_wait3A_776 = arith.constant 3 : i32
    %dma_wait3A_777 = arith.constant 0 : i32
    %dma_wait3A_778 = tpu.memref_slice %arg2[%add3A_356, %dma_wait3A_776, %dma_wait3A_777] : memref<4096x8x512xf32, #tpu.memory_space<hbm>> -> memref<16x1x512xf32, #tpu.memory_space<hbm>>
    tpu.wait_dma2 semaphore(%arg6 : memref<!tpu.dma_semaphore, #tpu.memory_space<semaphore_mem>>) src(%dma_wait3A_778 : memref<16x1x512xf32, #tpu.memory_space<hbm>>) dst(%dma_wait3A_775 : memref<16x1x512xf32, #tpu.memory_space<vmem>>)
    %dma_wait3A_779 = arith.constant 0 : i32
    %dma_wait3A_780 = arith.constant 5 : i32
    %dma_wait3A_781 = arith.constant 0 : i32
    %dma_wait3A_782 = tpu.memref_slice %arg4[%dma_wait3A_779, %dma_wait3A_780, %dma_wait3A_781] : memref<16x8x512xf32, #tpu.memory_space<vmem>> -> memref<16x1x512xf32, #tpu.memory_space<vmem>>
    %dma_wait3A_783 = arith.constant 6 : i32
    %dma_wait3A_784 = arith.constant 0 : i32
    %dma_wait3A_785 = tpu.memref_slice %arg2[%add3A_356, %dma_wait3A_783, %dma_wait3A_784] : memref<4096x8x512xf32, #tpu.memory_space<hbm>> -> memref<16x1x512xf32, #tpu.memory_space<hbm>>
    %dma_wait3A_786 = arith.constant 0 : i32
    %dma_wait3A_787 = arith.constant 5 : i32
    %dma_wait3A_788 = arith.constant 0 : i32
    %dma_wait3A_789 = tpu.memref_slice %arg4[%dma_wait3A_786, %dma_wait3A_787, %dma_wait3A_788] : memref<16x8x512xf32, #tpu.memory_space<vmem>> -> memref<16x1x512xf32, #tpu.memory_space<vmem>>
    %dma_wait3A_790 = arith.constant 6 : i32
    %dma_wait3A_791 = arith.constant 0 : i32
    %dma_wait3A_792 = tpu.memref_slice %arg2[%add3A_356, %dma_wait3A_790, %dma_wait3A_791] : memref<4096x8x512xf32, #tpu.memory_space<hbm>> -> memref<16x1x512xf32, #tpu.memory_space<hbm>>
    tpu.wait_dma2 semaphore(%arg6 : memref<!tpu.dma_semaphore, #tpu.memory_space<semaphore_mem>>) src(%dma_wait3A_792 : memref<16x1x512xf32, #tpu.memory_space<hbm>>) dst(%dma_wait3A_789 : memref<16x1x512xf32, #tpu.memory_space<vmem>>)
    %dma_wait3A_793 = arith.constant 0 : i32
    %dma_wait3A_794 = arith.constant 6 : i32
    %dma_wait3A_795 = arith.constant 0 : i32
    %dma_wait3A_796 = tpu.memref_slice %arg4[%dma_wait3A_793, %dma_wait3A_794, %dma_wait3A_795] : memref<16x8x512xf32, #tpu.memory_space<vmem>> -> memref<16x1x512xf32, #tpu.memory_space<vmem>>
    %dma_wait3A_797 = arith.constant 0 : i32
    %dma_wait3A_798 = arith.constant 0 : i32
    %dma_wait3A_799 = tpu.memref_slice %arg2[%add3A_356, %dma_wait3A_797, %dma_wait3A_798] : memref<4096x8x512xf32, #tpu.memory_space<hbm>> -> memref<16x1x512xf32, #tpu.memory_space<hbm>>
    %dma_wait3A_800 = arith.constant 0 : i32
    %dma_wait3A_801 = arith.constant 6 : i32
    %dma_wait3A_802 = arith.constant 0 : i32
    %dma_wait3A_803 = tpu.memref_slice %arg4[%dma_wait3A_800, %dma_wait3A_801, %dma_wait3A_802] : memref<16x8x512xf32, #tpu.memory_space<vmem>> -> memref<16x1x512xf32, #tpu.memory_space<vmem>>
    %dma_wait3A_804 = arith.constant 0 : i32
    %dma_wait3A_805 = arith.constant 0 : i32
    %dma_wait3A_806 = tpu.memref_slice %arg2[%add3A_356, %dma_wait3A_804, %dma_wait3A_805] : memref<4096x8x512xf32, #tpu.memory_space<hbm>> -> memref<16x1x512xf32, #tpu.memory_space<hbm>>
    tpu.wait_dma2 semaphore(%arg6 : memref<!tpu.dma_semaphore, #tpu.memory_space<semaphore_mem>>) src(%dma_wait3A_806 : memref<16x1x512xf32, #tpu.memory_space<hbm>>) dst(%dma_wait3A_803 : memref<16x1x512xf32, #tpu.memory_space<vmem>>)
    %dma_wait3A_807 = arith.constant 0 : i32
    %dma_wait3A_808 = arith.constant 7 : i32
    %dma_wait3A_809 = arith.constant 0 : i32
    %dma_wait3A_810 = tpu.memref_slice %arg4[%dma_wait3A_807, %dma_wait3A_808, %dma_wait3A_809] : memref<16x8x512xf32, #tpu.memory_space<vmem>> -> memref<16x1x512xf32, #tpu.memory_space<vmem>>
    %dma_wait3A_811 = arith.constant 1 : i32
    %dma_wait3A_812 = arith.constant 0 : i32
    %dma_wait3A_813 = tpu.memref_slice %arg2[%add3A_356, %dma_wait3A_811, %dma_wait3A_812] : memref<4096x8x512xf32, #tpu.memory_space<hbm>> -> memref<16x1x512xf32, #tpu.memory_space<hbm>>
    %dma_wait3A_814 = arith.constant 0 : i32
    %dma_wait3A_815 = arith.constant 7 : i32
    %dma_wait3A_816 = arith.constant 0 : i32
    %dma_wait3A_817 = tpu.memref_slice %arg4[%dma_wait3A_814, %dma_wait3A_815, %dma_wait3A_816] : memref<16x8x512xf32, #tpu.memory_space<vmem>> -> memref<16x1x512xf32, #tpu.memory_space<vmem>>
    %dma_wait3A_818 = arith.constant 1 : i32
    %dma_wait3A_819 = arith.constant 0 : i32
    %dma_wait3A_820 = tpu.memref_slice %arg2[%add3A_356, %dma_wait3A_818, %dma_wait3A_819] : memref<4096x8x512xf32, #tpu.memory_space<hbm>> -> memref<16x1x512xf32, #tpu.memory_space<hbm>>
    tpu.wait_dma2 semaphore(%arg6 : memref<!tpu.dma_semaphore, #tpu.memory_space<semaphore_mem>>) src(%dma_wait3A_820 : memref<16x1x512xf32, #tpu.memory_space<hbm>>) dst(%dma_wait3A_817 : memref<16x1x512xf32, #tpu.memory_space<vmem>>)
    %add3A_821 = arith.constant 32 : i32
    %add3A_822 = arith.addi %mul3A_2, %add3A_821 : i32
    %dma_start3A_823 = arith.constant 0 : i32
    %dma_start3A_824 = arith.constant 0 : i32
    %dma_start3A_825 = tpu.memref_slice %arg3[%add3A_822, %dma_start3A_823, %dma_start3A_824] : memref<4096x8x512xf32, #tpu.memory_space<hbm>> -> memref<16x8x512xf32, #tpu.memory_space<hbm>>
    %dma_start3A_826 = arith.constant 0 : i32
    %dma_start3A_827 = arith.constant 0 : i32
    %dma_start3A_828 = tpu.memref_slice %arg3[%add3A_822, %dma_start3A_826, %dma_start3A_827] : memref<4096x8x512xf32, #tpu.memory_space<hbm>> -> memref<16x8x512xf32, #tpu.memory_space<hbm>>
    tpu.enqueue_dma source(%arg4 : memref<16x8x512xf32, #tpu.memory_space<vmem>>) target(%dma_start3A_828 : memref<16x8x512xf32, #tpu.memory_space<hbm>>) target_semaphore(%arg7 : memref<!tpu.dma_semaphore, #tpu.memory_space<semaphore_mem>>)
    %dma_wait3A_829 = arith.constant 0 : i32
    %dma_wait3A_830 = arith.constant 0 : i32
    %dma_wait3A_831 = tpu.memref_slice %arg3[%add3A_822, %dma_wait3A_829, %dma_wait3A_830] : memref<4096x8x512xf32, #tpu.memory_space<hbm>> -> memref<16x8x512xf32, #tpu.memory_space<hbm>>
    %dma_wait3A_832 = arith.constant 0 : i32
    %dma_wait3A_833 = arith.constant 0 : i32
    %dma_wait3A_834 = tpu.memref_slice %arg3[%add3A_822, %dma_wait3A_832, %dma_wait3A_833] : memref<4096x8x512xf32, #tpu.memory_space<hbm>> -> memref<16x8x512xf32, #tpu.memory_space<hbm>>
    tpu.wait_dma2 semaphore(%arg7 : memref<!tpu.dma_semaphore, #tpu.memory_space<semaphore_mem>>) src(%arg4 : memref<16x8x512xf32, #tpu.memory_space<vmem>>) dst(%dma_wait3A_834 : memref<16x8x512xf32, #tpu.memory_space<hbm>>)
    %add3A_835 = arith.constant 64 : i32
    %add3A_836 = arith.addi %mul3A_2, %add3A_835 : i32
    %dma_start3A_837 = arith.constant 0 : i32
    %dma_start3A_838 = arith.constant 0 : i32
    %dma_start3A_839 = arith.constant 0 : i32
    %dma_start3A_840 = tpu.memref_slice %arg4[%dma_start3A_837, %dma_start3A_838, %dma_start3A_839] : memref<16x8x512xf32, #tpu.memory_space<vmem>> -> memref<16x1x512xf32, #tpu.memory_space<vmem>>
    %dma_start3A_841 = arith.constant 7 : i32
    %dma_start3A_842 = arith.constant 0 : i32
    %dma_start3A_843 = tpu.memref_slice %arg2[%add3A_836, %dma_start3A_841, %dma_start3A_842] : memref<4096x8x512xf32, #tpu.memory_space<hbm>> -> memref<16x1x512xf32, #tpu.memory_space<hbm>>
    %dma_start3A_844 = arith.constant 0 : i32
    %dma_start3A_845 = arith.constant 0 : i32
    %dma_start3A_846 = arith.constant 0 : i32
    %dma_start3A_847 = tpu.memref_slice %arg4[%dma_start3A_844, %dma_start3A_845, %dma_start3A_846] : memref<16x8x512xf32, #tpu.memory_space<vmem>> -> memref<16x1x512xf32, #tpu.memory_space<vmem>>
    %dma_start3A_848 = arith.constant 7 : i32
    %dma_start3A_849 = arith.constant 0 : i32
    %dma_start3A_850 = tpu.memref_slice %arg2[%add3A_836, %dma_start3A_848, %dma_start3A_849] : memref<4096x8x512xf32, #tpu.memory_space<hbm>> -> memref<16x1x512xf32, #tpu.memory_space<hbm>>
    tpu.enqueue_dma source(%dma_start3A_850 : memref<16x1x512xf32, #tpu.memory_space<hbm>>) target(%dma_start3A_847 : memref<16x1x512xf32, #tpu.memory_space<vmem>>) target_semaphore(%arg6 : memref<!tpu.dma_semaphore, #tpu.memory_space<semaphore_mem>>)
    %dma_start3A_851 = arith.constant 0 : i32
    %dma_start3A_852 = arith.constant 1 : i32
    %dma_start3A_853 = arith.constant 0 : i32
    %dma_start3A_854 = tpu.memref_slice %arg4[%dma_start3A_851, %dma_start3A_852, %dma_start3A_853] : memref<16x8x512xf32, #tpu.memory_space<vmem>> -> memref<16x1x512xf32, #tpu.memory_space<vmem>>
    %dma_start3A_855 = arith.constant 4 : i32
    %dma_start3A_856 = arith.constant 0 : i32
    %dma_start3A_857 = tpu.memref_slice %arg2[%add3A_836, %dma_start3A_855, %dma_start3A_856] : memref<4096x8x512xf32, #tpu.memory_space<hbm>> -> memref<16x1x512xf32, #tpu.memory_space<hbm>>
    %dma_start3A_858 = arith.constant 0 : i32
    %dma_start3A_859 = arith.constant 1 : i32
    %dma_start3A_860 = arith.constant 0 : i32
    %dma_start3A_861 = tpu.memref_slice %arg4[%dma_start3A_858, %dma_start3A_859, %dma_start3A_860] : memref<16x8x512xf32, #tpu.memory_space<vmem>> -> memref<16x1x512xf32, #tpu.memory_space<vmem>>
    %dma_start3A_862 = arith.constant 4 : i32
    %dma_start3A_863 = arith.constant 0 : i32
    %dma_start3A_864 = tpu.memref_slice %arg2[%add3A_836, %dma_start3A_862, %dma_start3A_863] : memref<4096x8x512xf32, #tpu.memory_space<hbm>> -> memref<16x1x512xf32, #tpu.memory_space<hbm>>
    tpu.enqueue_dma source(%dma_start3A_864 : memref<16x1x512xf32, #tpu.memory_space<hbm>>) target(%dma_start3A_861 : memref<16x1x512xf32, #tpu.memory_space<vmem>>) target_semaphore(%arg6 : memref<!tpu.dma_semaphore, #tpu.memory_space<semaphore_mem>>)
    %dma_start3A_865 = arith.constant 0 : i32
    %dma_start3A_866 = arith.constant 2 : i32
    %dma_start3A_867 = arith.constant 0 : i32
    %dma_start3A_868 = tpu.memref_slice %arg4[%dma_start3A_865, %dma_start3A_866, %dma_start3A_867] : memref<16x8x512xf32, #tpu.memory_space<vmem>> -> memref<16x1x512xf32, #tpu.memory_space<vmem>>
    %dma_start3A_869 = arith.constant 2 : i32
    %dma_start3A_870 = arith.constant 0 : i32
    %dma_start3A_871 = tpu.memref_slice %arg2[%add3A_836, %dma_start3A_869, %dma_start3A_870] : memref<4096x8x512xf32, #tpu.memory_space<hbm>> -> memref<16x1x512xf32, #tpu.memory_space<hbm>>
    %dma_start3A_872 = arith.constant 0 : i32
    %dma_start3A_873 = arith.constant 2 : i32
    %dma_start3A_874 = arith.constant 0 : i32
    %dma_start3A_875 = tpu.memref_slice %arg4[%dma_start3A_872, %dma_start3A_873, %dma_start3A_874] : memref<16x8x512xf32, #tpu.memory_space<vmem>> -> memref<16x1x512xf32, #tpu.memory_space<vmem>>
    %dma_start3A_876 = arith.constant 2 : i32
    %dma_start3A_877 = arith.constant 0 : i32
    %dma_start3A_878 = tpu.memref_slice %arg2[%add3A_836, %dma_start3A_876, %dma_start3A_877] : memref<4096x8x512xf32, #tpu.memory_space<hbm>> -> memref<16x1x512xf32, #tpu.memory_space<hbm>>
    tpu.enqueue_dma source(%dma_start3A_878 : memref<16x1x512xf32, #tpu.memory_space<hbm>>) target(%dma_start3A_875 : memref<16x1x512xf32, #tpu.memory_space<vmem>>) target_semaphore(%arg6 : memref<!tpu.dma_semaphore, #tpu.memory_space<semaphore_mem>>)
    %dma_start3A_879 = arith.constant 0 : i32
    %dma_start3A_880 = arith.constant 3 : i32
    %dma_start3A_881 = arith.constant 0 : i32
    %dma_start3A_882 = tpu.memref_slice %arg4[%dma_start3A_879, %dma_start3A_880, %dma_start3A_881] : memref<16x8x512xf32, #tpu.memory_space<vmem>> -> memref<16x1x512xf32, #tpu.memory_space<vmem>>
    %dma_start3A_883 = arith.constant 5 : i32
    %dma_start3A_884 = arith.constant 0 : i32
    %dma_start3A_885 = tpu.memref_slice %arg2[%add3A_836, %dma_start3A_883, %dma_start3A_884] : memref<4096x8x512xf32, #tpu.memory_space<hbm>> -> memref<16x1x512xf32, #tpu.memory_space<hbm>>
    %dma_start3A_886 = arith.constant 0 : i32
    %dma_start3A_887 = arith.constant 3 : i32
    %dma_start3A_888 = arith.constant 0 : i32
    %dma_start3A_889 = tpu.memref_slice %arg4[%dma_start3A_886, %dma_start3A_887, %dma_start3A_888] : memref<16x8x512xf32, #tpu.memory_space<vmem>> -> memref<16x1x512xf32, #tpu.memory_space<vmem>>
    %dma_start3A_890 = arith.constant 5 : i32
    %dma_start3A_891 = arith.constant 0 : i32
    %dma_start3A_892 = tpu.memref_slice %arg2[%add3A_836, %dma_start3A_890, %dma_start3A_891] : memref<4096x8x512xf32, #tpu.memory_space<hbm>> -> memref<16x1x512xf32, #tpu.memory_space<hbm>>
    tpu.enqueue_dma source(%dma_start3A_892 : memref<16x1x512xf32, #tpu.memory_space<hbm>>) target(%dma_start3A_889 : memref<16x1x512xf32, #tpu.memory_space<vmem>>) target_semaphore(%arg6 : memref<!tpu.dma_semaphore, #tpu.memory_space<semaphore_mem>>)
    %dma_start3A_893 = arith.constant 0 : i32
    %dma_start3A_894 = arith.constant 4 : i32
    %dma_start3A_895 = arith.constant 0 : i32
    %dma_start3A_896 = tpu.memref_slice %arg4[%dma_start3A_893, %dma_start3A_894, %dma_start3A_895] : memref<16x8x512xf32, #tpu.memory_space<vmem>> -> memref<16x1x512xf32, #tpu.memory_space<vmem>>
    %dma_start3A_897 = arith.constant 3 : i32
    %dma_start3A_898 = arith.constant 0 : i32
    %dma_start3A_899 = tpu.memref_slice %arg2[%add3A_836, %dma_start3A_897, %dma_start3A_898] : memref<4096x8x512xf32, #tpu.memory_space<hbm>> -> memref<16x1x512xf32, #tpu.memory_space<hbm>>
    %dma_start3A_900 = arith.constant 0 : i32
    %dma_start3A_901 = arith.constant 4 : i32
    %dma_start3A_902 = arith.constant 0 : i32
    %dma_start3A_903 = tpu.memref_slice %arg4[%dma_start3A_900, %dma_start3A_901, %dma_start3A_902] : memref<16x8x512xf32, #tpu.memory_space<vmem>> -> memref<16x1x512xf32, #tpu.memory_space<vmem>>
    %dma_start3A_904 = arith.constant 3 : i32
    %dma_start3A_905 = arith.constant 0 : i32
    %dma_start3A_906 = tpu.memref_slice %arg2[%add3A_836, %dma_start3A_904, %dma_start3A_905] : memref<4096x8x512xf32, #tpu.memory_space<hbm>> -> memref<16x1x512xf32, #tpu.memory_space<hbm>>
    tpu.enqueue_dma source(%dma_start3A_906 : memref<16x1x512xf32, #tpu.memory_space<hbm>>) target(%dma_start3A_903 : memref<16x1x512xf32, #tpu.memory_space<vmem>>) target_semaphore(%arg6 : memref<!tpu.dma_semaphore, #tpu.memory_space<semaphore_mem>>)
    %dma_start3A_907 = arith.constant 0 : i32
    %dma_start3A_908 = arith.constant 5 : i32
    %dma_start3A_909 = arith.constant 0 : i32
    %dma_start3A_910 = tpu.memref_slice %arg4[%dma_start3A_907, %dma_start3A_908, %dma_start3A_909] : memref<16x8x512xf32, #tpu.memory_space<vmem>> -> memref<16x1x512xf32, #tpu.memory_space<vmem>>
    %dma_start3A_911 = arith.constant 6 : i32
    %dma_start3A_912 = arith.constant 0 : i32
    %dma_start3A_913 = tpu.memref_slice %arg2[%add3A_836, %dma_start3A_911, %dma_start3A_912] : memref<4096x8x512xf32, #tpu.memory_space<hbm>> -> memref<16x1x512xf32, #tpu.memory_space<hbm>>
    %dma_start3A_914 = arith.constant 0 : i32
    %dma_start3A_915 = arith.constant 5 : i32
    %dma_start3A_916 = arith.constant 0 : i32
    %dma_start3A_917 = tpu.memref_slice %arg4[%dma_start3A_914, %dma_start3A_915, %dma_start3A_916] : memref<16x8x512xf32, #tpu.memory_space<vmem>> -> memref<16x1x512xf32, #tpu.memory_space<vmem>>
    %dma_start3A_918 = arith.constant 6 : i32
    %dma_start3A_919 = arith.constant 0 : i32
    %dma_start3A_920 = tpu.memref_slice %arg2[%add3A_836, %dma_start3A_918, %dma_start3A_919] : memref<4096x8x512xf32, #tpu.memory_space<hbm>> -> memref<16x1x512xf32, #tpu.memory_space<hbm>>
    tpu.enqueue_dma source(%dma_start3A_920 : memref<16x1x512xf32, #tpu.memory_space<hbm>>) target(%dma_start3A_917 : memref<16x1x512xf32, #tpu.memory_space<vmem>>) target_semaphore(%arg6 : memref<!tpu.dma_semaphore, #tpu.memory_space<semaphore_mem>>)
    %dma_start3A_921 = arith.constant 0 : i32
    %dma_start3A_922 = arith.constant 6 : i32
    %dma_start3A_923 = arith.constant 0 : i32
    %dma_start3A_924 = tpu.memref_slice %arg4[%dma_start3A_921, %dma_start3A_922, %dma_start3A_923] : memref<16x8x512xf32, #tpu.memory_space<vmem>> -> memref<16x1x512xf32, #tpu.memory_space<vmem>>
    %dma_start3A_925 = arith.constant 0 : i32
    %dma_start3A_926 = arith.constant 0 : i32
    %dma_start3A_927 = tpu.memref_slice %arg2[%add3A_836, %dma_start3A_925, %dma_start3A_926] : memref<4096x8x512xf32, #tpu.memory_space<hbm>> -> memref<16x1x512xf32, #tpu.memory_space<hbm>>
    %dma_start3A_928 = arith.constant 0 : i32
    %dma_start3A_929 = arith.constant 6 : i32
    %dma_start3A_930 = arith.constant 0 : i32
    %dma_start3A_931 = tpu.memref_slice %arg4[%dma_start3A_928, %dma_start3A_929, %dma_start3A_930] : memref<16x8x512xf32, #tpu.memory_space<vmem>> -> memref<16x1x512xf32, #tpu.memory_space<vmem>>
    %dma_start3A_932 = arith.constant 0 : i32
    %dma_start3A_933 = arith.constant 0 : i32
    %dma_start3A_934 = tpu.memref_slice %arg2[%add3A_836, %dma_start3A_932, %dma_start3A_933] : memref<4096x8x512xf32, #tpu.memory_space<hbm>> -> memref<16x1x512xf32, #tpu.memory_space<hbm>>
    tpu.enqueue_dma source(%dma_start3A_934 : memref<16x1x512xf32, #tpu.memory_space<hbm>>) target(%dma_start3A_931 : memref<16x1x512xf32, #tpu.memory_space<vmem>>) target_semaphore(%arg6 : memref<!tpu.dma_semaphore, #tpu.memory_space<semaphore_mem>>)
    %dma_start3A_935 = arith.constant 0 : i32
    %dma_start3A_936 = arith.constant 7 : i32
    %dma_start3A_937 = arith.constant 0 : i32
    %dma_start3A_938 = tpu.memref_slice %arg4[%dma_start3A_935, %dma_start3A_936, %dma_start3A_937] : memref<16x8x512xf32, #tpu.memory_space<vmem>> -> memref<16x1x512xf32, #tpu.memory_space<vmem>>
    %dma_start3A_939 = arith.constant 1 : i32
    %dma_start3A_940 = arith.constant 0 : i32
    %dma_start3A_941 = tpu.memref_slice %arg2[%add3A_836, %dma_start3A_939, %dma_start3A_940] : memref<4096x8x512xf32, #tpu.memory_space<hbm>> -> memref<16x1x512xf32, #tpu.memory_space<hbm>>
    %dma_start3A_942 = arith.constant 0 : i32
    %dma_start3A_943 = arith.constant 7 : i32
    %dma_start3A_944 = arith.constant 0 : i32
    %dma_start3A_945 = tpu.memref_slice %arg4[%dma_start3A_942, %dma_start3A_943, %dma_start3A_944] : memref<16x8x512xf32, #tpu.memory_space<vmem>> -> memref<16x1x512xf32, #tpu.memory_space<vmem>>
    %dma_start3A_946 = arith.constant 1 : i32
    %dma_start3A_947 = arith.constant 0 : i32
    %dma_start3A_948 = tpu.memref_slice %arg2[%add3A_836, %dma_start3A_946, %dma_start3A_947] : memref<4096x8x512xf32, #tpu.memory_space<hbm>> -> memref<16x1x512xf32, #tpu.memory_space<hbm>>
    tpu.enqueue_dma source(%dma_start3A_948 : memref<16x1x512xf32, #tpu.memory_space<hbm>>) target(%dma_start3A_945 : memref<16x1x512xf32, #tpu.memory_space<vmem>>) target_semaphore(%arg6 : memref<!tpu.dma_semaphore, #tpu.memory_space<semaphore_mem>>)
    %dma_wait3A_949 = arith.constant 0 : i32
    %dma_wait3A_950 = arith.constant 0 : i32
    %dma_wait3A_951 = arith.constant 0 : i32
    %dma_wait3A_952 = tpu.memref_slice %arg5[%dma_wait3A_949, %dma_wait3A_950, %dma_wait3A_951] : memref<16x8x512xf32, #tpu.memory_space<vmem>> -> memref<16x1x512xf32, #tpu.memory_space<vmem>>
    %dma_wait3A_953 = arith.constant 7 : i32
    %dma_wait3A_954 = arith.constant 0 : i32
    %dma_wait3A_955 = tpu.memref_slice %arg2[%add3A_596, %dma_wait3A_953, %dma_wait3A_954] : memref<4096x8x512xf32, #tpu.memory_space<hbm>> -> memref<16x1x512xf32, #tpu.memory_space<hbm>>
    %dma_wait3A_956 = arith.constant 0 : i32
    %dma_wait3A_957 = arith.constant 0 : i32
    %dma_wait3A_958 = arith.constant 0 : i32
    %dma_wait3A_959 = tpu.memref_slice %arg5[%dma_wait3A_956, %dma_wait3A_957, %dma_wait3A_958] : memref<16x8x512xf32, #tpu.memory_space<vmem>> -> memref<16x1x512xf32, #tpu.memory_space<vmem>>
    %dma_wait3A_960 = arith.constant 7 : i32
    %dma_wait3A_961 = arith.constant 0 : i32
    %dma_wait3A_962 = tpu.memref_slice %arg2[%add3A_596, %dma_wait3A_960, %dma_wait3A_961] : memref<4096x8x512xf32, #tpu.memory_space<hbm>> -> memref<16x1x512xf32, #tpu.memory_space<hbm>>
    tpu.wait_dma2 semaphore(%arg6 : memref<!tpu.dma_semaphore, #tpu.memory_space<semaphore_mem>>) src(%dma_wait3A_962 : memref<16x1x512xf32, #tpu.memory_space<hbm>>) dst(%dma_wait3A_959 : memref<16x1x512xf32, #tpu.memory_space<vmem>>)
    %dma_wait3A_963 = arith.constant 0 : i32
    %dma_wait3A_964 = arith.constant 1 : i32
    %dma_wait3A_965 = arith.constant 0 : i32
    %dma_wait3A_966 = tpu.memref_slice %arg5[%dma_wait3A_963, %dma_wait3A_964, %dma_wait3A_965] : memref<16x8x512xf32, #tpu.memory_space<vmem>> -> memref<16x1x512xf32, #tpu.memory_space<vmem>>
    %dma_wait3A_967 = arith.constant 4 : i32
    %dma_wait3A_968 = arith.constant 0 : i32
    %dma_wait3A_969 = tpu.memref_slice %arg2[%add3A_596, %dma_wait3A_967, %dma_wait3A_968] : memref<4096x8x512xf32, #tpu.memory_space<hbm>> -> memref<16x1x512xf32, #tpu.memory_space<hbm>>
    %dma_wait3A_970 = arith.constant 0 : i32
    %dma_wait3A_971 = arith.constant 1 : i32
    %dma_wait3A_972 = arith.constant 0 : i32
    %dma_wait3A_973 = tpu.memref_slice %arg5[%dma_wait3A_970, %dma_wait3A_971, %dma_wait3A_972] : memref<16x8x512xf32, #tpu.memory_space<vmem>> -> memref<16x1x512xf32, #tpu.memory_space<vmem>>
    %dma_wait3A_974 = arith.constant 4 : i32
    %dma_wait3A_975 = arith.constant 0 : i32
    %dma_wait3A_976 = tpu.memref_slice %arg2[%add3A_596, %dma_wait3A_974, %dma_wait3A_975] : memref<4096x8x512xf32, #tpu.memory_space<hbm>> -> memref<16x1x512xf32, #tpu.memory_space<hbm>>
    tpu.wait_dma2 semaphore(%arg6 : memref<!tpu.dma_semaphore, #tpu.memory_space<semaphore_mem>>) src(%dma_wait3A_976 : memref<16x1x512xf32, #tpu.memory_space<hbm>>) dst(%dma_wait3A_973 : memref<16x1x512xf32, #tpu.memory_space<vmem>>)
    %dma_wait3A_977 = arith.constant 0 : i32
    %dma_wait3A_978 = arith.constant 2 : i32
    %dma_wait3A_979 = arith.constant 0 : i32
    %dma_wait3A_980 = tpu.memref_slice %arg5[%dma_wait3A_977, %dma_wait3A_978, %dma_wait3A_979] : memref<16x8x512xf32, #tpu.memory_space<vmem>> -> memref<16x1x512xf32, #tpu.memory_space<vmem>>
    %dma_wait3A_981 = arith.constant 2 : i32
    %dma_wait3A_982 = arith.constant 0 : i32
    %dma_wait3A_983 = tpu.memref_slice %arg2[%add3A_596, %dma_wait3A_981, %dma_wait3A_982] : memref<4096x8x512xf32, #tpu.memory_space<hbm>> -> memref<16x1x512xf32, #tpu.memory_space<hbm>>
    %dma_wait3A_984 = arith.constant 0 : i32
    %dma_wait3A_985 = arith.constant 2 : i32
    %dma_wait3A_986 = arith.constant 0 : i32
    %dma_wait3A_987 = tpu.memref_slice %arg5[%dma_wait3A_984, %dma_wait3A_985, %dma_wait3A_986] : memref<16x8x512xf32, #tpu.memory_space<vmem>> -> memref<16x1x512xf32, #tpu.memory_space<vmem>>
    %dma_wait3A_988 = arith.constant 2 : i32
    %dma_wait3A_989 = arith.constant 0 : i32
    %dma_wait3A_990 = tpu.memref_slice %arg2[%add3A_596, %dma_wait3A_988, %dma_wait3A_989] : memref<4096x8x512xf32, #tpu.memory_space<hbm>> -> memref<16x1x512xf32, #tpu.memory_space<hbm>>
    tpu.wait_dma2 semaphore(%arg6 : memref<!tpu.dma_semaphore, #tpu.memory_space<semaphore_mem>>) src(%dma_wait3A_990 : memref<16x1x512xf32, #tpu.memory_space<hbm>>) dst(%dma_wait3A_987 : memref<16x1x512xf32, #tpu.memory_space<vmem>>)
    %dma_wait3A_991 = arith.constant 0 : i32
    %dma_wait3A_992 = arith.constant 3 : i32
    %dma_wait3A_993 = arith.constant 0 : i32
    %dma_wait3A_994 = tpu.memref_slice %arg5[%dma_wait3A_991, %dma_wait3A_992, %dma_wait3A_993] : memref<16x8x512xf32, #tpu.memory_space<vmem>> -> memref<16x1x512xf32, #tpu.memory_space<vmem>>
    %dma_wait3A_995 = arith.constant 5 : i32
    %dma_wait3A_996 = arith.constant 0 : i32
    %dma_wait3A_997 = tpu.memref_slice %arg2[%add3A_596, %dma_wait3A_995, %dma_wait3A_996] : memref<4096x8x512xf32, #tpu.memory_space<hbm>> -> memref<16x1x512xf32, #tpu.memory_space<hbm>>
    %dma_wait3A_998 = arith.constant 0 : i32
    %dma_wait3A_999 = arith.constant 3 : i32
    %dma_wait3A_1000 = arith.constant 0 : i32
    %dma_wait3A_1001 = tpu.memref_slice %arg5[%dma_wait3A_998, %dma_wait3A_999, %dma_wait3A_1000] : memref<16x8x512xf32, #tpu.memory_space<vmem>> -> memref<16x1x512xf32, #tpu.memory_space<vmem>>
    %dma_wait3A_1002 = arith.constant 5 : i32
    %dma_wait3A_1003 = arith.constant 0 : i32
    %dma_wait3A_1004 = tpu.memref_slice %arg2[%add3A_596, %dma_wait3A_1002, %dma_wait3A_1003] : memref<4096x8x512xf32, #tpu.memory_space<hbm>> -> memref<16x1x512xf32, #tpu.memory_space<hbm>>
    tpu.wait_dma2 semaphore(%arg6 : memref<!tpu.dma_semaphore, #tpu.memory_space<semaphore_mem>>) src(%dma_wait3A_1004 : memref<16x1x512xf32, #tpu.memory_space<hbm>>) dst(%dma_wait3A_1001 : memref<16x1x512xf32, #tpu.memory_space<vmem>>)
    %dma_wait3A_1005 = arith.constant 0 : i32
    %dma_wait3A_1006 = arith.constant 4 : i32
    %dma_wait3A_1007 = arith.constant 0 : i32
    %dma_wait3A_1008 = tpu.memref_slice %arg5[%dma_wait3A_1005, %dma_wait3A_1006, %dma_wait3A_1007] : memref<16x8x512xf32, #tpu.memory_space<vmem>> -> memref<16x1x512xf32, #tpu.memory_space<vmem>>
    %dma_wait3A_1009 = arith.constant 3 : i32
    %dma_wait3A_1010 = arith.constant 0 : i32
    %dma_wait3A_1011 = tpu.memref_slice %arg2[%add3A_596, %dma_wait3A_1009, %dma_wait3A_1010] : memref<4096x8x512xf32, #tpu.memory_space<hbm>> -> memref<16x1x512xf32, #tpu.memory_space<hbm>>
    %dma_wait3A_1012 = arith.constant 0 : i32
    %dma_wait3A_1013 = arith.constant 4 : i32
    %dma_wait3A_1014 = arith.constant 0 : i32
    %dma_wait3A_1015 = tpu.memref_slice %arg5[%dma_wait3A_1012, %dma_wait3A_1013, %dma_wait3A_1014] : memref<16x8x512xf32, #tpu.memory_space<vmem>> -> memref<16x1x512xf32, #tpu.memory_space<vmem>>
    %dma_wait3A_1016 = arith.constant 3 : i32
    %dma_wait3A_1017 = arith.constant 0 : i32
    %dma_wait3A_1018 = tpu.memref_slice %arg2[%add3A_596, %dma_wait3A_1016, %dma_wait3A_1017] : memref<4096x8x512xf32, #tpu.memory_space<hbm>> -> memref<16x1x512xf32, #tpu.memory_space<hbm>>
    tpu.wait_dma2 semaphore(%arg6 : memref<!tpu.dma_semaphore, #tpu.memory_space<semaphore_mem>>) src(%dma_wait3A_1018 : memref<16x1x512xf32, #tpu.memory_space<hbm>>) dst(%dma_wait3A_1015 : memref<16x1x512xf32, #tpu.memory_space<vmem>>)
    %dma_wait3A_1019 = arith.constant 0 : i32
    %dma_wait3A_1020 = arith.constant 5 : i32
    %dma_wait3A_1021 = arith.constant 0 : i32
    %dma_wait3A_1022 = tpu.memref_slice %arg5[%dma_wait3A_1019, %dma_wait3A_1020, %dma_wait3A_1021] : memref<16x8x512xf32, #tpu.memory_space<vmem>> -> memref<16x1x512xf32, #tpu.memory_space<vmem>>
    %dma_wait3A_1023 = arith.constant 6 : i32
    %dma_wait3A_1024 = arith.constant 0 : i32
    %dma_wait3A_1025 = tpu.memref_slice %arg2[%add3A_596, %dma_wait3A_1023, %dma_wait3A_1024] : memref<4096x8x512xf32, #tpu.memory_space<hbm>> -> memref<16x1x512xf32, #tpu.memory_space<hbm>>
    %dma_wait3A_1026 = arith.constant 0 : i32
    %dma_wait3A_1027 = arith.constant 5 : i32
    %dma_wait3A_1028 = arith.constant 0 : i32
    %dma_wait3A_1029 = tpu.memref_slice %arg5[%dma_wait3A_1026, %dma_wait3A_1027, %dma_wait3A_1028] : memref<16x8x512xf32, #tpu.memory_space<vmem>> -> memref<16x1x512xf32, #tpu.memory_space<vmem>>
    %dma_wait3A_1030 = arith.constant 6 : i32
    %dma_wait3A_1031 = arith.constant 0 : i32
    %dma_wait3A_1032 = tpu.memref_slice %arg2[%add3A_596, %dma_wait3A_1030, %dma_wait3A_1031] : memref<4096x8x512xf32, #tpu.memory_space<hbm>> -> memref<16x1x512xf32, #tpu.memory_space<hbm>>
    tpu.wait_dma2 semaphore(%arg6 : memref<!tpu.dma_semaphore, #tpu.memory_space<semaphore_mem>>) src(%dma_wait3A_1032 : memref<16x1x512xf32, #tpu.memory_space<hbm>>) dst(%dma_wait3A_1029 : memref<16x1x512xf32, #tpu.memory_space<vmem>>)
    %dma_wait3A_1033 = arith.constant 0 : i32
    %dma_wait3A_1034 = arith.constant 6 : i32
    %dma_wait3A_1035 = arith.constant 0 : i32
    %dma_wait3A_1036 = tpu.memref_slice %arg5[%dma_wait3A_1033, %dma_wait3A_1034, %dma_wait3A_1035] : memref<16x8x512xf32, #tpu.memory_space<vmem>> -> memref<16x1x512xf32, #tpu.memory_space<vmem>>
    %dma_wait3A_1037 = arith.constant 0 : i32
    %dma_wait3A_1038 = arith.constant 0 : i32
    %dma_wait3A_1039 = tpu.memref_slice %arg2[%add3A_596, %dma_wait3A_1037, %dma_wait3A_1038] : memref<4096x8x512xf32, #tpu.memory_space<hbm>> -> memref<16x1x512xf32, #tpu.memory_space<hbm>>
    %dma_wait3A_1040 = arith.constant 0 : i32
    %dma_wait3A_1041 = arith.constant 6 : i32
    %dma_wait3A_1042 = arith.constant 0 : i32
    %dma_wait3A_1043 = tpu.memref_slice %arg5[%dma_wait3A_1040, %dma_wait3A_1041, %dma_wait3A_1042] : memref<16x8x512xf32, #tpu.memory_space<vmem>> -> memref<16x1x512xf32, #tpu.memory_space<vmem>>
    %dma_wait3A_1044 = arith.constant 0 : i32
    %dma_wait3A_1045 = arith.constant 0 : i32
    %dma_wait3A_1046 = tpu.memref_slice %arg2[%add3A_596, %dma_wait3A_1044, %dma_wait3A_1045] : memref<4096x8x512xf32, #tpu.memory_space<hbm>> -> memref<16x1x512xf32, #tpu.memory_space<hbm>>
    tpu.wait_dma2 semaphore(%arg6 : memref<!tpu.dma_semaphore, #tpu.memory_space<semaphore_mem>>) src(%dma_wait3A_1046 : memref<16x1x512xf32, #tpu.memory_space<hbm>>) dst(%dma_wait3A_1043 : memref<16x1x512xf32, #tpu.memory_space<vmem>>)
    %dma_wait3A_1047 = arith.constant 0 : i32
    %dma_wait3A_1048 = arith.constant 7 : i32
    %dma_wait3A_1049 = arith.constant 0 : i32
    %dma_wait3A_1050 = tpu.memref_slice %arg5[%dma_wait3A_1047, %dma_wait3A_1048, %dma_wait3A_1049] : memref<16x8x512xf32, #tpu.memory_space<vmem>> -> memref<16x1x512xf32, #tpu.memory_space<vmem>>
    %dma_wait3A_1051 = arith.constant 1 : i32
    %dma_wait3A_1052 = arith.constant 0 : i32
    %dma_wait3A_1053 = tpu.memref_slice %arg2[%add3A_596, %dma_wait3A_1051, %dma_wait3A_1052] : memref<4096x8x512xf32, #tpu.memory_space<hbm>> -> memref<16x1x512xf32, #tpu.memory_space<hbm>>
    %dma_wait3A_1054 = arith.constant 0 : i32
    %dma_wait3A_1055 = arith.constant 7 : i32
    %dma_wait3A_1056 = arith.constant 0 : i32
    %dma_wait3A_1057 = tpu.memref_slice %arg5[%dma_wait3A_1054, %dma_wait3A_1055, %dma_wait3A_1056] : memref<16x8x512xf32, #tpu.memory_space<vmem>> -> memref<16x1x512xf32, #tpu.memory_space<vmem>>
    %dma_wait3A_1058 = arith.constant 1 : i32
    %dma_wait3A_1059 = arith.constant 0 : i32
    %dma_wait3A_1060 = tpu.memref_slice %arg2[%add3A_596, %dma_wait3A_1058, %dma_wait3A_1059] : memref<4096x8x512xf32, #tpu.memory_space<hbm>> -> memref<16x1x512xf32, #tpu.memory_space<hbm>>
    tpu.wait_dma2 semaphore(%arg6 : memref<!tpu.dma_semaphore, #tpu.memory_space<semaphore_mem>>) src(%dma_wait3A_1060 : memref<16x1x512xf32, #tpu.memory_space<hbm>>) dst(%dma_wait3A_1057 : memref<16x1x512xf32, #tpu.memory_space<vmem>>)
    %add3A_1061 = arith.constant 48 : i32
    %add3A_1062 = arith.addi %mul3A_2, %add3A_1061 : i32
    %dma_start3A_1063 = arith.constant 0 : i32
    %dma_start3A_1064 = arith.constant 0 : i32
    %dma_start3A_1065 = tpu.memref_slice %arg3[%add3A_1062, %dma_start3A_1063, %dma_start3A_1064] : memref<4096x8x512xf32, #tpu.memory_space<hbm>> -> memref<16x8x512xf32, #tpu.memory_space<hbm>>
    %dma_start3A_1066 = arith.constant 0 : i32
    %dma_start3A_1067 = arith.constant 0 : i32
    %dma_start3A_1068 = tpu.memref_slice %arg3[%add3A_1062, %dma_start3A_1066, %dma_start3A_1067] : memref<4096x8x512xf32, #tpu.memory_space<hbm>> -> memref<16x8x512xf32, #tpu.memory_space<hbm>>
    tpu.enqueue_dma source(%arg5 : memref<16x8x512xf32, #tpu.memory_space<vmem>>) target(%dma_start3A_1068 : memref<16x8x512xf32, #tpu.memory_space<hbm>>) target_semaphore(%arg7 : memref<!tpu.dma_semaphore, #tpu.memory_space<semaphore_mem>>)
    %dma_wait3A_1069 = arith.constant 0 : i32
    %dma_wait3A_1070 = arith.constant 0 : i32
    %dma_wait3A_1071 = tpu.memref_slice %arg3[%add3A_1062, %dma_wait3A_1069, %dma_wait3A_1070] : memref<4096x8x512xf32, #tpu.memory_space<hbm>> -> memref<16x8x512xf32, #tpu.memory_space<hbm>>
    %dma_wait3A_1072 = arith.constant 0 : i32
    %dma_wait3A_1073 = arith.constant 0 : i32
    %dma_wait3A_1074 = tpu.memref_slice %arg3[%add3A_1062, %dma_wait3A_1072, %dma_wait3A_1073] : memref<4096x8x512xf32, #tpu.memory_space<hbm>> -> memref<16x8x512xf32, #tpu.memory_space<hbm>>
    tpu.wait_dma2 semaphore(%arg7 : memref<!tpu.dma_semaphore, #tpu.memory_space<semaphore_mem>>) src(%arg5 : memref<16x8x512xf32, #tpu.memory_space<vmem>>) dst(%dma_wait3A_1074 : memref<16x8x512xf32, #tpu.memory_space<hbm>>)
    %add3A_1075 = arith.constant 80 : i32
    %add3A_1076 = arith.addi %mul3A_2, %add3A_1075 : i32
    %dma_start3A_1077 = arith.constant 0 : i32
    %dma_start3A_1078 = arith.constant 0 : i32
    %dma_start3A_1079 = arith.constant 0 : i32
    %dma_start3A_1080 = tpu.memref_slice %arg5[%dma_start3A_1077, %dma_start3A_1078, %dma_start3A_1079] : memref<16x8x512xf32, #tpu.memory_space<vmem>> -> memref<16x1x512xf32, #tpu.memory_space<vmem>>
    %dma_start3A_1081 = arith.constant 7 : i32
    %dma_start3A_1082 = arith.constant 0 : i32
    %dma_start3A_1083 = tpu.memref_slice %arg2[%add3A_1076, %dma_start3A_1081, %dma_start3A_1082] : memref<4096x8x512xf32, #tpu.memory_space<hbm>> -> memref<16x1x512xf32, #tpu.memory_space<hbm>>
    %dma_start3A_1084 = arith.constant 0 : i32
    %dma_start3A_1085 = arith.constant 0 : i32
    %dma_start3A_1086 = arith.constant 0 : i32
    %dma_start3A_1087 = tpu.memref_slice %arg5[%dma_start3A_1084, %dma_start3A_1085, %dma_start3A_1086] : memref<16x8x512xf32, #tpu.memory_space<vmem>> -> memref<16x1x512xf32, #tpu.memory_space<vmem>>
    %dma_start3A_1088 = arith.constant 7 : i32
    %dma_start3A_1089 = arith.constant 0 : i32
    %dma_start3A_1090 = tpu.memref_slice %arg2[%add3A_1076, %dma_start3A_1088, %dma_start3A_1089] : memref<4096x8x512xf32, #tpu.memory_space<hbm>> -> memref<16x1x512xf32, #tpu.memory_space<hbm>>
    tpu.enqueue_dma source(%dma_start3A_1090 : memref<16x1x512xf32, #tpu.memory_space<hbm>>) target(%dma_start3A_1087 : memref<16x1x512xf32, #tpu.memory_space<vmem>>) target_semaphore(%arg6 : memref<!tpu.dma_semaphore, #tpu.memory_space<semaphore_mem>>)
    %dma_start3A_1091 = arith.constant 0 : i32
    %dma_start3A_1092 = arith.constant 1 : i32
    %dma_start3A_1093 = arith.constant 0 : i32
    %dma_start3A_1094 = tpu.memref_slice %arg5[%dma_start3A_1091, %dma_start3A_1092, %dma_start3A_1093] : memref<16x8x512xf32, #tpu.memory_space<vmem>> -> memref<16x1x512xf32, #tpu.memory_space<vmem>>
    %dma_start3A_1095 = arith.constant 4 : i32
    %dma_start3A_1096 = arith.constant 0 : i32
    %dma_start3A_1097 = tpu.memref_slice %arg2[%add3A_1076, %dma_start3A_1095, %dma_start3A_1096] : memref<4096x8x512xf32, #tpu.memory_space<hbm>> -> memref<16x1x512xf32, #tpu.memory_space<hbm>>
    %dma_start3A_1098 = arith.constant 0 : i32
    %dma_start3A_1099 = arith.constant 1 : i32
    %dma_start3A_1100 = arith.constant 0 : i32
    %dma_start3A_1101 = tpu.memref_slice %arg5[%dma_start3A_1098, %dma_start3A_1099, %dma_start3A_1100] : memref<16x8x512xf32, #tpu.memory_space<vmem>> -> memref<16x1x512xf32, #tpu.memory_space<vmem>>
    %dma_start3A_1102 = arith.constant 4 : i32
    %dma_start3A_1103 = arith.constant 0 : i32
    %dma_start3A_1104 = tpu.memref_slice %arg2[%add3A_1076, %dma_start3A_1102, %dma_start3A_1103] : memref<4096x8x512xf32, #tpu.memory_space<hbm>> -> memref<16x1x512xf32, #tpu.memory_space<hbm>>
    tpu.enqueue_dma source(%dma_start3A_1104 : memref<16x1x512xf32, #tpu.memory_space<hbm>>) target(%dma_start3A_1101 : memref<16x1x512xf32, #tpu.memory_space<vmem>>) target_semaphore(%arg6 : memref<!tpu.dma_semaphore, #tpu.memory_space<semaphore_mem>>)
    %dma_start3A_1105 = arith.constant 0 : i32
    %dma_start3A_1106 = arith.constant 2 : i32
    %dma_start3A_1107 = arith.constant 0 : i32
    %dma_start3A_1108 = tpu.memref_slice %arg5[%dma_start3A_1105, %dma_start3A_1106, %dma_start3A_1107] : memref<16x8x512xf32, #tpu.memory_space<vmem>> -> memref<16x1x512xf32, #tpu.memory_space<vmem>>
    %dma_start3A_1109 = arith.constant 2 : i32
    %dma_start3A_1110 = arith.constant 0 : i32
    %dma_start3A_1111 = tpu.memref_slice %arg2[%add3A_1076, %dma_start3A_1109, %dma_start3A_1110] : memref<4096x8x512xf32, #tpu.memory_space<hbm>> -> memref<16x1x512xf32, #tpu.memory_space<hbm>>
    %dma_start3A_1112 = arith.constant 0 : i32
    %dma_start3A_1113 = arith.constant 2 : i32
    %dma_start3A_1114 = arith.constant 0 : i32
    %dma_start3A_1115 = tpu.memref_slice %arg5[%dma_start3A_1112, %dma_start3A_1113, %dma_start3A_1114] : memref<16x8x512xf32, #tpu.memory_space<vmem>> -> memref<16x1x512xf32, #tpu.memory_space<vmem>>
    %dma_start3A_1116 = arith.constant 2 : i32
    %dma_start3A_1117 = arith.constant 0 : i32
    %dma_start3A_1118 = tpu.memref_slice %arg2[%add3A_1076, %dma_start3A_1116, %dma_start3A_1117] : memref<4096x8x512xf32, #tpu.memory_space<hbm>> -> memref<16x1x512xf32, #tpu.memory_space<hbm>>
    tpu.enqueue_dma source(%dma_start3A_1118 : memref<16x1x512xf32, #tpu.memory_space<hbm>>) target(%dma_start3A_1115 : memref<16x1x512xf32, #tpu.memory_space<vmem>>) target_semaphore(%arg6 : memref<!tpu.dma_semaphore, #tpu.memory_space<semaphore_mem>>)
    %dma_start3A_1119 = arith.constant 0 : i32
    %dma_start3A_1120 = arith.constant 3 : i32
    %dma_start3A_1121 = arith.constant 0 : i32
    %dma_start3A_1122 = tpu.memref_slice %arg5[%dma_start3A_1119, %dma_start3A_1120, %dma_start3A_1121] : memref<16x8x512xf32, #tpu.memory_space<vmem>> -> memref<16x1x512xf32, #tpu.memory_space<vmem>>
    %dma_start3A_1123 = arith.constant 5 : i32
    %dma_start3A_1124 = arith.constant 0 : i32
    %dma_start3A_1125 = tpu.memref_slice %arg2[%add3A_1076, %dma_start3A_1123, %dma_start3A_1124] : memref<4096x8x512xf32, #tpu.memory_space<hbm>> -> memref<16x1x512xf32, #tpu.memory_space<hbm>>
    %dma_start3A_1126 = arith.constant 0 : i32
    %dma_start3A_1127 = arith.constant 3 : i32
    %dma_start3A_1128 = arith.constant 0 : i32
    %dma_start3A_1129 = tpu.memref_slice %arg5[%dma_start3A_1126, %dma_start3A_1127, %dma_start3A_1128] : memref<16x8x512xf32, #tpu.memory_space<vmem>> -> memref<16x1x512xf32, #tpu.memory_space<vmem>>
    %dma_start3A_1130 = arith.constant 5 : i32
    %dma_start3A_1131 = arith.constant 0 : i32
    %dma_start3A_1132 = tpu.memref_slice %arg2[%add3A_1076, %dma_start3A_1130, %dma_start3A_1131] : memref<4096x8x512xf32, #tpu.memory_space<hbm>> -> memref<16x1x512xf32, #tpu.memory_space<hbm>>
    tpu.enqueue_dma source(%dma_start3A_1132 : memref<16x1x512xf32, #tpu.memory_space<hbm>>) target(%dma_start3A_1129 : memref<16x1x512xf32, #tpu.memory_space<vmem>>) target_semaphore(%arg6 : memref<!tpu.dma_semaphore, #tpu.memory_space<semaphore_mem>>)
    %dma_start3A_1133 = arith.constant 0 : i32
    %dma_start3A_1134 = arith.constant 4 : i32
    %dma_start3A_1135 = arith.constant 0 : i32
    %dma_start3A_1136 = tpu.memref_slice %arg5[%dma_start3A_1133, %dma_start3A_1134, %dma_start3A_1135] : memref<16x8x512xf32, #tpu.memory_space<vmem>> -> memref<16x1x512xf32, #tpu.memory_space<vmem>>
    %dma_start3A_1137 = arith.constant 3 : i32
    %dma_start3A_1138 = arith.constant 0 : i32
    %dma_start3A_1139 = tpu.memref_slice %arg2[%add3A_1076, %dma_start3A_1137, %dma_start3A_1138] : memref<4096x8x512xf32, #tpu.memory_space<hbm>> -> memref<16x1x512xf32, #tpu.memory_space<hbm>>
    %dma_start3A_1140 = arith.constant 0 : i32
    %dma_start3A_1141 = arith.constant 4 : i32
    %dma_start3A_1142 = arith.constant 0 : i32
    %dma_start3A_1143 = tpu.memref_slice %arg5[%dma_start3A_1140, %dma_start3A_1141, %dma_start3A_1142] : memref<16x8x512xf32, #tpu.memory_space<vmem>> -> memref<16x1x512xf32, #tpu.memory_space<vmem>>
    %dma_start3A_1144 = arith.constant 3 : i32
    %dma_start3A_1145 = arith.constant 0 : i32
    %dma_start3A_1146 = tpu.memref_slice %arg2[%add3A_1076, %dma_start3A_1144, %dma_start3A_1145] : memref<4096x8x512xf32, #tpu.memory_space<hbm>> -> memref<16x1x512xf32, #tpu.memory_space<hbm>>
    tpu.enqueue_dma source(%dma_start3A_1146 : memref<16x1x512xf32, #tpu.memory_space<hbm>>) target(%dma_start3A_1143 : memref<16x1x512xf32, #tpu.memory_space<vmem>>) target_semaphore(%arg6 : memref<!tpu.dma_semaphore, #tpu.memory_space<semaphore_mem>>)
    %dma_start3A_1147 = arith.constant 0 : i32
    %dma_start3A_1148 = arith.constant 5 : i32
    %dma_start3A_1149 = arith.constant 0 : i32
    %dma_start3A_1150 = tpu.memref_slice %arg5[%dma_start3A_1147, %dma_start3A_1148, %dma_start3A_1149] : memref<16x8x512xf32, #tpu.memory_space<vmem>> -> memref<16x1x512xf32, #tpu.memory_space<vmem>>
    %dma_start3A_1151 = arith.constant 6 : i32
    %dma_start3A_1152 = arith.constant 0 : i32
    %dma_start3A_1153 = tpu.memref_slice %arg2[%add3A_1076, %dma_start3A_1151, %dma_start3A_1152] : memref<4096x8x512xf32, #tpu.memory_space<hbm>> -> memref<16x1x512xf32, #tpu.memory_space<hbm>>
    %dma_start3A_1154 = arith.constant 0 : i32
    %dma_start3A_1155 = arith.constant 5 : i32
    %dma_start3A_1156 = arith.constant 0 : i32
    %dma_start3A_1157 = tpu.memref_slice %arg5[%dma_start3A_1154, %dma_start3A_1155, %dma_start3A_1156] : memref<16x8x512xf32, #tpu.memory_space<vmem>> -> memref<16x1x512xf32, #tpu.memory_space<vmem>>
    %dma_start3A_1158 = arith.constant 6 : i32
    %dma_start3A_1159 = arith.constant 0 : i32
    %dma_start3A_1160 = tpu.memref_slice %arg2[%add3A_1076, %dma_start3A_1158, %dma_start3A_1159] : memref<4096x8x512xf32, #tpu.memory_space<hbm>> -> memref<16x1x512xf32, #tpu.memory_space<hbm>>
    tpu.enqueue_dma source(%dma_start3A_1160 : memref<16x1x512xf32, #tpu.memory_space<hbm>>) target(%dma_start3A_1157 : memref<16x1x512xf32, #tpu.memory_space<vmem>>) target_semaphore(%arg6 : memref<!tpu.dma_semaphore, #tpu.memory_space<semaphore_mem>>)
    %dma_start3A_1161 = arith.constant 0 : i32
    %dma_start3A_1162 = arith.constant 6 : i32
    %dma_start3A_1163 = arith.constant 0 : i32
    %dma_start3A_1164 = tpu.memref_slice %arg5[%dma_start3A_1161, %dma_start3A_1162, %dma_start3A_1163] : memref<16x8x512xf32, #tpu.memory_space<vmem>> -> memref<16x1x512xf32, #tpu.memory_space<vmem>>
    %dma_start3A_1165 = arith.constant 0 : i32
    %dma_start3A_1166 = arith.constant 0 : i32
    %dma_start3A_1167 = tpu.memref_slice %arg2[%add3A_1076, %dma_start3A_1165, %dma_start3A_1166] : memref<4096x8x512xf32, #tpu.memory_space<hbm>> -> memref<16x1x512xf32, #tpu.memory_space<hbm>>
    %dma_start3A_1168 = arith.constant 0 : i32
    %dma_start3A_1169 = arith.constant 6 : i32
    %dma_start3A_1170 = arith.constant 0 : i32
    %dma_start3A_1171 = tpu.memref_slice %arg5[%dma_start3A_1168, %dma_start3A_1169, %dma_start3A_1170] : memref<16x8x512xf32, #tpu.memory_space<vmem>> -> memref<16x1x512xf32, #tpu.memory_space<vmem>>
    %dma_start3A_1172 = arith.constant 0 : i32
    %dma_start3A_1173 = arith.constant 0 : i32
    %dma_start3A_1174 = tpu.memref_slice %arg2[%add3A_1076, %dma_start3A_1172, %dma_start3A_1173] : memref<4096x8x512xf32, #tpu.memory_space<hbm>> -> memref<16x1x512xf32, #tpu.memory_space<hbm>>
    tpu.enqueue_dma source(%dma_start3A_1174 : memref<16x1x512xf32, #tpu.memory_space<hbm>>) target(%dma_start3A_1171 : memref<16x1x512xf32, #tpu.memory_space<vmem>>) target_semaphore(%arg6 : memref<!tpu.dma_semaphore, #tpu.memory_space<semaphore_mem>>)
    %dma_start3A_1175 = arith.constant 0 : i32
    %dma_start3A_1176 = arith.constant 7 : i32
    %dma_start3A_1177 = arith.constant 0 : i32
    %dma_start3A_1178 = tpu.memref_slice %arg5[%dma_start3A_1175, %dma_start3A_1176, %dma_start3A_1177] : memref<16x8x512xf32, #tpu.memory_space<vmem>> -> memref<16x1x512xf32, #tpu.memory_space<vmem>>
    %dma_start3A_1179 = arith.constant 1 : i32
    %dma_start3A_1180 = arith.constant 0 : i32
    %dma_start3A_1181 = tpu.memref_slice %arg2[%add3A_1076, %dma_start3A_1179, %dma_start3A_1180] : memref<4096x8x512xf32, #tpu.memory_space<hbm>> -> memref<16x1x512xf32, #tpu.memory_space<hbm>>
    %dma_start3A_1182 = arith.constant 0 : i32
    %dma_start3A_1183 = arith.constant 7 : i32
    %dma_start3A_1184 = arith.constant 0 : i32
    %dma_start3A_1185 = tpu.memref_slice %arg5[%dma_start3A_1182, %dma_start3A_1183, %dma_start3A_1184] : memref<16x8x512xf32, #tpu.memory_space<vmem>> -> memref<16x1x512xf32, #tpu.memory_space<vmem>>
    %dma_start3A_1186 = arith.constant 1 : i32
    %dma_start3A_1187 = arith.constant 0 : i32
    %dma_start3A_1188 = tpu.memref_slice %arg2[%add3A_1076, %dma_start3A_1186, %dma_start3A_1187] : memref<4096x8x512xf32, #tpu.memory_space<hbm>> -> memref<16x1x512xf32, #tpu.memory_space<hbm>>
    tpu.enqueue_dma source(%dma_start3A_1188 : memref<16x1x512xf32, #tpu.memory_space<hbm>>) target(%dma_start3A_1185 : memref<16x1x512xf32, #tpu.memory_space<vmem>>) target_semaphore(%arg6 : memref<!tpu.dma_semaphore, #tpu.memory_space<semaphore_mem>>)
    %dma_wait3A_1189 = arith.constant 0 : i32
    %dma_wait3A_1190 = arith.constant 0 : i32
    %dma_wait3A_1191 = arith.constant 0 : i32
    %dma_wait3A_1192 = tpu.memref_slice %arg4[%dma_wait3A_1189, %dma_wait3A_1190, %dma_wait3A_1191] : memref<16x8x512xf32, #tpu.memory_space<vmem>> -> memref<16x1x512xf32, #tpu.memory_space<vmem>>
    %dma_wait3A_1193 = arith.constant 7 : i32
    %dma_wait3A_1194 = arith.constant 0 : i32
    %dma_wait3A_1195 = tpu.memref_slice %arg2[%add3A_836, %dma_wait3A_1193, %dma_wait3A_1194] : memref<4096x8x512xf32, #tpu.memory_space<hbm>> -> memref<16x1x512xf32, #tpu.memory_space<hbm>>
    %dma_wait3A_1196 = arith.constant 0 : i32
    %dma_wait3A_1197 = arith.constant 0 : i32
    %dma_wait3A_1198 = arith.constant 0 : i32
    %dma_wait3A_1199 = tpu.memref_slice %arg4[%dma_wait3A_1196, %dma_wait3A_1197, %dma_wait3A_1198] : memref<16x8x512xf32, #tpu.memory_space<vmem>> -> memref<16x1x512xf32, #tpu.memory_space<vmem>>
    %dma_wait3A_1200 = arith.constant 7 : i32
    %dma_wait3A_1201 = arith.constant 0 : i32
    %dma_wait3A_1202 = tpu.memref_slice %arg2[%add3A_836, %dma_wait3A_1200, %dma_wait3A_1201] : memref<4096x8x512xf32, #tpu.memory_space<hbm>> -> memref<16x1x512xf32, #tpu.memory_space<hbm>>
    tpu.wait_dma2 semaphore(%arg6 : memref<!tpu.dma_semaphore, #tpu.memory_space<semaphore_mem>>) src(%dma_wait3A_1202 : memref<16x1x512xf32, #tpu.memory_space<hbm>>) dst(%dma_wait3A_1199 : memref<16x1x512xf32, #tpu.memory_space<vmem>>)
    %dma_wait3A_1203 = arith.constant 0 : i32
    %dma_wait3A_1204 = arith.constant 1 : i32
    %dma_wait3A_1205 = arith.constant 0 : i32
    %dma_wait3A_1206 = tpu.memref_slice %arg4[%dma_wait3A_1203, %dma_wait3A_1204, %dma_wait3A_1205] : memref<16x8x512xf32, #tpu.memory_space<vmem>> -> memref<16x1x512xf32, #tpu.memory_space<vmem>>
    %dma_wait3A_1207 = arith.constant 4 : i32
    %dma_wait3A_1208 = arith.constant 0 : i32
    %dma_wait3A_1209 = tpu.memref_slice %arg2[%add3A_836, %dma_wait3A_1207, %dma_wait3A_1208] : memref<4096x8x512xf32, #tpu.memory_space<hbm>> -> memref<16x1x512xf32, #tpu.memory_space<hbm>>
    %dma_wait3A_1210 = arith.constant 0 : i32
    %dma_wait3A_1211 = arith.constant 1 : i32
    %dma_wait3A_1212 = arith.constant 0 : i32
    %dma_wait3A_1213 = tpu.memref_slice %arg4[%dma_wait3A_1210, %dma_wait3A_1211, %dma_wait3A_1212] : memref<16x8x512xf32, #tpu.memory_space<vmem>> -> memref<16x1x512xf32, #tpu.memory_space<vmem>>
    %dma_wait3A_1214 = arith.constant 4 : i32
    %dma_wait3A_1215 = arith.constant 0 : i32
    %dma_wait3A_1216 = tpu.memref_slice %arg2[%add3A_836, %dma_wait3A_1214, %dma_wait3A_1215] : memref<4096x8x512xf32, #tpu.memory_space<hbm>> -> memref<16x1x512xf32, #tpu.memory_space<hbm>>
    tpu.wait_dma2 semaphore(%arg6 : memref<!tpu.dma_semaphore, #tpu.memory_space<semaphore_mem>>) src(%dma_wait3A_1216 : memref<16x1x512xf32, #tpu.memory_space<hbm>>) dst(%dma_wait3A_1213 : memref<16x1x512xf32, #tpu.memory_space<vmem>>)
    %dma_wait3A_1217 = arith.constant 0 : i32
    %dma_wait3A_1218 = arith.constant 2 : i32
    %dma_wait3A_1219 = arith.constant 0 : i32
    %dma_wait3A_1220 = tpu.memref_slice %arg4[%dma_wait3A_1217, %dma_wait3A_1218, %dma_wait3A_1219] : memref<16x8x512xf32, #tpu.memory_space<vmem>> -> memref<16x1x512xf32, #tpu.memory_space<vmem>>
    %dma_wait3A_1221 = arith.constant 2 : i32
    %dma_wait3A_1222 = arith.constant 0 : i32
    %dma_wait3A_1223 = tpu.memref_slice %arg2[%add3A_836, %dma_wait3A_1221, %dma_wait3A_1222] : memref<4096x8x512xf32, #tpu.memory_space<hbm>> -> memref<16x1x512xf32, #tpu.memory_space<hbm>>
    %dma_wait3A_1224 = arith.constant 0 : i32
    %dma_wait3A_1225 = arith.constant 2 : i32
    %dma_wait3A_1226 = arith.constant 0 : i32
    %dma_wait3A_1227 = tpu.memref_slice %arg4[%dma_wait3A_1224, %dma_wait3A_1225, %dma_wait3A_1226] : memref<16x8x512xf32, #tpu.memory_space<vmem>> -> memref<16x1x512xf32, #tpu.memory_space<vmem>>
    %dma_wait3A_1228 = arith.constant 2 : i32
    %dma_wait3A_1229 = arith.constant 0 : i32
    %dma_wait3A_1230 = tpu.memref_slice %arg2[%add3A_836, %dma_wait3A_1228, %dma_wait3A_1229] : memref<4096x8x512xf32, #tpu.memory_space<hbm>> -> memref<16x1x512xf32, #tpu.memory_space<hbm>>
    tpu.wait_dma2 semaphore(%arg6 : memref<!tpu.dma_semaphore, #tpu.memory_space<semaphore_mem>>) src(%dma_wait3A_1230 : memref<16x1x512xf32, #tpu.memory_space<hbm>>) dst(%dma_wait3A_1227 : memref<16x1x512xf32, #tpu.memory_space<vmem>>)
    %dma_wait3A_1231 = arith.constant 0 : i32
    %dma_wait3A_1232 = arith.constant 3 : i32
    %dma_wait3A_1233 = arith.constant 0 : i32
    %dma_wait3A_1234 = tpu.memref_slice %arg4[%dma_wait3A_1231, %dma_wait3A_1232, %dma_wait3A_1233] : memref<16x8x512xf32, #tpu.memory_space<vmem>> -> memref<16x1x512xf32, #tpu.memory_space<vmem>>
    %dma_wait3A_1235 = arith.constant 5 : i32
    %dma_wait3A_1236 = arith.constant 0 : i32
    %dma_wait3A_1237 = tpu.memref_slice %arg2[%add3A_836, %dma_wait3A_1235, %dma_wait3A_1236] : memref<4096x8x512xf32, #tpu.memory_space<hbm>> -> memref<16x1x512xf32, #tpu.memory_space<hbm>>
    %dma_wait3A_1238 = arith.constant 0 : i32
    %dma_wait3A_1239 = arith.constant 3 : i32
    %dma_wait3A_1240 = arith.constant 0 : i32
    %dma_wait3A_1241 = tpu.memref_slice %arg4[%dma_wait3A_1238, %dma_wait3A_1239, %dma_wait3A_1240] : memref<16x8x512xf32, #tpu.memory_space<vmem>> -> memref<16x1x512xf32, #tpu.memory_space<vmem>>
    %dma_wait3A_1242 = arith.constant 5 : i32
    %dma_wait3A_1243 = arith.constant 0 : i32
    %dma_wait3A_1244 = tpu.memref_slice %arg2[%add3A_836, %dma_wait3A_1242, %dma_wait3A_1243] : memref<4096x8x512xf32, #tpu.memory_space<hbm>> -> memref<16x1x512xf32, #tpu.memory_space<hbm>>
    tpu.wait_dma2 semaphore(%arg6 : memref<!tpu.dma_semaphore, #tpu.memory_space<semaphore_mem>>) src(%dma_wait3A_1244 : memref<16x1x512xf32, #tpu.memory_space<hbm>>) dst(%dma_wait3A_1241 : memref<16x1x512xf32, #tpu.memory_space<vmem>>)
    %dma_wait3A_1245 = arith.constant 0 : i32
    %dma_wait3A_1246 = arith.constant 4 : i32
    %dma_wait3A_1247 = arith.constant 0 : i32
    %dma_wait3A_1248 = tpu.memref_slice %arg4[%dma_wait3A_1245, %dma_wait3A_1246, %dma_wait3A_1247] : memref<16x8x512xf32, #tpu.memory_space<vmem>> -> memref<16x1x512xf32, #tpu.memory_space<vmem>>
    %dma_wait3A_1249 = arith.constant 3 : i32
    %dma_wait3A_1250 = arith.constant 0 : i32
    %dma_wait3A_1251 = tpu.memref_slice %arg2[%add3A_836, %dma_wait3A_1249, %dma_wait3A_1250] : memref<4096x8x512xf32, #tpu.memory_space<hbm>> -> memref<16x1x512xf32, #tpu.memory_space<hbm>>
    %dma_wait3A_1252 = arith.constant 0 : i32
    %dma_wait3A_1253 = arith.constant 4 : i32
    %dma_wait3A_1254 = arith.constant 0 : i32
    %dma_wait3A_1255 = tpu.memref_slice %arg4[%dma_wait3A_1252, %dma_wait3A_1253, %dma_wait3A_1254] : memref<16x8x512xf32, #tpu.memory_space<vmem>> -> memref<16x1x512xf32, #tpu.memory_space<vmem>>
    %dma_wait3A_1256 = arith.constant 3 : i32
    %dma_wait3A_1257 = arith.constant 0 : i32
    %dma_wait3A_1258 = tpu.memref_slice %arg2[%add3A_836, %dma_wait3A_1256, %dma_wait3A_1257] : memref<4096x8x512xf32, #tpu.memory_space<hbm>> -> memref<16x1x512xf32, #tpu.memory_space<hbm>>
    tpu.wait_dma2 semaphore(%arg6 : memref<!tpu.dma_semaphore, #tpu.memory_space<semaphore_mem>>) src(%dma_wait3A_1258 : memref<16x1x512xf32, #tpu.memory_space<hbm>>) dst(%dma_wait3A_1255 : memref<16x1x512xf32, #tpu.memory_space<vmem>>)
    %dma_wait3A_1259 = arith.constant 0 : i32
    %dma_wait3A_1260 = arith.constant 5 : i32
    %dma_wait3A_1261 = arith.constant 0 : i32
    %dma_wait3A_1262 = tpu.memref_slice %arg4[%dma_wait3A_1259, %dma_wait3A_1260, %dma_wait3A_1261] : memref<16x8x512xf32, #tpu.memory_space<vmem>> -> memref<16x1x512xf32, #tpu.memory_space<vmem>>
    %dma_wait3A_1263 = arith.constant 6 : i32
    %dma_wait3A_1264 = arith.constant 0 : i32
    %dma_wait3A_1265 = tpu.memref_slice %arg2[%add3A_836, %dma_wait3A_1263, %dma_wait3A_1264] : memref<4096x8x512xf32, #tpu.memory_space<hbm>> -> memref<16x1x512xf32, #tpu.memory_space<hbm>>
    %dma_wait3A_1266 = arith.constant 0 : i32
    %dma_wait3A_1267 = arith.constant 5 : i32
    %dma_wait3A_1268 = arith.constant 0 : i32
    %dma_wait3A_1269 = tpu.memref_slice %arg4[%dma_wait3A_1266, %dma_wait3A_1267, %dma_wait3A_1268] : memref<16x8x512xf32, #tpu.memory_space<vmem>> -> memref<16x1x512xf32, #tpu.memory_space<vmem>>
    %dma_wait3A_1270 = arith.constant 6 : i32
    %dma_wait3A_1271 = arith.constant 0 : i32
    %dma_wait3A_1272 = tpu.memref_slice %arg2[%add3A_836, %dma_wait3A_1270, %dma_wait3A_1271] : memref<4096x8x512xf32, #tpu.memory_space<hbm>> -> memref<16x1x512xf32, #tpu.memory_space<hbm>>
    tpu.wait_dma2 semaphore(%arg6 : memref<!tpu.dma_semaphore, #tpu.memory_space<semaphore_mem>>) src(%dma_wait3A_1272 : memref<16x1x512xf32, #tpu.memory_space<hbm>>) dst(%dma_wait3A_1269 : memref<16x1x512xf32, #tpu.memory_space<vmem>>)
    %dma_wait3A_1273 = arith.constant 0 : i32
    %dma_wait3A_1274 = arith.constant 6 : i32
    %dma_wait3A_1275 = arith.constant 0 : i32
    %dma_wait3A_1276 = tpu.memref_slice %arg4[%dma_wait3A_1273, %dma_wait3A_1274, %dma_wait3A_1275] : memref<16x8x512xf32, #tpu.memory_space<vmem>> -> memref<16x1x512xf32, #tpu.memory_space<vmem>>
    %dma_wait3A_1277 = arith.constant 0 : i32
    %dma_wait3A_1278 = arith.constant 0 : i32
    %dma_wait3A_1279 = tpu.memref_slice %arg2[%add3A_836, %dma_wait3A_1277, %dma_wait3A_1278] : memref<4096x8x512xf32, #tpu.memory_space<hbm>> -> memref<16x1x512xf32, #tpu.memory_space<hbm>>
    %dma_wait3A_1280 = arith.constant 0 : i32
    %dma_wait3A_1281 = arith.constant 6 : i32
    %dma_wait3A_1282 = arith.constant 0 : i32
    %dma_wait3A_1283 = tpu.memref_slice %arg4[%dma_wait3A_1280, %dma_wait3A_1281, %dma_wait3A_1282] : memref<16x8x512xf32, #tpu.memory_space<vmem>> -> memref<16x1x512xf32, #tpu.memory_space<vmem>>
    %dma_wait3A_1284 = arith.constant 0 : i32
    %dma_wait3A_1285 = arith.constant 0 : i32
    %dma_wait3A_1286 = tpu.memref_slice %arg2[%add3A_836, %dma_wait3A_1284, %dma_wait3A_1285] : memref<4096x8x512xf32, #tpu.memory_space<hbm>> -> memref<16x1x512xf32, #tpu.memory_space<hbm>>
    tpu.wait_dma2 semaphore(%arg6 : memref<!tpu.dma_semaphore, #tpu.memory_space<semaphore_mem>>) src(%dma_wait3A_1286 : memref<16x1x512xf32, #tpu.memory_space<hbm>>) dst(%dma_wait3A_1283 : memref<16x1x512xf32, #tpu.memory_space<vmem>>)
    %dma_wait3A_1287 = arith.constant 0 : i32
    %dma_wait3A_1288 = arith.constant 7 : i32
    %dma_wait3A_1289 = arith.constant 0 : i32
    %dma_wait3A_1290 = tpu.memref_slice %arg4[%dma_wait3A_1287, %dma_wait3A_1288, %dma_wait3A_1289] : memref<16x8x512xf32, #tpu.memory_space<vmem>> -> memref<16x1x512xf32, #tpu.memory_space<vmem>>
    %dma_wait3A_1291 = arith.constant 1 : i32
    %dma_wait3A_1292 = arith.constant 0 : i32
    %dma_wait3A_1293 = tpu.memref_slice %arg2[%add3A_836, %dma_wait3A_1291, %dma_wait3A_1292] : memref<4096x8x512xf32, #tpu.memory_space<hbm>> -> memref<16x1x512xf32, #tpu.memory_space<hbm>>
    %dma_wait3A_1294 = arith.constant 0 : i32
    %dma_wait3A_1295 = arith.constant 7 : i32
    %dma_wait3A_1296 = arith.constant 0 : i32
    %dma_wait3A_1297 = tpu.memref_slice %arg4[%dma_wait3A_1294, %dma_wait3A_1295, %dma_wait3A_1296] : memref<16x8x512xf32, #tpu.memory_space<vmem>> -> memref<16x1x512xf32, #tpu.memory_space<vmem>>
    %dma_wait3A_1298 = arith.constant 1 : i32
    %dma_wait3A_1299 = arith.constant 0 : i32
    %dma_wait3A_1300 = tpu.memref_slice %arg2[%add3A_836, %dma_wait3A_1298, %dma_wait3A_1299] : memref<4096x8x512xf32, #tpu.memory_space<hbm>> -> memref<16x1x512xf32, #tpu.memory_space<hbm>>
    tpu.wait_dma2 semaphore(%arg6 : memref<!tpu.dma_semaphore, #tpu.memory_space<semaphore_mem>>) src(%dma_wait3A_1300 : memref<16x1x512xf32, #tpu.memory_space<hbm>>) dst(%dma_wait3A_1297 : memref<16x1x512xf32, #tpu.memory_space<vmem>>)
    %add3A_1301 = arith.constant 64 : i32
    %add3A_1302 = arith.addi %mul3A_2, %add3A_1301 : i32
    %dma_start3A_1303 = arith.constant 0 : i32
    %dma_start3A_1304 = arith.constant 0 : i32
    %dma_start3A_1305 = tpu.memref_slice %arg3[%add3A_1302, %dma_start3A_1303, %dma_start3A_1304] : memref<4096x8x512xf32, #tpu.memory_space<hbm>> -> memref<16x8x512xf32, #tpu.memory_space<hbm>>
    %dma_start3A_1306 = arith.constant 0 : i32
    %dma_start3A_1307 = arith.constant 0 : i32
    %dma_start3A_1308 = tpu.memref_slice %arg3[%add3A_1302, %dma_start3A_1306, %dma_start3A_1307] : memref<4096x8x512xf32, #tpu.memory_space<hbm>> -> memref<16x8x512xf32, #tpu.memory_space<hbm>>
    tpu.enqueue_dma source(%arg4 : memref<16x8x512xf32, #tpu.memory_space<vmem>>) target(%dma_start3A_1308 : memref<16x8x512xf32, #tpu.memory_space<hbm>>) target_semaphore(%arg7 : memref<!tpu.dma_semaphore, #tpu.memory_space<semaphore_mem>>)
    %dma_wait3A_1309 = arith.constant 0 : i32
    %dma_wait3A_1310 = arith.constant 0 : i32
    %dma_wait3A_1311 = tpu.memref_slice %arg3[%add3A_1302, %dma_wait3A_1309, %dma_wait3A_1310] : memref<4096x8x512xf32, #tpu.memory_space<hbm>> -> memref<16x8x512xf32, #tpu.memory_space<hbm>>
    %dma_wait3A_1312 = arith.constant 0 : i32
    %dma_wait3A_1313 = arith.constant 0 : i32
    %dma_wait3A_1314 = tpu.memref_slice %arg3[%add3A_1302, %dma_wait3A_1312, %dma_wait3A_1313] : memref<4096x8x512xf32, #tpu.memory_space<hbm>> -> memref<16x8x512xf32, #tpu.memory_space<hbm>>
    tpu.wait_dma2 semaphore(%arg7 : memref<!tpu.dma_semaphore, #tpu.memory_space<semaphore_mem>>) src(%arg4 : memref<16x8x512xf32, #tpu.memory_space<vmem>>) dst(%dma_wait3A_1314 : memref<16x8x512xf32, #tpu.memory_space<hbm>>)
    %add3A_1315 = arith.constant 96 : i32
    %add3A_1316 = arith.addi %mul3A_2, %add3A_1315 : i32
    %dma_start3A_1317 = arith.constant 0 : i32
    %dma_start3A_1318 = arith.constant 0 : i32
    %dma_start3A_1319 = arith.constant 0 : i32
    %dma_start3A_1320 = tpu.memref_slice %arg4[%dma_start3A_1317, %dma_start3A_1318, %dma_start3A_1319] : memref<16x8x512xf32, #tpu.memory_space<vmem>> -> memref<16x1x512xf32, #tpu.memory_space<vmem>>
    %dma_start3A_1321 = arith.constant 7 : i32
    %dma_start3A_1322 = arith.constant 0 : i32
    %dma_start3A_1323 = tpu.memref_slice %arg2[%add3A_1316, %dma_start3A_1321, %dma_start3A_1322] : memref<4096x8x512xf32, #tpu.memory_space<hbm>> -> memref<16x1x512xf32, #tpu.memory_space<hbm>>
    %dma_start3A_1324 = arith.constant 0 : i32
    %dma_start3A_1325 = arith.constant 0 : i32
    %dma_start3A_1326 = arith.constant 0 : i32
    %dma_start3A_1327 = tpu.memref_slice %arg4[%dma_start3A_1324, %dma_start3A_1325, %dma_start3A_1326] : memref<16x8x512xf32, #tpu.memory_space<vmem>> -> memref<16x1x512xf32, #tpu.memory_space<vmem>>
    %dma_start3A_1328 = arith.constant 7 : i32
    %dma_start3A_1329 = arith.constant 0 : i32
    %dma_start3A_1330 = tpu.memref_slice %arg2[%add3A_1316, %dma_start3A_1328, %dma_start3A_1329] : memref<4096x8x512xf32, #tpu.memory_space<hbm>> -> memref<16x1x512xf32, #tpu.memory_space<hbm>>
    tpu.enqueue_dma source(%dma_start3A_1330 : memref<16x1x512xf32, #tpu.memory_space<hbm>>) target(%dma_start3A_1327 : memref<16x1x512xf32, #tpu.memory_space<vmem>>) target_semaphore(%arg6 : memref<!tpu.dma_semaphore, #tpu.memory_space<semaphore_mem>>)
    %dma_start3A_1331 = arith.constant 0 : i32
    %dma_start3A_1332 = arith.constant 1 : i32
    %dma_start3A_1333 = arith.constant 0 : i32
    %dma_start3A_1334 = tpu.memref_slice %arg4[%dma_start3A_1331, %dma_start3A_1332, %dma_start3A_1333] : memref<16x8x512xf32, #tpu.memory_space<vmem>> -> memref<16x1x512xf32, #tpu.memory_space<vmem>>
    %dma_start3A_1335 = arith.constant 4 : i32
    %dma_start3A_1336 = arith.constant 0 : i32
    %dma_start3A_1337 = tpu.memref_slice %arg2[%add3A_1316, %dma_start3A_1335, %dma_start3A_1336] : memref<4096x8x512xf32, #tpu.memory_space<hbm>> -> memref<16x1x512xf32, #tpu.memory_space<hbm>>
    %dma_start3A_1338 = arith.constant 0 : i32
    %dma_start3A_1339 = arith.constant 1 : i32
    %dma_start3A_1340 = arith.constant 0 : i32
    %dma_start3A_1341 = tpu.memref_slice %arg4[%dma_start3A_1338, %dma_start3A_1339, %dma_start3A_1340] : memref<16x8x512xf32, #tpu.memory_space<vmem>> -> memref<16x1x512xf32, #tpu.memory_space<vmem>>
    %dma_start3A_1342 = arith.constant 4 : i32
    %dma_start3A_1343 = arith.constant 0 : i32
    %dma_start3A_1344 = tpu.memref_slice %arg2[%add3A_1316, %dma_start3A_1342, %dma_start3A_1343] : memref<4096x8x512xf32, #tpu.memory_space<hbm>> -> memref<16x1x512xf32, #tpu.memory_space<hbm>>
    tpu.enqueue_dma source(%dma_start3A_1344 : memref<16x1x512xf32, #tpu.memory_space<hbm>>) target(%dma_start3A_1341 : memref<16x1x512xf32, #tpu.memory_space<vmem>>) target_semaphore(%arg6 : memref<!tpu.dma_semaphore, #tpu.memory_space<semaphore_mem>>)
    %dma_start3A_1345 = arith.constant 0 : i32
    %dma_start3A_1346 = arith.constant 2 : i32
    %dma_start3A_1347 = arith.constant 0 : i32
    %dma_start3A_1348 = tpu.memref_slice %arg4[%dma_start3A_1345, %dma_start3A_1346, %dma_start3A_1347] : memref<16x8x512xf32, #tpu.memory_space<vmem>> -> memref<16x1x512xf32, #tpu.memory_space<vmem>>
    %dma_start3A_1349 = arith.constant 2 : i32
    %dma_start3A_1350 = arith.constant 0 : i32
    %dma_start3A_1351 = tpu.memref_slice %arg2[%add3A_1316, %dma_start3A_1349, %dma_start3A_1350] : memref<4096x8x512xf32, #tpu.memory_space<hbm>> -> memref<16x1x512xf32, #tpu.memory_space<hbm>>
    %dma_start3A_1352 = arith.constant 0 : i32
    %dma_start3A_1353 = arith.constant 2 : i32
    %dma_start3A_1354 = arith.constant 0 : i32
    %dma_start3A_1355 = tpu.memref_slice %arg4[%dma_start3A_1352, %dma_start3A_1353, %dma_start3A_1354] : memref<16x8x512xf32, #tpu.memory_space<vmem>> -> memref<16x1x512xf32, #tpu.memory_space<vmem>>
    %dma_start3A_1356 = arith.constant 2 : i32
    %dma_start3A_1357 = arith.constant 0 : i32
    %dma_start3A_1358 = tpu.memref_slice %arg2[%add3A_1316, %dma_start3A_1356, %dma_start3A_1357] : memref<4096x8x512xf32, #tpu.memory_space<hbm>> -> memref<16x1x512xf32, #tpu.memory_space<hbm>>
    tpu.enqueue_dma source(%dma_start3A_1358 : memref<16x1x512xf32, #tpu.memory_space<hbm>>) target(%dma_start3A_1355 : memref<16x1x512xf32, #tpu.memory_space<vmem>>) target_semaphore(%arg6 : memref<!tpu.dma_semaphore, #tpu.memory_space<semaphore_mem>>)
    %dma_start3A_1359 = arith.constant 0 : i32
    %dma_start3A_1360 = arith.constant 3 : i32
    %dma_start3A_1361 = arith.constant 0 : i32
    %dma_start3A_1362 = tpu.memref_slice %arg4[%dma_start3A_1359, %dma_start3A_1360, %dma_start3A_1361] : memref<16x8x512xf32, #tpu.memory_space<vmem>> -> memref<16x1x512xf32, #tpu.memory_space<vmem>>
    %dma_start3A_1363 = arith.constant 5 : i32
    %dma_start3A_1364 = arith.constant 0 : i32
    %dma_start3A_1365 = tpu.memref_slice %arg2[%add3A_1316, %dma_start3A_1363, %dma_start3A_1364] : memref<4096x8x512xf32, #tpu.memory_space<hbm>> -> memref<16x1x512xf32, #tpu.memory_space<hbm>>
    %dma_start3A_1366 = arith.constant 0 : i32
    %dma_start3A_1367 = arith.constant 3 : i32
    %dma_start3A_1368 = arith.constant 0 : i32
    %dma_start3A_1369 = tpu.memref_slice %arg4[%dma_start3A_1366, %dma_start3A_1367, %dma_start3A_1368] : memref<16x8x512xf32, #tpu.memory_space<vmem>> -> memref<16x1x512xf32, #tpu.memory_space<vmem>>
    %dma_start3A_1370 = arith.constant 5 : i32
    %dma_start3A_1371 = arith.constant 0 : i32
    %dma_start3A_1372 = tpu.memref_slice %arg2[%add3A_1316, %dma_start3A_1370, %dma_start3A_1371] : memref<4096x8x512xf32, #tpu.memory_space<hbm>> -> memref<16x1x512xf32, #tpu.memory_space<hbm>>
    tpu.enqueue_dma source(%dma_start3A_1372 : memref<16x1x512xf32, #tpu.memory_space<hbm>>) target(%dma_start3A_1369 : memref<16x1x512xf32, #tpu.memory_space<vmem>>) target_semaphore(%arg6 : memref<!tpu.dma_semaphore, #tpu.memory_space<semaphore_mem>>)
    %dma_start3A_1373 = arith.constant 0 : i32
    %dma_start3A_1374 = arith.constant 4 : i32
    %dma_start3A_1375 = arith.constant 0 : i32
    %dma_start3A_1376 = tpu.memref_slice %arg4[%dma_start3A_1373, %dma_start3A_1374, %dma_start3A_1375] : memref<16x8x512xf32, #tpu.memory_space<vmem>> -> memref<16x1x512xf32, #tpu.memory_space<vmem>>
    %dma_start3A_1377 = arith.constant 3 : i32
    %dma_start3A_1378 = arith.constant 0 : i32
    %dma_start3A_1379 = tpu.memref_slice %arg2[%add3A_1316, %dma_start3A_1377, %dma_start3A_1378] : memref<4096x8x512xf32, #tpu.memory_space<hbm>> -> memref<16x1x512xf32, #tpu.memory_space<hbm>>
    %dma_start3A_1380 = arith.constant 0 : i32
    %dma_start3A_1381 = arith.constant 4 : i32
    %dma_start3A_1382 = arith.constant 0 : i32
    %dma_start3A_1383 = tpu.memref_slice %arg4[%dma_start3A_1380, %dma_start3A_1381, %dma_start3A_1382] : memref<16x8x512xf32, #tpu.memory_space<vmem>> -> memref<16x1x512xf32, #tpu.memory_space<vmem>>
    %dma_start3A_1384 = arith.constant 3 : i32
    %dma_start3A_1385 = arith.constant 0 : i32
    %dma_start3A_1386 = tpu.memref_slice %arg2[%add3A_1316, %dma_start3A_1384, %dma_start3A_1385] : memref<4096x8x512xf32, #tpu.memory_space<hbm>> -> memref<16x1x512xf32, #tpu.memory_space<hbm>>
    tpu.enqueue_dma source(%dma_start3A_1386 : memref<16x1x512xf32, #tpu.memory_space<hbm>>) target(%dma_start3A_1383 : memref<16x1x512xf32, #tpu.memory_space<vmem>>) target_semaphore(%arg6 : memref<!tpu.dma_semaphore, #tpu.memory_space<semaphore_mem>>)
    %dma_start3A_1387 = arith.constant 0 : i32
    %dma_start3A_1388 = arith.constant 5 : i32
    %dma_start3A_1389 = arith.constant 0 : i32
    %dma_start3A_1390 = tpu.memref_slice %arg4[%dma_start3A_1387, %dma_start3A_1388, %dma_start3A_1389] : memref<16x8x512xf32, #tpu.memory_space<vmem>> -> memref<16x1x512xf32, #tpu.memory_space<vmem>>
    %dma_start3A_1391 = arith.constant 6 : i32
    %dma_start3A_1392 = arith.constant 0 : i32
    %dma_start3A_1393 = tpu.memref_slice %arg2[%add3A_1316, %dma_start3A_1391, %dma_start3A_1392] : memref<4096x8x512xf32, #tpu.memory_space<hbm>> -> memref<16x1x512xf32, #tpu.memory_space<hbm>>
    %dma_start3A_1394 = arith.constant 0 : i32
    %dma_start3A_1395 = arith.constant 5 : i32
    %dma_start3A_1396 = arith.constant 0 : i32
    %dma_start3A_1397 = tpu.memref_slice %arg4[%dma_start3A_1394, %dma_start3A_1395, %dma_start3A_1396] : memref<16x8x512xf32, #tpu.memory_space<vmem>> -> memref<16x1x512xf32, #tpu.memory_space<vmem>>
    %dma_start3A_1398 = arith.constant 6 : i32
    %dma_start3A_1399 = arith.constant 0 : i32
    %dma_start3A_1400 = tpu.memref_slice %arg2[%add3A_1316, %dma_start3A_1398, %dma_start3A_1399] : memref<4096x8x512xf32, #tpu.memory_space<hbm>> -> memref<16x1x512xf32, #tpu.memory_space<hbm>>
    tpu.enqueue_dma source(%dma_start3A_1400 : memref<16x1x512xf32, #tpu.memory_space<hbm>>) target(%dma_start3A_1397 : memref<16x1x512xf32, #tpu.memory_space<vmem>>) target_semaphore(%arg6 : memref<!tpu.dma_semaphore, #tpu.memory_space<semaphore_mem>>)
    %dma_start3A_1401 = arith.constant 0 : i32
    %dma_start3A_1402 = arith.constant 6 : i32
    %dma_start3A_1403 = arith.constant 0 : i32
    %dma_start3A_1404 = tpu.memref_slice %arg4[%dma_start3A_1401, %dma_start3A_1402, %dma_start3A_1403] : memref<16x8x512xf32, #tpu.memory_space<vmem>> -> memref<16x1x512xf32, #tpu.memory_space<vmem>>
    %dma_start3A_1405 = arith.constant 0 : i32
    %dma_start3A_1406 = arith.constant 0 : i32
    %dma_start3A_1407 = tpu.memref_slice %arg2[%add3A_1316, %dma_start3A_1405, %dma_start3A_1406] : memref<4096x8x512xf32, #tpu.memory_space<hbm>> -> memref<16x1x512xf32, #tpu.memory_space<hbm>>
    %dma_start3A_1408 = arith.constant 0 : i32
    %dma_start3A_1409 = arith.constant 6 : i32
    %dma_start3A_1410 = arith.constant 0 : i32
    %dma_start3A_1411 = tpu.memref_slice %arg4[%dma_start3A_1408, %dma_start3A_1409, %dma_start3A_1410] : memref<16x8x512xf32, #tpu.memory_space<vmem>> -> memref<16x1x512xf32, #tpu.memory_space<vmem>>
    %dma_start3A_1412 = arith.constant 0 : i32
    %dma_start3A_1413 = arith.constant 0 : i32
    %dma_start3A_1414 = tpu.memref_slice %arg2[%add3A_1316, %dma_start3A_1412, %dma_start3A_1413] : memref<4096x8x512xf32, #tpu.memory_space<hbm>> -> memref<16x1x512xf32, #tpu.memory_space<hbm>>
    tpu.enqueue_dma source(%dma_start3A_1414 : memref<16x1x512xf32, #tpu.memory_space<hbm>>) target(%dma_start3A_1411 : memref<16x1x512xf32, #tpu.memory_space<vmem>>) target_semaphore(%arg6 : memref<!tpu.dma_semaphore, #tpu.memory_space<semaphore_mem>>)
    %dma_start3A_1415 = arith.constant 0 : i32
    %dma_start3A_1416 = arith.constant 7 : i32
    %dma_start3A_1417 = arith.constant 0 : i32
    %dma_start3A_1418 = tpu.memref_slice %arg4[%dma_start3A_1415, %dma_start3A_1416, %dma_start3A_1417] : memref<16x8x512xf32, #tpu.memory_space<vmem>> -> memref<16x1x512xf32, #tpu.memory_space<vmem>>
    %dma_start3A_1419 = arith.constant 1 : i32
    %dma_start3A_1420 = arith.constant 0 : i32
    %dma_start3A_1421 = tpu.memref_slice %arg2[%add3A_1316, %dma_start3A_1419, %dma_start3A_1420] : memref<4096x8x512xf32, #tpu.memory_space<hbm>> -> memref<16x1x512xf32, #tpu.memory_space<hbm>>
    %dma_start3A_1422 = arith.constant 0 : i32
    %dma_start3A_1423 = arith.constant 7 : i32
    %dma_start3A_1424 = arith.constant 0 : i32
    %dma_start3A_1425 = tpu.memref_slice %arg4[%dma_start3A_1422, %dma_start3A_1423, %dma_start3A_1424] : memref<16x8x512xf32, #tpu.memory_space<vmem>> -> memref<16x1x512xf32, #tpu.memory_space<vmem>>
    %dma_start3A_1426 = arith.constant 1 : i32
    %dma_start3A_1427 = arith.constant 0 : i32
    %dma_start3A_1428 = tpu.memref_slice %arg2[%add3A_1316, %dma_start3A_1426, %dma_start3A_1427] : memref<4096x8x512xf32, #tpu.memory_space<hbm>> -> memref<16x1x512xf32, #tpu.memory_space<hbm>>
    tpu.enqueue_dma source(%dma_start3A_1428 : memref<16x1x512xf32, #tpu.memory_space<hbm>>) target(%dma_start3A_1425 : memref<16x1x512xf32, #tpu.memory_space<vmem>>) target_semaphore(%arg6 : memref<!tpu.dma_semaphore, #tpu.memory_space<semaphore_mem>>)
    %dma_wait3A_1429 = arith.constant 0 : i32
    %dma_wait3A_1430 = arith.constant 0 : i32
    %dma_wait3A_1431 = arith.constant 0 : i32
    %dma_wait3A_1432 = tpu.memref_slice %arg5[%dma_wait3A_1429, %dma_wait3A_1430, %dma_wait3A_1431] : memref<16x8x512xf32, #tpu.memory_space<vmem>> -> memref<16x1x512xf32, #tpu.memory_space<vmem>>
    %dma_wait3A_1433 = arith.constant 7 : i32
    %dma_wait3A_1434 = arith.constant 0 : i32
    %dma_wait3A_1435 = tpu.memref_slice %arg2[%add3A_1076, %dma_wait3A_1433, %dma_wait3A_1434] : memref<4096x8x512xf32, #tpu.memory_space<hbm>> -> memref<16x1x512xf32, #tpu.memory_space<hbm>>
    %dma_wait3A_1436 = arith.constant 0 : i32
    %dma_wait3A_1437 = arith.constant 0 : i32
    %dma_wait3A_1438 = arith.constant 0 : i32
    %dma_wait3A_1439 = tpu.memref_slice %arg5[%dma_wait3A_1436, %dma_wait3A_1437, %dma_wait3A_1438] : memref<16x8x512xf32, #tpu.memory_space<vmem>> -> memref<16x1x512xf32, #tpu.memory_space<vmem>>
    %dma_wait3A_1440 = arith.constant 7 : i32
    %dma_wait3A_1441 = arith.constant 0 : i32
    %dma_wait3A_1442 = tpu.memref_slice %arg2[%add3A_1076, %dma_wait3A_1440, %dma_wait3A_1441] : memref<4096x8x512xf32, #tpu.memory_space<hbm>> -> memref<16x1x512xf32, #tpu.memory_space<hbm>>
    tpu.wait_dma2 semaphore(%arg6 : memref<!tpu.dma_semaphore, #tpu.memory_space<semaphore_mem>>) src(%dma_wait3A_1442 : memref<16x1x512xf32, #tpu.memory_space<hbm>>) dst(%dma_wait3A_1439 : memref<16x1x512xf32, #tpu.memory_space<vmem>>)
    %dma_wait3A_1443 = arith.constant 0 : i32
    %dma_wait3A_1444 = arith.constant 1 : i32
    %dma_wait3A_1445 = arith.constant 0 : i32
    %dma_wait3A_1446 = tpu.memref_slice %arg5[%dma_wait3A_1443, %dma_wait3A_1444, %dma_wait3A_1445] : memref<16x8x512xf32, #tpu.memory_space<vmem>> -> memref<16x1x512xf32, #tpu.memory_space<vmem>>
    %dma_wait3A_1447 = arith.constant 4 : i32
    %dma_wait3A_1448 = arith.constant 0 : i32
    %dma_wait3A_1449 = tpu.memref_slice %arg2[%add3A_1076, %dma_wait3A_1447, %dma_wait3A_1448] : memref<4096x8x512xf32, #tpu.memory_space<hbm>> -> memref<16x1x512xf32, #tpu.memory_space<hbm>>
    %dma_wait3A_1450 = arith.constant 0 : i32
    %dma_wait3A_1451 = arith.constant 1 : i32
    %dma_wait3A_1452 = arith.constant 0 : i32
    %dma_wait3A_1453 = tpu.memref_slice %arg5[%dma_wait3A_1450, %dma_wait3A_1451, %dma_wait3A_1452] : memref<16x8x512xf32, #tpu.memory_space<vmem>> -> memref<16x1x512xf32, #tpu.memory_space<vmem>>
    %dma_wait3A_1454 = arith.constant 4 : i32
    %dma_wait3A_1455 = arith.constant 0 : i32
    %dma_wait3A_1456 = tpu.memref_slice %arg2[%add3A_1076, %dma_wait3A_1454, %dma_wait3A_1455] : memref<4096x8x512xf32, #tpu.memory_space<hbm>> -> memref<16x1x512xf32, #tpu.memory_space<hbm>>
    tpu.wait_dma2 semaphore(%arg6 : memref<!tpu.dma_semaphore, #tpu.memory_space<semaphore_mem>>) src(%dma_wait3A_1456 : memref<16x1x512xf32, #tpu.memory_space<hbm>>) dst(%dma_wait3A_1453 : memref<16x1x512xf32, #tpu.memory_space<vmem>>)
    %dma_wait3A_1457 = arith.constant 0 : i32
    %dma_wait3A_1458 = arith.constant 2 : i32
    %dma_wait3A_1459 = arith.constant 0 : i32
    %dma_wait3A_1460 = tpu.memref_slice %arg5[%dma_wait3A_1457, %dma_wait3A_1458, %dma_wait3A_1459] : memref<16x8x512xf32, #tpu.memory_space<vmem>> -> memref<16x1x512xf32, #tpu.memory_space<vmem>>
    %dma_wait3A_1461 = arith.constant 2 : i32
    %dma_wait3A_1462 = arith.constant 0 : i32
    %dma_wait3A_1463 = tpu.memref_slice %arg2[%add3A_1076, %dma_wait3A_1461, %dma_wait3A_1462] : memref<4096x8x512xf32, #tpu.memory_space<hbm>> -> memref<16x1x512xf32, #tpu.memory_space<hbm>>
    %dma_wait3A_1464 = arith.constant 0 : i32
    %dma_wait3A_1465 = arith.constant 2 : i32
    %dma_wait3A_1466 = arith.constant 0 : i32
    %dma_wait3A_1467 = tpu.memref_slice %arg5[%dma_wait3A_1464, %dma_wait3A_1465, %dma_wait3A_1466] : memref<16x8x512xf32, #tpu.memory_space<vmem>> -> memref<16x1x512xf32, #tpu.memory_space<vmem>>
    %dma_wait3A_1468 = arith.constant 2 : i32
    %dma_wait3A_1469 = arith.constant 0 : i32
    %dma_wait3A_1470 = tpu.memref_slice %arg2[%add3A_1076, %dma_wait3A_1468, %dma_wait3A_1469] : memref<4096x8x512xf32, #tpu.memory_space<hbm>> -> memref<16x1x512xf32, #tpu.memory_space<hbm>>
    tpu.wait_dma2 semaphore(%arg6 : memref<!tpu.dma_semaphore, #tpu.memory_space<semaphore_mem>>) src(%dma_wait3A_1470 : memref<16x1x512xf32, #tpu.memory_space<hbm>>) dst(%dma_wait3A_1467 : memref<16x1x512xf32, #tpu.memory_space<vmem>>)
    %dma_wait3A_1471 = arith.constant 0 : i32
    %dma_wait3A_1472 = arith.constant 3 : i32
    %dma_wait3A_1473 = arith.constant 0 : i32
    %dma_wait3A_1474 = tpu.memref_slice %arg5[%dma_wait3A_1471, %dma_wait3A_1472, %dma_wait3A_1473] : memref<16x8x512xf32, #tpu.memory_space<vmem>> -> memref<16x1x512xf32, #tpu.memory_space<vmem>>
    %dma_wait3A_1475 = arith.constant 5 : i32
    %dma_wait3A_1476 = arith.constant 0 : i32
    %dma_wait3A_1477 = tpu.memref_slice %arg2[%add3A_1076, %dma_wait3A_1475, %dma_wait3A_1476] : memref<4096x8x512xf32, #tpu.memory_space<hbm>> -> memref<16x1x512xf32, #tpu.memory_space<hbm>>
    %dma_wait3A_1478 = arith.constant 0 : i32
    %dma_wait3A_1479 = arith.constant 3 : i32
    %dma_wait3A_1480 = arith.constant 0 : i32
    %dma_wait3A_1481 = tpu.memref_slice %arg5[%dma_wait3A_1478, %dma_wait3A_1479, %dma_wait3A_1480] : memref<16x8x512xf32, #tpu.memory_space<vmem>> -> memref<16x1x512xf32, #tpu.memory_space<vmem>>
    %dma_wait3A_1482 = arith.constant 5 : i32
    %dma_wait3A_1483 = arith.constant 0 : i32
    %dma_wait3A_1484 = tpu.memref_slice %arg2[%add3A_1076, %dma_wait3A_1482, %dma_wait3A_1483] : memref<4096x8x512xf32, #tpu.memory_space<hbm>> -> memref<16x1x512xf32, #tpu.memory_space<hbm>>
    tpu.wait_dma2 semaphore(%arg6 : memref<!tpu.dma_semaphore, #tpu.memory_space<semaphore_mem>>) src(%dma_wait3A_1484 : memref<16x1x512xf32, #tpu.memory_space<hbm>>) dst(%dma_wait3A_1481 : memref<16x1x512xf32, #tpu.memory_space<vmem>>)
    %dma_wait3A_1485 = arith.constant 0 : i32
    %dma_wait3A_1486 = arith.constant 4 : i32
    %dma_wait3A_1487 = arith.constant 0 : i32
    %dma_wait3A_1488 = tpu.memref_slice %arg5[%dma_wait3A_1485, %dma_wait3A_1486, %dma_wait3A_1487] : memref<16x8x512xf32, #tpu.memory_space<vmem>> -> memref<16x1x512xf32, #tpu.memory_space<vmem>>
    %dma_wait3A_1489 = arith.constant 3 : i32
    %dma_wait3A_1490 = arith.constant 0 : i32
    %dma_wait3A_1491 = tpu.memref_slice %arg2[%add3A_1076, %dma_wait3A_1489, %dma_wait3A_1490] : memref<4096x8x512xf32, #tpu.memory_space<hbm>> -> memref<16x1x512xf32, #tpu.memory_space<hbm>>
    %dma_wait3A_1492 = arith.constant 0 : i32
    %dma_wait3A_1493 = arith.constant 4 : i32
    %dma_wait3A_1494 = arith.constant 0 : i32
    %dma_wait3A_1495 = tpu.memref_slice %arg5[%dma_wait3A_1492, %dma_wait3A_1493, %dma_wait3A_1494] : memref<16x8x512xf32, #tpu.memory_space<vmem>> -> memref<16x1x512xf32, #tpu.memory_space<vmem>>
    %dma_wait3A_1496 = arith.constant 3 : i32
    %dma_wait3A_1497 = arith.constant 0 : i32
    %dma_wait3A_1498 = tpu.memref_slice %arg2[%add3A_1076, %dma_wait3A_1496, %dma_wait3A_1497] : memref<4096x8x512xf32, #tpu.memory_space<hbm>> -> memref<16x1x512xf32, #tpu.memory_space<hbm>>
    tpu.wait_dma2 semaphore(%arg6 : memref<!tpu.dma_semaphore, #tpu.memory_space<semaphore_mem>>) src(%dma_wait3A_1498 : memref<16x1x512xf32, #tpu.memory_space<hbm>>) dst(%dma_wait3A_1495 : memref<16x1x512xf32, #tpu.memory_space<vmem>>)
    %dma_wait3A_1499 = arith.constant 0 : i32
    %dma_wait3A_1500 = arith.constant 5 : i32
    %dma_wait3A_1501 = arith.constant 0 : i32
    %dma_wait3A_1502 = tpu.memref_slice %arg5[%dma_wait3A_1499, %dma_wait3A_1500, %dma_wait3A_1501] : memref<16x8x512xf32, #tpu.memory_space<vmem>> -> memref<16x1x512xf32, #tpu.memory_space<vmem>>
    %dma_wait3A_1503 = arith.constant 6 : i32
    %dma_wait3A_1504 = arith.constant 0 : i32
    %dma_wait3A_1505 = tpu.memref_slice %arg2[%add3A_1076, %dma_wait3A_1503, %dma_wait3A_1504] : memref<4096x8x512xf32, #tpu.memory_space<hbm>> -> memref<16x1x512xf32, #tpu.memory_space<hbm>>
    %dma_wait3A_1506 = arith.constant 0 : i32
    %dma_wait3A_1507 = arith.constant 5 : i32
    %dma_wait3A_1508 = arith.constant 0 : i32
    %dma_wait3A_1509 = tpu.memref_slice %arg5[%dma_wait3A_1506, %dma_wait3A_1507, %dma_wait3A_1508] : memref<16x8x512xf32, #tpu.memory_space<vmem>> -> memref<16x1x512xf32, #tpu.memory_space<vmem>>
    %dma_wait3A_1510 = arith.constant 6 : i32
    %dma_wait3A_1511 = arith.constant 0 : i32
    %dma_wait3A_1512 = tpu.memref_slice %arg2[%add3A_1076, %dma_wait3A_1510, %dma_wait3A_1511] : memref<4096x8x512xf32, #tpu.memory_space<hbm>> -> memref<16x1x512xf32, #tpu.memory_space<hbm>>
    tpu.wait_dma2 semaphore(%arg6 : memref<!tpu.dma_semaphore, #tpu.memory_space<semaphore_mem>>) src(%dma_wait3A_1512 : memref<16x1x512xf32, #tpu.memory_space<hbm>>) dst(%dma_wait3A_1509 : memref<16x1x512xf32, #tpu.memory_space<vmem>>)
    %dma_wait3A_1513 = arith.constant 0 : i32
    %dma_wait3A_1514 = arith.constant 6 : i32
    %dma_wait3A_1515 = arith.constant 0 : i32
    %dma_wait3A_1516 = tpu.memref_slice %arg5[%dma_wait3A_1513, %dma_wait3A_1514, %dma_wait3A_1515] : memref<16x8x512xf32, #tpu.memory_space<vmem>> -> memref<16x1x512xf32, #tpu.memory_space<vmem>>
    %dma_wait3A_1517 = arith.constant 0 : i32
    %dma_wait3A_1518 = arith.constant 0 : i32
    %dma_wait3A_1519 = tpu.memref_slice %arg2[%add3A_1076, %dma_wait3A_1517, %dma_wait3A_1518] : memref<4096x8x512xf32, #tpu.memory_space<hbm>> -> memref<16x1x512xf32, #tpu.memory_space<hbm>>
    %dma_wait3A_1520 = arith.constant 0 : i32
    %dma_wait3A_1521 = arith.constant 6 : i32
    %dma_wait3A_1522 = arith.constant 0 : i32
    %dma_wait3A_1523 = tpu.memref_slice %arg5[%dma_wait3A_1520, %dma_wait3A_1521, %dma_wait3A_1522] : memref<16x8x512xf32, #tpu.memory_space<vmem>> -> memref<16x1x512xf32, #tpu.memory_space<vmem>>
    %dma_wait3A_1524 = arith.constant 0 : i32
    %dma_wait3A_1525 = arith.constant 0 : i32
    %dma_wait3A_1526 = tpu.memref_slice %arg2[%add3A_1076, %dma_wait3A_1524, %dma_wait3A_1525] : memref<4096x8x512xf32, #tpu.memory_space<hbm>> -> memref<16x1x512xf32, #tpu.memory_space<hbm>>
    tpu.wait_dma2 semaphore(%arg6 : memref<!tpu.dma_semaphore, #tpu.memory_space<semaphore_mem>>) src(%dma_wait3A_1526 : memref<16x1x512xf32, #tpu.memory_space<hbm>>) dst(%dma_wait3A_1523 : memref<16x1x512xf32, #tpu.memory_space<vmem>>)
    %dma_wait3A_1527 = arith.constant 0 : i32
    %dma_wait3A_1528 = arith.constant 7 : i32
    %dma_wait3A_1529 = arith.constant 0 : i32
    %dma_wait3A_1530 = tpu.memref_slice %arg5[%dma_wait3A_1527, %dma_wait3A_1528, %dma_wait3A_1529] : memref<16x8x512xf32, #tpu.memory_space<vmem>> -> memref<16x1x512xf32, #tpu.memory_space<vmem>>
    %dma_wait3A_1531 = arith.constant 1 : i32
    %dma_wait3A_1532 = arith.constant 0 : i32
    %dma_wait3A_1533 = tpu.memref_slice %arg2[%add3A_1076, %dma_wait3A_1531, %dma_wait3A_1532] : memref<4096x8x512xf32, #tpu.memory_space<hbm>> -> memref<16x1x512xf32, #tpu.memory_space<hbm>>
    %dma_wait3A_1534 = arith.constant 0 : i32
    %dma_wait3A_1535 = arith.constant 7 : i32
    %dma_wait3A_1536 = arith.constant 0 : i32
    %dma_wait3A_1537 = tpu.memref_slice %arg5[%dma_wait3A_1534, %dma_wait3A_1535, %dma_wait3A_1536] : memref<16x8x512xf32, #tpu.memory_space<vmem>> -> memref<16x1x512xf32, #tpu.memory_space<vmem>>
    %dma_wait3A_1538 = arith.constant 1 : i32
    %dma_wait3A_1539 = arith.constant 0 : i32
    %dma_wait3A_1540 = tpu.memref_slice %arg2[%add3A_1076, %dma_wait3A_1538, %dma_wait3A_1539] : memref<4096x8x512xf32, #tpu.memory_space<hbm>> -> memref<16x1x512xf32, #tpu.memory_space<hbm>>
    tpu.wait_dma2 semaphore(%arg6 : memref<!tpu.dma_semaphore, #tpu.memory_space<semaphore_mem>>) src(%dma_wait3A_1540 : memref<16x1x512xf32, #tpu.memory_space<hbm>>) dst(%dma_wait3A_1537 : memref<16x1x512xf32, #tpu.memory_space<vmem>>)
    %add3A_1541 = arith.constant 80 : i32
    %add3A_1542 = arith.addi %mul3A_2, %add3A_1541 : i32
    %dma_start3A_1543 = arith.constant 0 : i32
    %dma_start3A_1544 = arith.constant 0 : i32
    %dma_start3A_1545 = tpu.memref_slice %arg3[%add3A_1542, %dma_start3A_1543, %dma_start3A_1544] : memref<4096x8x512xf32, #tpu.memory_space<hbm>> -> memref<16x8x512xf32, #tpu.memory_space<hbm>>
    %dma_start3A_1546 = arith.constant 0 : i32
    %dma_start3A_1547 = arith.constant 0 : i32
    %dma_start3A_1548 = tpu.memref_slice %arg3[%add3A_1542, %dma_start3A_1546, %dma_start3A_1547] : memref<4096x8x512xf32, #tpu.memory_space<hbm>> -> memref<16x8x512xf32, #tpu.memory_space<hbm>>
    tpu.enqueue_dma source(%arg5 : memref<16x8x512xf32, #tpu.memory_space<vmem>>) target(%dma_start3A_1548 : memref<16x8x512xf32, #tpu.memory_space<hbm>>) target_semaphore(%arg7 : memref<!tpu.dma_semaphore, #tpu.memory_space<semaphore_mem>>)
    %dma_wait3A_1549 = arith.constant 0 : i32
    %dma_wait3A_1550 = arith.constant 0 : i32
    %dma_wait3A_1551 = tpu.memref_slice %arg3[%add3A_1542, %dma_wait3A_1549, %dma_wait3A_1550] : memref<4096x8x512xf32, #tpu.memory_space<hbm>> -> memref<16x8x512xf32, #tpu.memory_space<hbm>>
    %dma_wait3A_1552 = arith.constant 0 : i32
    %dma_wait3A_1553 = arith.constant 0 : i32
    %dma_wait3A_1554 = tpu.memref_slice %arg3[%add3A_1542, %dma_wait3A_1552, %dma_wait3A_1553] : memref<4096x8x512xf32, #tpu.memory_space<hbm>> -> memref<16x8x512xf32, #tpu.memory_space<hbm>>
    tpu.wait_dma2 semaphore(%arg7 : memref<!tpu.dma_semaphore, #tpu.memory_space<semaphore_mem>>) src(%arg5 : memref<16x8x512xf32, #tpu.memory_space<vmem>>) dst(%dma_wait3A_1554 : memref<16x8x512xf32, #tpu.memory_space<hbm>>)
    %add3A_1555 = arith.constant 112 : i32
    %add3A_1556 = arith.addi %mul3A_2, %add3A_1555 : i32
    %dma_start3A_1557 = arith.constant 0 : i32
    %dma_start3A_1558 = arith.constant 0 : i32
    %dma_start3A_1559 = arith.constant 0 : i32
    %dma_start3A_1560 = tpu.memref_slice %arg5[%dma_start3A_1557, %dma_start3A_1558, %dma_start3A_1559] : memref<16x8x512xf32, #tpu.memory_space<vmem>> -> memref<16x1x512xf32, #tpu.memory_space<vmem>>
    %dma_start3A_1561 = arith.constant 7 : i32
    %dma_start3A_1562 = arith.constant 0 : i32
    %dma_start3A_1563 = tpu.memref_slice %arg2[%add3A_1556, %dma_start3A_1561, %dma_start3A_1562] : memref<4096x8x512xf32, #tpu.memory_space<hbm>> -> memref<16x1x512xf32, #tpu.memory_space<hbm>>
    %dma_start3A_1564 = arith.constant 0 : i32
    %dma_start3A_1565 = arith.constant 0 : i32
    %dma_start3A_1566 = arith.constant 0 : i32
    %dma_start3A_1567 = tpu.memref_slice %arg5[%dma_start3A_1564, %dma_start3A_1565, %dma_start3A_1566] : memref<16x8x512xf32, #tpu.memory_space<vmem>> -> memref<16x1x512xf32, #tpu.memory_space<vmem>>
    %dma_start3A_1568 = arith.constant 7 : i32
    %dma_start3A_1569 = arith.constant 0 : i32
    %dma_start3A_1570 = tpu.memref_slice %arg2[%add3A_1556, %dma_start3A_1568, %dma_start3A_1569] : memref<4096x8x512xf32, #tpu.memory_space<hbm>> -> memref<16x1x512xf32, #tpu.memory_space<hbm>>
    tpu.enqueue_dma source(%dma_start3A_1570 : memref<16x1x512xf32, #tpu.memory_space<hbm>>) target(%dma_start3A_1567 : memref<16x1x512xf32, #tpu.memory_space<vmem>>) target_semaphore(%arg6 : memref<!tpu.dma_semaphore, #tpu.memory_space<semaphore_mem>>)
    %dma_start3A_1571 = arith.constant 0 : i32
    %dma_start3A_1572 = arith.constant 1 : i32
    %dma_start3A_1573 = arith.constant 0 : i32
    %dma_start3A_1574 = tpu.memref_slice %arg5[%dma_start3A_1571, %dma_start3A_1572, %dma_start3A_1573] : memref<16x8x512xf32, #tpu.memory_space<vmem>> -> memref<16x1x512xf32, #tpu.memory_space<vmem>>
    %dma_start3A_1575 = arith.constant 4 : i32
    %dma_start3A_1576 = arith.constant 0 : i32
    %dma_start3A_1577 = tpu.memref_slice %arg2[%add3A_1556, %dma_start3A_1575, %dma_start3A_1576] : memref<4096x8x512xf32, #tpu.memory_space<hbm>> -> memref<16x1x512xf32, #tpu.memory_space<hbm>>
    %dma_start3A_1578 = arith.constant 0 : i32
    %dma_start3A_1579 = arith.constant 1 : i32
    %dma_start3A_1580 = arith.constant 0 : i32
    %dma_start3A_1581 = tpu.memref_slice %arg5[%dma_start3A_1578, %dma_start3A_1579, %dma_start3A_1580] : memref<16x8x512xf32, #tpu.memory_space<vmem>> -> memref<16x1x512xf32, #tpu.memory_space<vmem>>
    %dma_start3A_1582 = arith.constant 4 : i32
    %dma_start3A_1583 = arith.constant 0 : i32
    %dma_start3A_1584 = tpu.memref_slice %arg2[%add3A_1556, %dma_start3A_1582, %dma_start3A_1583] : memref<4096x8x512xf32, #tpu.memory_space<hbm>> -> memref<16x1x512xf32, #tpu.memory_space<hbm>>
    tpu.enqueue_dma source(%dma_start3A_1584 : memref<16x1x512xf32, #tpu.memory_space<hbm>>) target(%dma_start3A_1581 : memref<16x1x512xf32, #tpu.memory_space<vmem>>) target_semaphore(%arg6 : memref<!tpu.dma_semaphore, #tpu.memory_space<semaphore_mem>>)
    %dma_start3A_1585 = arith.constant 0 : i32
    %dma_start3A_1586 = arith.constant 2 : i32
    %dma_start3A_1587 = arith.constant 0 : i32
    %dma_start3A_1588 = tpu.memref_slice %arg5[%dma_start3A_1585, %dma_start3A_1586, %dma_start3A_1587] : memref<16x8x512xf32, #tpu.memory_space<vmem>> -> memref<16x1x512xf32, #tpu.memory_space<vmem>>
    %dma_start3A_1589 = arith.constant 2 : i32
    %dma_start3A_1590 = arith.constant 0 : i32
    %dma_start3A_1591 = tpu.memref_slice %arg2[%add3A_1556, %dma_start3A_1589, %dma_start3A_1590] : memref<4096x8x512xf32, #tpu.memory_space<hbm>> -> memref<16x1x512xf32, #tpu.memory_space<hbm>>
    %dma_start3A_1592 = arith.constant 0 : i32
    %dma_start3A_1593 = arith.constant 2 : i32
    %dma_start3A_1594 = arith.constant 0 : i32
    %dma_start3A_1595 = tpu.memref_slice %arg5[%dma_start3A_1592, %dma_start3A_1593, %dma_start3A_1594] : memref<16x8x512xf32, #tpu.memory_space<vmem>> -> memref<16x1x512xf32, #tpu.memory_space<vmem>>
    %dma_start3A_1596 = arith.constant 2 : i32
    %dma_start3A_1597 = arith.constant 0 : i32
    %dma_start3A_1598 = tpu.memref_slice %arg2[%add3A_1556, %dma_start3A_1596, %dma_start3A_1597] : memref<4096x8x512xf32, #tpu.memory_space<hbm>> -> memref<16x1x512xf32, #tpu.memory_space<hbm>>
    tpu.enqueue_dma source(%dma_start3A_1598 : memref<16x1x512xf32, #tpu.memory_space<hbm>>) target(%dma_start3A_1595 : memref<16x1x512xf32, #tpu.memory_space<vmem>>) target_semaphore(%arg6 : memref<!tpu.dma_semaphore, #tpu.memory_space<semaphore_mem>>)
    %dma_start3A_1599 = arith.constant 0 : i32
    %dma_start3A_1600 = arith.constant 3 : i32
    %dma_start3A_1601 = arith.constant 0 : i32
    %dma_start3A_1602 = tpu.memref_slice %arg5[%dma_start3A_1599, %dma_start3A_1600, %dma_start3A_1601] : memref<16x8x512xf32, #tpu.memory_space<vmem>> -> memref<16x1x512xf32, #tpu.memory_space<vmem>>
    %dma_start3A_1603 = arith.constant 5 : i32
    %dma_start3A_1604 = arith.constant 0 : i32
    %dma_start3A_1605 = tpu.memref_slice %arg2[%add3A_1556, %dma_start3A_1603, %dma_start3A_1604] : memref<4096x8x512xf32, #tpu.memory_space<hbm>> -> memref<16x1x512xf32, #tpu.memory_space<hbm>>
    %dma_start3A_1606 = arith.constant 0 : i32
    %dma_start3A_1607 = arith.constant 3 : i32
    %dma_start3A_1608 = arith.constant 0 : i32
    %dma_start3A_1609 = tpu.memref_slice %arg5[%dma_start3A_1606, %dma_start3A_1607, %dma_start3A_1608] : memref<16x8x512xf32, #tpu.memory_space<vmem>> -> memref<16x1x512xf32, #tpu.memory_space<vmem>>
    %dma_start3A_1610 = arith.constant 5 : i32
    %dma_start3A_1611 = arith.constant 0 : i32
    %dma_start3A_1612 = tpu.memref_slice %arg2[%add3A_1556, %dma_start3A_1610, %dma_start3A_1611] : memref<4096x8x512xf32, #tpu.memory_space<hbm>> -> memref<16x1x512xf32, #tpu.memory_space<hbm>>
    tpu.enqueue_dma source(%dma_start3A_1612 : memref<16x1x512xf32, #tpu.memory_space<hbm>>) target(%dma_start3A_1609 : memref<16x1x512xf32, #tpu.memory_space<vmem>>) target_semaphore(%arg6 : memref<!tpu.dma_semaphore, #tpu.memory_space<semaphore_mem>>)
    %dma_start3A_1613 = arith.constant 0 : i32
    %dma_start3A_1614 = arith.constant 4 : i32
    %dma_start3A_1615 = arith.constant 0 : i32
    %dma_start3A_1616 = tpu.memref_slice %arg5[%dma_start3A_1613, %dma_start3A_1614, %dma_start3A_1615] : memref<16x8x512xf32, #tpu.memory_space<vmem>> -> memref<16x1x512xf32, #tpu.memory_space<vmem>>
    %dma_start3A_1617 = arith.constant 3 : i32
    %dma_start3A_1618 = arith.constant 0 : i32
    %dma_start3A_1619 = tpu.memref_slice %arg2[%add3A_1556, %dma_start3A_1617, %dma_start3A_1618] : memref<4096x8x512xf32, #tpu.memory_space<hbm>> -> memref<16x1x512xf32, #tpu.memory_space<hbm>>
    %dma_start3A_1620 = arith.constant 0 : i32
    %dma_start3A_1621 = arith.constant 4 : i32
    %dma_start3A_1622 = arith.constant 0 : i32
    %dma_start3A_1623 = tpu.memref_slice %arg5[%dma_start3A_1620, %dma_start3A_1621, %dma_start3A_1622] : memref<16x8x512xf32, #tpu.memory_space<vmem>> -> memref<16x1x512xf32, #tpu.memory_space<vmem>>
    %dma_start3A_1624 = arith.constant 3 : i32
    %dma_start3A_1625 = arith.constant 0 : i32
    %dma_start3A_1626 = tpu.memref_slice %arg2[%add3A_1556, %dma_start3A_1624, %dma_start3A_1625] : memref<4096x8x512xf32, #tpu.memory_space<hbm>> -> memref<16x1x512xf32, #tpu.memory_space<hbm>>
    tpu.enqueue_dma source(%dma_start3A_1626 : memref<16x1x512xf32, #tpu.memory_space<hbm>>) target(%dma_start3A_1623 : memref<16x1x512xf32, #tpu.memory_space<vmem>>) target_semaphore(%arg6 : memref<!tpu.dma_semaphore, #tpu.memory_space<semaphore_mem>>)
    %dma_start3A_1627 = arith.constant 0 : i32
    %dma_start3A_1628 = arith.constant 5 : i32
    %dma_start3A_1629 = arith.constant 0 : i32
    %dma_start3A_1630 = tpu.memref_slice %arg5[%dma_start3A_1627, %dma_start3A_1628, %dma_start3A_1629] : memref<16x8x512xf32, #tpu.memory_space<vmem>> -> memref<16x1x512xf32, #tpu.memory_space<vmem>>
    %dma_start3A_1631 = arith.constant 6 : i32
    %dma_start3A_1632 = arith.constant 0 : i32
    %dma_start3A_1633 = tpu.memref_slice %arg2[%add3A_1556, %dma_start3A_1631, %dma_start3A_1632] : memref<4096x8x512xf32, #tpu.memory_space<hbm>> -> memref<16x1x512xf32, #tpu.memory_space<hbm>>
    %dma_start3A_1634 = arith.constant 0 : i32
    %dma_start3A_1635 = arith.constant 5 : i32
    %dma_start3A_1636 = arith.constant 0 : i32
    %dma_start3A_1637 = tpu.memref_slice %arg5[%dma_start3A_1634, %dma_start3A_1635, %dma_start3A_1636] : memref<16x8x512xf32, #tpu.memory_space<vmem>> -> memref<16x1x512xf32, #tpu.memory_space<vmem>>
    %dma_start3A_1638 = arith.constant 6 : i32
    %dma_start3A_1639 = arith.constant 0 : i32
    %dma_start3A_1640 = tpu.memref_slice %arg2[%add3A_1556, %dma_start3A_1638, %dma_start3A_1639] : memref<4096x8x512xf32, #tpu.memory_space<hbm>> -> memref<16x1x512xf32, #tpu.memory_space<hbm>>
    tpu.enqueue_dma source(%dma_start3A_1640 : memref<16x1x512xf32, #tpu.memory_space<hbm>>) target(%dma_start3A_1637 : memref<16x1x512xf32, #tpu.memory_space<vmem>>) target_semaphore(%arg6 : memref<!tpu.dma_semaphore, #tpu.memory_space<semaphore_mem>>)
    %dma_start3A_1641 = arith.constant 0 : i32
    %dma_start3A_1642 = arith.constant 6 : i32
    %dma_start3A_1643 = arith.constant 0 : i32
    %dma_start3A_1644 = tpu.memref_slice %arg5[%dma_start3A_1641, %dma_start3A_1642, %dma_start3A_1643] : memref<16x8x512xf32, #tpu.memory_space<vmem>> -> memref<16x1x512xf32, #tpu.memory_space<vmem>>
    %dma_start3A_1645 = arith.constant 0 : i32
    %dma_start3A_1646 = arith.constant 0 : i32
    %dma_start3A_1647 = tpu.memref_slice %arg2[%add3A_1556, %dma_start3A_1645, %dma_start3A_1646] : memref<4096x8x512xf32, #tpu.memory_space<hbm>> -> memref<16x1x512xf32, #tpu.memory_space<hbm>>
    %dma_start3A_1648 = arith.constant 0 : i32
    %dma_start3A_1649 = arith.constant 6 : i32
    %dma_start3A_1650 = arith.constant 0 : i32
    %dma_start3A_1651 = tpu.memref_slice %arg5[%dma_start3A_1648, %dma_start3A_1649, %dma_start3A_1650] : memref<16x8x512xf32, #tpu.memory_space<vmem>> -> memref<16x1x512xf32, #tpu.memory_space<vmem>>
    %dma_start3A_1652 = arith.constant 0 : i32
    %dma_start3A_1653 = arith.constant 0 : i32
    %dma_start3A_1654 = tpu.memref_slice %arg2[%add3A_1556, %dma_start3A_1652, %dma_start3A_1653] : memref<4096x8x512xf32, #tpu.memory_space<hbm>> -> memref<16x1x512xf32, #tpu.memory_space<hbm>>
    tpu.enqueue_dma source(%dma_start3A_1654 : memref<16x1x512xf32, #tpu.memory_space<hbm>>) target(%dma_start3A_1651 : memref<16x1x512xf32, #tpu.memory_space<vmem>>) target_semaphore(%arg6 : memref<!tpu.dma_semaphore, #tpu.memory_space<semaphore_mem>>)
    %dma_start3A_1655 = arith.constant 0 : i32
    %dma_start3A_1656 = arith.constant 7 : i32
    %dma_start3A_1657 = arith.constant 0 : i32
    %dma_start3A_1658 = tpu.memref_slice %arg5[%dma_start3A_1655, %dma_start3A_1656, %dma_start3A_1657] : memref<16x8x512xf32, #tpu.memory_space<vmem>> -> memref<16x1x512xf32, #tpu.memory_space<vmem>>
    %dma_start3A_1659 = arith.constant 1 : i32
    %dma_start3A_1660 = arith.constant 0 : i32
    %dma_start3A_1661 = tpu.memref_slice %arg2[%add3A_1556, %dma_start3A_1659, %dma_start3A_1660] : memref<4096x8x512xf32, #tpu.memory_space<hbm>> -> memref<16x1x512xf32, #tpu.memory_space<hbm>>
    %dma_start3A_1662 = arith.constant 0 : i32
    %dma_start3A_1663 = arith.constant 7 : i32
    %dma_start3A_1664 = arith.constant 0 : i32
    %dma_start3A_1665 = tpu.memref_slice %arg5[%dma_start3A_1662, %dma_start3A_1663, %dma_start3A_1664] : memref<16x8x512xf32, #tpu.memory_space<vmem>> -> memref<16x1x512xf32, #tpu.memory_space<vmem>>
    %dma_start3A_1666 = arith.constant 1 : i32
    %dma_start3A_1667 = arith.constant 0 : i32
    %dma_start3A_1668 = tpu.memref_slice %arg2[%add3A_1556, %dma_start3A_1666, %dma_start3A_1667] : memref<4096x8x512xf32, #tpu.memory_space<hbm>> -> memref<16x1x512xf32, #tpu.memory_space<hbm>>
    tpu.enqueue_dma source(%dma_start3A_1668 : memref<16x1x512xf32, #tpu.memory_space<hbm>>) target(%dma_start3A_1665 : memref<16x1x512xf32, #tpu.memory_space<vmem>>) target_semaphore(%arg6 : memref<!tpu.dma_semaphore, #tpu.memory_space<semaphore_mem>>)
    %dma_wait3A_1669 = arith.constant 0 : i32
    %dma_wait3A_1670 = arith.constant 0 : i32
    %dma_wait3A_1671 = arith.constant 0 : i32
    %dma_wait3A_1672 = tpu.memref_slice %arg4[%dma_wait3A_1669, %dma_wait3A_1670, %dma_wait3A_1671] : memref<16x8x512xf32, #tpu.memory_space<vmem>> -> memref<16x1x512xf32, #tpu.memory_space<vmem>>
    %dma_wait3A_1673 = arith.constant 7 : i32
    %dma_wait3A_1674 = arith.constant 0 : i32
    %dma_wait3A_1675 = tpu.memref_slice %arg2[%add3A_1316, %dma_wait3A_1673, %dma_wait3A_1674] : memref<4096x8x512xf32, #tpu.memory_space<hbm>> -> memref<16x1x512xf32, #tpu.memory_space<hbm>>
    %dma_wait3A_1676 = arith.constant 0 : i32
    %dma_wait3A_1677 = arith.constant 0 : i32
    %dma_wait3A_1678 = arith.constant 0 : i32
    %dma_wait3A_1679 = tpu.memref_slice %arg4[%dma_wait3A_1676, %dma_wait3A_1677, %dma_wait3A_1678] : memref<16x8x512xf32, #tpu.memory_space<vmem>> -> memref<16x1x512xf32, #tpu.memory_space<vmem>>
    %dma_wait3A_1680 = arith.constant 7 : i32
    %dma_wait3A_1681 = arith.constant 0 : i32
    %dma_wait3A_1682 = tpu.memref_slice %arg2[%add3A_1316, %dma_wait3A_1680, %dma_wait3A_1681] : memref<4096x8x512xf32, #tpu.memory_space<hbm>> -> memref<16x1x512xf32, #tpu.memory_space<hbm>>
    tpu.wait_dma2 semaphore(%arg6 : memref<!tpu.dma_semaphore, #tpu.memory_space<semaphore_mem>>) src(%dma_wait3A_1682 : memref<16x1x512xf32, #tpu.memory_space<hbm>>) dst(%dma_wait3A_1679 : memref<16x1x512xf32, #tpu.memory_space<vmem>>)
    %dma_wait3A_1683 = arith.constant 0 : i32
    %dma_wait3A_1684 = arith.constant 1 : i32
    %dma_wait3A_1685 = arith.constant 0 : i32
    %dma_wait3A_1686 = tpu.memref_slice %arg4[%dma_wait3A_1683, %dma_wait3A_1684, %dma_wait3A_1685] : memref<16x8x512xf32, #tpu.memory_space<vmem>> -> memref<16x1x512xf32, #tpu.memory_space<vmem>>
    %dma_wait3A_1687 = arith.constant 4 : i32
    %dma_wait3A_1688 = arith.constant 0 : i32
    %dma_wait3A_1689 = tpu.memref_slice %arg2[%add3A_1316, %dma_wait3A_1687, %dma_wait3A_1688] : memref<4096x8x512xf32, #tpu.memory_space<hbm>> -> memref<16x1x512xf32, #tpu.memory_space<hbm>>
    %dma_wait3A_1690 = arith.constant 0 : i32
    %dma_wait3A_1691 = arith.constant 1 : i32
    %dma_wait3A_1692 = arith.constant 0 : i32
    %dma_wait3A_1693 = tpu.memref_slice %arg4[%dma_wait3A_1690, %dma_wait3A_1691, %dma_wait3A_1692] : memref<16x8x512xf32, #tpu.memory_space<vmem>> -> memref<16x1x512xf32, #tpu.memory_space<vmem>>
    %dma_wait3A_1694 = arith.constant 4 : i32
    %dma_wait3A_1695 = arith.constant 0 : i32
    %dma_wait3A_1696 = tpu.memref_slice %arg2[%add3A_1316, %dma_wait3A_1694, %dma_wait3A_1695] : memref<4096x8x512xf32, #tpu.memory_space<hbm>> -> memref<16x1x512xf32, #tpu.memory_space<hbm>>
    tpu.wait_dma2 semaphore(%arg6 : memref<!tpu.dma_semaphore, #tpu.memory_space<semaphore_mem>>) src(%dma_wait3A_1696 : memref<16x1x512xf32, #tpu.memory_space<hbm>>) dst(%dma_wait3A_1693 : memref<16x1x512xf32, #tpu.memory_space<vmem>>)
    %dma_wait3A_1697 = arith.constant 0 : i32
    %dma_wait3A_1698 = arith.constant 2 : i32
    %dma_wait3A_1699 = arith.constant 0 : i32
    %dma_wait3A_1700 = tpu.memref_slice %arg4[%dma_wait3A_1697, %dma_wait3A_1698, %dma_wait3A_1699] : memref<16x8x512xf32, #tpu.memory_space<vmem>> -> memref<16x1x512xf32, #tpu.memory_space<vmem>>
    %dma_wait3A_1701 = arith.constant 2 : i32
    %dma_wait3A_1702 = arith.constant 0 : i32
    %dma_wait3A_1703 = tpu.memref_slice %arg2[%add3A_1316, %dma_wait3A_1701, %dma_wait3A_1702] : memref<4096x8x512xf32, #tpu.memory_space<hbm>> -> memref<16x1x512xf32, #tpu.memory_space<hbm>>
    %dma_wait3A_1704 = arith.constant 0 : i32
    %dma_wait3A_1705 = arith.constant 2 : i32
    %dma_wait3A_1706 = arith.constant 0 : i32
    %dma_wait3A_1707 = tpu.memref_slice %arg4[%dma_wait3A_1704, %dma_wait3A_1705, %dma_wait3A_1706] : memref<16x8x512xf32, #tpu.memory_space<vmem>> -> memref<16x1x512xf32, #tpu.memory_space<vmem>>
    %dma_wait3A_1708 = arith.constant 2 : i32
    %dma_wait3A_1709 = arith.constant 0 : i32
    %dma_wait3A_1710 = tpu.memref_slice %arg2[%add3A_1316, %dma_wait3A_1708, %dma_wait3A_1709] : memref<4096x8x512xf32, #tpu.memory_space<hbm>> -> memref<16x1x512xf32, #tpu.memory_space<hbm>>
    tpu.wait_dma2 semaphore(%arg6 : memref<!tpu.dma_semaphore, #tpu.memory_space<semaphore_mem>>) src(%dma_wait3A_1710 : memref<16x1x512xf32, #tpu.memory_space<hbm>>) dst(%dma_wait3A_1707 : memref<16x1x512xf32, #tpu.memory_space<vmem>>)
    %dma_wait3A_1711 = arith.constant 0 : i32
    %dma_wait3A_1712 = arith.constant 3 : i32
    %dma_wait3A_1713 = arith.constant 0 : i32
    %dma_wait3A_1714 = tpu.memref_slice %arg4[%dma_wait3A_1711, %dma_wait3A_1712, %dma_wait3A_1713] : memref<16x8x512xf32, #tpu.memory_space<vmem>> -> memref<16x1x512xf32, #tpu.memory_space<vmem>>
    %dma_wait3A_1715 = arith.constant 5 : i32
    %dma_wait3A_1716 = arith.constant 0 : i32
    %dma_wait3A_1717 = tpu.memref_slice %arg2[%add3A_1316, %dma_wait3A_1715, %dma_wait3A_1716] : memref<4096x8x512xf32, #tpu.memory_space<hbm>> -> memref<16x1x512xf32, #tpu.memory_space<hbm>>
    %dma_wait3A_1718 = arith.constant 0 : i32
    %dma_wait3A_1719 = arith.constant 3 : i32
    %dma_wait3A_1720 = arith.constant 0 : i32
    %dma_wait3A_1721 = tpu.memref_slice %arg4[%dma_wait3A_1718, %dma_wait3A_1719, %dma_wait3A_1720] : memref<16x8x512xf32, #tpu.memory_space<vmem>> -> memref<16x1x512xf32, #tpu.memory_space<vmem>>
    %dma_wait3A_1722 = arith.constant 5 : i32
    %dma_wait3A_1723 = arith.constant 0 : i32
    %dma_wait3A_1724 = tpu.memref_slice %arg2[%add3A_1316, %dma_wait3A_1722, %dma_wait3A_1723] : memref<4096x8x512xf32, #tpu.memory_space<hbm>> -> memref<16x1x512xf32, #tpu.memory_space<hbm>>
    tpu.wait_dma2 semaphore(%arg6 : memref<!tpu.dma_semaphore, #tpu.memory_space<semaphore_mem>>) src(%dma_wait3A_1724 : memref<16x1x512xf32, #tpu.memory_space<hbm>>) dst(%dma_wait3A_1721 : memref<16x1x512xf32, #tpu.memory_space<vmem>>)
    %dma_wait3A_1725 = arith.constant 0 : i32
    %dma_wait3A_1726 = arith.constant 4 : i32
    %dma_wait3A_1727 = arith.constant 0 : i32
    %dma_wait3A_1728 = tpu.memref_slice %arg4[%dma_wait3A_1725, %dma_wait3A_1726, %dma_wait3A_1727] : memref<16x8x512xf32, #tpu.memory_space<vmem>> -> memref<16x1x512xf32, #tpu.memory_space<vmem>>
    %dma_wait3A_1729 = arith.constant 3 : i32
    %dma_wait3A_1730 = arith.constant 0 : i32
    %dma_wait3A_1731 = tpu.memref_slice %arg2[%add3A_1316, %dma_wait3A_1729, %dma_wait3A_1730] : memref<4096x8x512xf32, #tpu.memory_space<hbm>> -> memref<16x1x512xf32, #tpu.memory_space<hbm>>
    %dma_wait3A_1732 = arith.constant 0 : i32
    %dma_wait3A_1733 = arith.constant 4 : i32
    %dma_wait3A_1734 = arith.constant 0 : i32
    %dma_wait3A_1735 = tpu.memref_slice %arg4[%dma_wait3A_1732, %dma_wait3A_1733, %dma_wait3A_1734] : memref<16x8x512xf32, #tpu.memory_space<vmem>> -> memref<16x1x512xf32, #tpu.memory_space<vmem>>
    %dma_wait3A_1736 = arith.constant 3 : i32
    %dma_wait3A_1737 = arith.constant 0 : i32
    %dma_wait3A_1738 = tpu.memref_slice %arg2[%add3A_1316, %dma_wait3A_1736, %dma_wait3A_1737] : memref<4096x8x512xf32, #tpu.memory_space<hbm>> -> memref<16x1x512xf32, #tpu.memory_space<hbm>>
    tpu.wait_dma2 semaphore(%arg6 : memref<!tpu.dma_semaphore, #tpu.memory_space<semaphore_mem>>) src(%dma_wait3A_1738 : memref<16x1x512xf32, #tpu.memory_space<hbm>>) dst(%dma_wait3A_1735 : memref<16x1x512xf32, #tpu.memory_space<vmem>>)
    %dma_wait3A_1739 = arith.constant 0 : i32
    %dma_wait3A_1740 = arith.constant 5 : i32
    %dma_wait3A_1741 = arith.constant 0 : i32
    %dma_wait3A_1742 = tpu.memref_slice %arg4[%dma_wait3A_1739, %dma_wait3A_1740, %dma_wait3A_1741] : memref<16x8x512xf32, #tpu.memory_space<vmem>> -> memref<16x1x512xf32, #tpu.memory_space<vmem>>
    %dma_wait3A_1743 = arith.constant 6 : i32
    %dma_wait3A_1744 = arith.constant 0 : i32
    %dma_wait3A_1745 = tpu.memref_slice %arg2[%add3A_1316, %dma_wait3A_1743, %dma_wait3A_1744] : memref<4096x8x512xf32, #tpu.memory_space<hbm>> -> memref<16x1x512xf32, #tpu.memory_space<hbm>>
    %dma_wait3A_1746 = arith.constant 0 : i32
    %dma_wait3A_1747 = arith.constant 5 : i32
    %dma_wait3A_1748 = arith.constant 0 : i32
    %dma_wait3A_1749 = tpu.memref_slice %arg4[%dma_wait3A_1746, %dma_wait3A_1747, %dma_wait3A_1748] : memref<16x8x512xf32, #tpu.memory_space<vmem>> -> memref<16x1x512xf32, #tpu.memory_space<vmem>>
    %dma_wait3A_1750 = arith.constant 6 : i32
    %dma_wait3A_1751 = arith.constant 0 : i32
    %dma_wait3A_1752 = tpu.memref_slice %arg2[%add3A_1316, %dma_wait3A_1750, %dma_wait3A_1751] : memref<4096x8x512xf32, #tpu.memory_space<hbm>> -> memref<16x1x512xf32, #tpu.memory_space<hbm>>
    tpu.wait_dma2 semaphore(%arg6 : memref<!tpu.dma_semaphore, #tpu.memory_space<semaphore_mem>>) src(%dma_wait3A_1752 : memref<16x1x512xf32, #tpu.memory_space<hbm>>) dst(%dma_wait3A_1749 : memref<16x1x512xf32, #tpu.memory_space<vmem>>)
    %dma_wait3A_1753 = arith.constant 0 : i32
    %dma_wait3A_1754 = arith.constant 6 : i32
    %dma_wait3A_1755 = arith.constant 0 : i32
    %dma_wait3A_1756 = tpu.memref_slice %arg4[%dma_wait3A_1753, %dma_wait3A_1754, %dma_wait3A_1755] : memref<16x8x512xf32, #tpu.memory_space<vmem>> -> memref<16x1x512xf32, #tpu.memory_space<vmem>>
    %dma_wait3A_1757 = arith.constant 0 : i32
    %dma_wait3A_1758 = arith.constant 0 : i32
    %dma_wait3A_1759 = tpu.memref_slice %arg2[%add3A_1316, %dma_wait3A_1757, %dma_wait3A_1758] : memref<4096x8x512xf32, #tpu.memory_space<hbm>> -> memref<16x1x512xf32, #tpu.memory_space<hbm>>
    %dma_wait3A_1760 = arith.constant 0 : i32
    %dma_wait3A_1761 = arith.constant 6 : i32
    %dma_wait3A_1762 = arith.constant 0 : i32
    %dma_wait3A_1763 = tpu.memref_slice %arg4[%dma_wait3A_1760, %dma_wait3A_1761, %dma_wait3A_1762] : memref<16x8x512xf32, #tpu.memory_space<vmem>> -> memref<16x1x512xf32, #tpu.memory_space<vmem>>
    %dma_wait3A_1764 = arith.constant 0 : i32
    %dma_wait3A_1765 = arith.constant 0 : i32
    %dma_wait3A_1766 = tpu.memref_slice %arg2[%add3A_1316, %dma_wait3A_1764, %dma_wait3A_1765] : memref<4096x8x512xf32, #tpu.memory_space<hbm>> -> memref<16x1x512xf32, #tpu.memory_space<hbm>>
    tpu.wait_dma2 semaphore(%arg6 : memref<!tpu.dma_semaphore, #tpu.memory_space<semaphore_mem>>) src(%dma_wait3A_1766 : memref<16x1x512xf32, #tpu.memory_space<hbm>>) dst(%dma_wait3A_1763 : memref<16x1x512xf32, #tpu.memory_space<vmem>>)
    %dma_wait3A_1767 = arith.constant 0 : i32
    %dma_wait3A_1768 = arith.constant 7 : i32
    %dma_wait3A_1769 = arith.constant 0 : i32
    %dma_wait3A_1770 = tpu.memref_slice %arg4[%dma_wait3A_1767, %dma_wait3A_1768, %dma_wait3A_1769] : memref<16x8x512xf32, #tpu.memory_space<vmem>> -> memref<16x1x512xf32, #tpu.memory_space<vmem>>
    %dma_wait3A_1771 = arith.constant 1 : i32
    %dma_wait3A_1772 = arith.constant 0 : i32
    %dma_wait3A_1773 = tpu.memref_slice %arg2[%add3A_1316, %dma_wait3A_1771, %dma_wait3A_1772] : memref<4096x8x512xf32, #tpu.memory_space<hbm>> -> memref<16x1x512xf32, #tpu.memory_space<hbm>>
    %dma_wait3A_1774 = arith.constant 0 : i32
    %dma_wait3A_1775 = arith.constant 7 : i32
    %dma_wait3A_1776 = arith.constant 0 : i32
    %dma_wait3A_1777 = tpu.memref_slice %arg4[%dma_wait3A_1774, %dma_wait3A_1775, %dma_wait3A_1776] : memref<16x8x512xf32, #tpu.memory_space<vmem>> -> memref<16x1x512xf32, #tpu.memory_space<vmem>>
    %dma_wait3A_1778 = arith.constant 1 : i32
    %dma_wait3A_1779 = arith.constant 0 : i32
    %dma_wait3A_1780 = tpu.memref_slice %arg2[%add3A_1316, %dma_wait3A_1778, %dma_wait3A_1779] : memref<4096x8x512xf32, #tpu.memory_space<hbm>> -> memref<16x1x512xf32, #tpu.memory_space<hbm>>
    tpu.wait_dma2 semaphore(%arg6 : memref<!tpu.dma_semaphore, #tpu.memory_space<semaphore_mem>>) src(%dma_wait3A_1780 : memref<16x1x512xf32, #tpu.memory_space<hbm>>) dst(%dma_wait3A_1777 : memref<16x1x512xf32, #tpu.memory_space<vmem>>)
    %add3A_1781 = arith.constant 96 : i32
    %add3A_1782 = arith.addi %mul3A_2, %add3A_1781 : i32
    %dma_start3A_1783 = arith.constant 0 : i32
    %dma_start3A_1784 = arith.constant 0 : i32
    %dma_start3A_1785 = tpu.memref_slice %arg3[%add3A_1782, %dma_start3A_1783, %dma_start3A_1784] : memref<4096x8x512xf32, #tpu.memory_space<hbm>> -> memref<16x8x512xf32, #tpu.memory_space<hbm>>
    %dma_start3A_1786 = arith.constant 0 : i32
    %dma_start3A_1787 = arith.constant 0 : i32
    %dma_start3A_1788 = tpu.memref_slice %arg3[%add3A_1782, %dma_start3A_1786, %dma_start3A_1787] : memref<4096x8x512xf32, #tpu.memory_space<hbm>> -> memref<16x8x512xf32, #tpu.memory_space<hbm>>
    tpu.enqueue_dma source(%arg4 : memref<16x8x512xf32, #tpu.memory_space<vmem>>) target(%dma_start3A_1788 : memref<16x8x512xf32, #tpu.memory_space<hbm>>) target_semaphore(%arg7 : memref<!tpu.dma_semaphore, #tpu.memory_space<semaphore_mem>>)
    %dma_wait3A_1789 = arith.constant 0 : i32
    %dma_wait3A_1790 = arith.constant 0 : i32
    %dma_wait3A_1791 = arith.constant 0 : i32
    %dma_wait3A_1792 = tpu.memref_slice %arg5[%dma_wait3A_1789, %dma_wait3A_1790, %dma_wait3A_1791] : memref<16x8x512xf32, #tpu.memory_space<vmem>> -> memref<16x1x512xf32, #tpu.memory_space<vmem>>
    %dma_wait3A_1793 = arith.constant 7 : i32
    %dma_wait3A_1794 = arith.constant 0 : i32
    %dma_wait3A_1795 = tpu.memref_slice %arg2[%add3A_1556, %dma_wait3A_1793, %dma_wait3A_1794] : memref<4096x8x512xf32, #tpu.memory_space<hbm>> -> memref<16x1x512xf32, #tpu.memory_space<hbm>>
    %dma_wait3A_1796 = arith.constant 0 : i32
    %dma_wait3A_1797 = arith.constant 0 : i32
    %dma_wait3A_1798 = arith.constant 0 : i32
    %dma_wait3A_1799 = tpu.memref_slice %arg5[%dma_wait3A_1796, %dma_wait3A_1797, %dma_wait3A_1798] : memref<16x8x512xf32, #tpu.memory_space<vmem>> -> memref<16x1x512xf32, #tpu.memory_space<vmem>>
    %dma_wait3A_1800 = arith.constant 7 : i32
    %dma_wait3A_1801 = arith.constant 0 : i32
    %dma_wait3A_1802 = tpu.memref_slice %arg2[%add3A_1556, %dma_wait3A_1800, %dma_wait3A_1801] : memref<4096x8x512xf32, #tpu.memory_space<hbm>> -> memref<16x1x512xf32, #tpu.memory_space<hbm>>
    tpu.wait_dma2 semaphore(%arg6 : memref<!tpu.dma_semaphore, #tpu.memory_space<semaphore_mem>>) src(%dma_wait3A_1802 : memref<16x1x512xf32, #tpu.memory_space<hbm>>) dst(%dma_wait3A_1799 : memref<16x1x512xf32, #tpu.memory_space<vmem>>)
    %dma_wait3A_1803 = arith.constant 0 : i32
    %dma_wait3A_1804 = arith.constant 1 : i32
    %dma_wait3A_1805 = arith.constant 0 : i32
    %dma_wait3A_1806 = tpu.memref_slice %arg5[%dma_wait3A_1803, %dma_wait3A_1804, %dma_wait3A_1805] : memref<16x8x512xf32, #tpu.memory_space<vmem>> -> memref<16x1x512xf32, #tpu.memory_space<vmem>>
    %dma_wait3A_1807 = arith.constant 4 : i32
    %dma_wait3A_1808 = arith.constant 0 : i32
    %dma_wait3A_1809 = tpu.memref_slice %arg2[%add3A_1556, %dma_wait3A_1807, %dma_wait3A_1808] : memref<4096x8x512xf32, #tpu.memory_space<hbm>> -> memref<16x1x512xf32, #tpu.memory_space<hbm>>
    %dma_wait3A_1810 = arith.constant 0 : i32
    %dma_wait3A_1811 = arith.constant 1 : i32
    %dma_wait3A_1812 = arith.constant 0 : i32
    %dma_wait3A_1813 = tpu.memref_slice %arg5[%dma_wait3A_1810, %dma_wait3A_1811, %dma_wait3A_1812] : memref<16x8x512xf32, #tpu.memory_space<vmem>> -> memref<16x1x512xf32, #tpu.memory_space<vmem>>
    %dma_wait3A_1814 = arith.constant 4 : i32
    %dma_wait3A_1815 = arith.constant 0 : i32
    %dma_wait3A_1816 = tpu.memref_slice %arg2[%add3A_1556, %dma_wait3A_1814, %dma_wait3A_1815] : memref<4096x8x512xf32, #tpu.memory_space<hbm>> -> memref<16x1x512xf32, #tpu.memory_space<hbm>>
    tpu.wait_dma2 semaphore(%arg6 : memref<!tpu.dma_semaphore, #tpu.memory_space<semaphore_mem>>) src(%dma_wait3A_1816 : memref<16x1x512xf32, #tpu.memory_space<hbm>>) dst(%dma_wait3A_1813 : memref<16x1x512xf32, #tpu.memory_space<vmem>>)
    %dma_wait3A_1817 = arith.constant 0 : i32
    %dma_wait3A_1818 = arith.constant 2 : i32
    %dma_wait3A_1819 = arith.constant 0 : i32
    %dma_wait3A_1820 = tpu.memref_slice %arg5[%dma_wait3A_1817, %dma_wait3A_1818, %dma_wait3A_1819] : memref<16x8x512xf32, #tpu.memory_space<vmem>> -> memref<16x1x512xf32, #tpu.memory_space<vmem>>
    %dma_wait3A_1821 = arith.constant 2 : i32
    %dma_wait3A_1822 = arith.constant 0 : i32
    %dma_wait3A_1823 = tpu.memref_slice %arg2[%add3A_1556, %dma_wait3A_1821, %dma_wait3A_1822] : memref<4096x8x512xf32, #tpu.memory_space<hbm>> -> memref<16x1x512xf32, #tpu.memory_space<hbm>>
    %dma_wait3A_1824 = arith.constant 0 : i32
    %dma_wait3A_1825 = arith.constant 2 : i32
    %dma_wait3A_1826 = arith.constant 0 : i32
    %dma_wait3A_1827 = tpu.memref_slice %arg5[%dma_wait3A_1824, %dma_wait3A_1825, %dma_wait3A_1826] : memref<16x8x512xf32, #tpu.memory_space<vmem>> -> memref<16x1x512xf32, #tpu.memory_space<vmem>>
    %dma_wait3A_1828 = arith.constant 2 : i32
    %dma_wait3A_1829 = arith.constant 0 : i32
    %dma_wait3A_1830 = tpu.memref_slice %arg2[%add3A_1556, %dma_wait3A_1828, %dma_wait3A_1829] : memref<4096x8x512xf32, #tpu.memory_space<hbm>> -> memref<16x1x512xf32, #tpu.memory_space<hbm>>
    tpu.wait_dma2 semaphore(%arg6 : memref<!tpu.dma_semaphore, #tpu.memory_space<semaphore_mem>>) src(%dma_wait3A_1830 : memref<16x1x512xf32, #tpu.memory_space<hbm>>) dst(%dma_wait3A_1827 : memref<16x1x512xf32, #tpu.memory_space<vmem>>)
    %dma_wait3A_1831 = arith.constant 0 : i32
    %dma_wait3A_1832 = arith.constant 3 : i32
    %dma_wait3A_1833 = arith.constant 0 : i32
    %dma_wait3A_1834 = tpu.memref_slice %arg5[%dma_wait3A_1831, %dma_wait3A_1832, %dma_wait3A_1833] : memref<16x8x512xf32, #tpu.memory_space<vmem>> -> memref<16x1x512xf32, #tpu.memory_space<vmem>>
    %dma_wait3A_1835 = arith.constant 5 : i32
    %dma_wait3A_1836 = arith.constant 0 : i32
    %dma_wait3A_1837 = tpu.memref_slice %arg2[%add3A_1556, %dma_wait3A_1835, %dma_wait3A_1836] : memref<4096x8x512xf32, #tpu.memory_space<hbm>> -> memref<16x1x512xf32, #tpu.memory_space<hbm>>
    %dma_wait3A_1838 = arith.constant 0 : i32
    %dma_wait3A_1839 = arith.constant 3 : i32
    %dma_wait3A_1840 = arith.constant 0 : i32
    %dma_wait3A_1841 = tpu.memref_slice %arg5[%dma_wait3A_1838, %dma_wait3A_1839, %dma_wait3A_1840] : memref<16x8x512xf32, #tpu.memory_space<vmem>> -> memref<16x1x512xf32, #tpu.memory_space<vmem>>
    %dma_wait3A_1842 = arith.constant 5 : i32
    %dma_wait3A_1843 = arith.constant 0 : i32
    %dma_wait3A_1844 = tpu.memref_slice %arg2[%add3A_1556, %dma_wait3A_1842, %dma_wait3A_1843] : memref<4096x8x512xf32, #tpu.memory_space<hbm>> -> memref<16x1x512xf32, #tpu.memory_space<hbm>>
    tpu.wait_dma2 semaphore(%arg6 : memref<!tpu.dma_semaphore, #tpu.memory_space<semaphore_mem>>) src(%dma_wait3A_1844 : memref<16x1x512xf32, #tpu.memory_space<hbm>>) dst(%dma_wait3A_1841 : memref<16x1x512xf32, #tpu.memory_space<vmem>>)
    %dma_wait3A_1845 = arith.constant 0 : i32
    %dma_wait3A_1846 = arith.constant 4 : i32
    %dma_wait3A_1847 = arith.constant 0 : i32
    %dma_wait3A_1848 = tpu.memref_slice %arg5[%dma_wait3A_1845, %dma_wait3A_1846, %dma_wait3A_1847] : memref<16x8x512xf32, #tpu.memory_space<vmem>> -> memref<16x1x512xf32, #tpu.memory_space<vmem>>
    %dma_wait3A_1849 = arith.constant 3 : i32
    %dma_wait3A_1850 = arith.constant 0 : i32
    %dma_wait3A_1851 = tpu.memref_slice %arg2[%add3A_1556, %dma_wait3A_1849, %dma_wait3A_1850] : memref<4096x8x512xf32, #tpu.memory_space<hbm>> -> memref<16x1x512xf32, #tpu.memory_space<hbm>>
    %dma_wait3A_1852 = arith.constant 0 : i32
    %dma_wait3A_1853 = arith.constant 4 : i32
    %dma_wait3A_1854 = arith.constant 0 : i32
    %dma_wait3A_1855 = tpu.memref_slice %arg5[%dma_wait3A_1852, %dma_wait3A_1853, %dma_wait3A_1854] : memref<16x8x512xf32, #tpu.memory_space<vmem>> -> memref<16x1x512xf32, #tpu.memory_space<vmem>>
    %dma_wait3A_1856 = arith.constant 3 : i32
    %dma_wait3A_1857 = arith.constant 0 : i32
    %dma_wait3A_1858 = tpu.memref_slice %arg2[%add3A_1556, %dma_wait3A_1856, %dma_wait3A_1857] : memref<4096x8x512xf32, #tpu.memory_space<hbm>> -> memref<16x1x512xf32, #tpu.memory_space<hbm>>
    tpu.wait_dma2 semaphore(%arg6 : memref<!tpu.dma_semaphore, #tpu.memory_space<semaphore_mem>>) src(%dma_wait3A_1858 : memref<16x1x512xf32, #tpu.memory_space<hbm>>) dst(%dma_wait3A_1855 : memref<16x1x512xf32, #tpu.memory_space<vmem>>)
    %dma_wait3A_1859 = arith.constant 0 : i32
    %dma_wait3A_1860 = arith.constant 5 : i32
    %dma_wait3A_1861 = arith.constant 0 : i32
    %dma_wait3A_1862 = tpu.memref_slice %arg5[%dma_wait3A_1859, %dma_wait3A_1860, %dma_wait3A_1861] : memref<16x8x512xf32, #tpu.memory_space<vmem>> -> memref<16x1x512xf32, #tpu.memory_space<vmem>>
    %dma_wait3A_1863 = arith.constant 6 : i32
    %dma_wait3A_1864 = arith.constant 0 : i32
    %dma_wait3A_1865 = tpu.memref_slice %arg2[%add3A_1556, %dma_wait3A_1863, %dma_wait3A_1864] : memref<4096x8x512xf32, #tpu.memory_space<hbm>> -> memref<16x1x512xf32, #tpu.memory_space<hbm>>
    %dma_wait3A_1866 = arith.constant 0 : i32
    %dma_wait3A_1867 = arith.constant 5 : i32
    %dma_wait3A_1868 = arith.constant 0 : i32
    %dma_wait3A_1869 = tpu.memref_slice %arg5[%dma_wait3A_1866, %dma_wait3A_1867, %dma_wait3A_1868] : memref<16x8x512xf32, #tpu.memory_space<vmem>> -> memref<16x1x512xf32, #tpu.memory_space<vmem>>
    %dma_wait3A_1870 = arith.constant 6 : i32
    %dma_wait3A_1871 = arith.constant 0 : i32
    %dma_wait3A_1872 = tpu.memref_slice %arg2[%add3A_1556, %dma_wait3A_1870, %dma_wait3A_1871] : memref<4096x8x512xf32, #tpu.memory_space<hbm>> -> memref<16x1x512xf32, #tpu.memory_space<hbm>>
    tpu.wait_dma2 semaphore(%arg6 : memref<!tpu.dma_semaphore, #tpu.memory_space<semaphore_mem>>) src(%dma_wait3A_1872 : memref<16x1x512xf32, #tpu.memory_space<hbm>>) dst(%dma_wait3A_1869 : memref<16x1x512xf32, #tpu.memory_space<vmem>>)
    %dma_wait3A_1873 = arith.constant 0 : i32
    %dma_wait3A_1874 = arith.constant 6 : i32
    %dma_wait3A_1875 = arith.constant 0 : i32
    %dma_wait3A_1876 = tpu.memref_slice %arg5[%dma_wait3A_1873, %dma_wait3A_1874, %dma_wait3A_1875] : memref<16x8x512xf32, #tpu.memory_space<vmem>> -> memref<16x1x512xf32, #tpu.memory_space<vmem>>
    %dma_wait3A_1877 = arith.constant 0 : i32
    %dma_wait3A_1878 = arith.constant 0 : i32
    %dma_wait3A_1879 = tpu.memref_slice %arg2[%add3A_1556, %dma_wait3A_1877, %dma_wait3A_1878] : memref<4096x8x512xf32, #tpu.memory_space<hbm>> -> memref<16x1x512xf32, #tpu.memory_space<hbm>>
    %dma_wait3A_1880 = arith.constant 0 : i32
    %dma_wait3A_1881 = arith.constant 6 : i32
    %dma_wait3A_1882 = arith.constant 0 : i32
    %dma_wait3A_1883 = tpu.memref_slice %arg5[%dma_wait3A_1880, %dma_wait3A_1881, %dma_wait3A_1882] : memref<16x8x512xf32, #tpu.memory_space<vmem>> -> memref<16x1x512xf32, #tpu.memory_space<vmem>>
    %dma_wait3A_1884 = arith.constant 0 : i32
    %dma_wait3A_1885 = arith.constant 0 : i32
    %dma_wait3A_1886 = tpu.memref_slice %arg2[%add3A_1556, %dma_wait3A_1884, %dma_wait3A_1885] : memref<4096x8x512xf32, #tpu.memory_space<hbm>> -> memref<16x1x512xf32, #tpu.memory_space<hbm>>
    tpu.wait_dma2 semaphore(%arg6 : memref<!tpu.dma_semaphore, #tpu.memory_space<semaphore_mem>>) src(%dma_wait3A_1886 : memref<16x1x512xf32, #tpu.memory_space<hbm>>) dst(%dma_wait3A_1883 : memref<16x1x512xf32, #tpu.memory_space<vmem>>)
    %dma_wait3A_1887 = arith.constant 0 : i32
    %dma_wait3A_1888 = arith.constant 7 : i32
    %dma_wait3A_1889 = arith.constant 0 : i32
    %dma_wait3A_1890 = tpu.memref_slice %arg5[%dma_wait3A_1887, %dma_wait3A_1888, %dma_wait3A_1889] : memref<16x8x512xf32, #tpu.memory_space<vmem>> -> memref<16x1x512xf32, #tpu.memory_space<vmem>>
    %dma_wait3A_1891 = arith.constant 1 : i32
    %dma_wait3A_1892 = arith.constant 0 : i32
    %dma_wait3A_1893 = tpu.memref_slice %arg2[%add3A_1556, %dma_wait3A_1891, %dma_wait3A_1892] : memref<4096x8x512xf32, #tpu.memory_space<hbm>> -> memref<16x1x512xf32, #tpu.memory_space<hbm>>
    %dma_wait3A_1894 = arith.constant 0 : i32
    %dma_wait3A_1895 = arith.constant 7 : i32
    %dma_wait3A_1896 = arith.constant 0 : i32
    %dma_wait3A_1897 = tpu.memref_slice %arg5[%dma_wait3A_1894, %dma_wait3A_1895, %dma_wait3A_1896] : memref<16x8x512xf32, #tpu.memory_space<vmem>> -> memref<16x1x512xf32, #tpu.memory_space<vmem>>
    %dma_wait3A_1898 = arith.constant 1 : i32
    %dma_wait3A_1899 = arith.constant 0 : i32
    %dma_wait3A_1900 = tpu.memref_slice %arg2[%add3A_1556, %dma_wait3A_1898, %dma_wait3A_1899] : memref<4096x8x512xf32, #tpu.memory_space<hbm>> -> memref<16x1x512xf32, #tpu.memory_space<hbm>>
    tpu.wait_dma2 semaphore(%arg6 : memref<!tpu.dma_semaphore, #tpu.memory_space<semaphore_mem>>) src(%dma_wait3A_1900 : memref<16x1x512xf32, #tpu.memory_space<hbm>>) dst(%dma_wait3A_1897 : memref<16x1x512xf32, #tpu.memory_space<vmem>>)
    %add3A_1901 = arith.constant 112 : i32
    %add3A_1902 = arith.addi %mul3A_2, %add3A_1901 : i32
    %dma_start3A_1903 = arith.constant 0 : i32
    %dma_start3A_1904 = arith.constant 0 : i32
    %dma_start3A_1905 = tpu.memref_slice %arg3[%add3A_1902, %dma_start3A_1903, %dma_start3A_1904] : memref<4096x8x512xf32, #tpu.memory_space<hbm>> -> memref<16x8x512xf32, #tpu.memory_space<hbm>>
    %dma_start3A_1906 = arith.constant 0 : i32
    %dma_start3A_1907 = arith.constant 0 : i32
    %dma_start3A_1908 = tpu.memref_slice %arg3[%add3A_1902, %dma_start3A_1906, %dma_start3A_1907] : memref<4096x8x512xf32, #tpu.memory_space<hbm>> -> memref<16x8x512xf32, #tpu.memory_space<hbm>>
    tpu.enqueue_dma source(%arg5 : memref<16x8x512xf32, #tpu.memory_space<vmem>>) target(%dma_start3A_1908 : memref<16x8x512xf32, #tpu.memory_space<hbm>>) target_semaphore(%arg7 : memref<!tpu.dma_semaphore, #tpu.memory_space<semaphore_mem>>)
    %dma_wait3A_1909 = arith.constant 0 : i32
    %dma_wait3A_1910 = arith.constant 0 : i32
    %dma_wait3A_1911 = tpu.memref_slice %arg3[%add3A_1782, %dma_wait3A_1909, %dma_wait3A_1910] : memref<4096x8x512xf32, #tpu.memory_space<hbm>> -> memref<16x8x512xf32, #tpu.memory_space<hbm>>
    %dma_wait3A_1912 = arith.constant 0 : i32
    %dma_wait3A_1913 = arith.constant 0 : i32
    %dma_wait3A_1914 = tpu.memref_slice %arg3[%add3A_1782, %dma_wait3A_1912, %dma_wait3A_1913] : memref<4096x8x512xf32, #tpu.memory_space<hbm>> -> memref<16x8x512xf32, #tpu.memory_space<hbm>>
    tpu.wait_dma2 semaphore(%arg7 : memref<!tpu.dma_semaphore, #tpu.memory_space<semaphore_mem>>) src(%arg4 : memref<16x8x512xf32, #tpu.memory_space<vmem>>) dst(%dma_wait3A_1914 : memref<16x8x512xf32, #tpu.memory_space<hbm>>)
    %dma_wait3A_1915 = arith.constant 0 : i32
    %dma_wait3A_1916 = arith.constant 0 : i32
    %dma_wait3A_1917 = tpu.memref_slice %arg3[%add3A_1902, %dma_wait3A_1915, %dma_wait3A_1916] : memref<4096x8x512xf32, #tpu.memory_space<hbm>> -> memref<16x8x512xf32, #tpu.memory_space<hbm>>
    %dma_wait3A_1918 = arith.constant 0 : i32
    %dma_wait3A_1919 = arith.constant 0 : i32
    %dma_wait3A_1920 = tpu.memref_slice %arg3[%add3A_1902, %dma_wait3A_1918, %dma_wait3A_1919] : memref<4096x8x512xf32, #tpu.memory_space<hbm>> -> memref<16x8x512xf32, #tpu.memory_space<hbm>>
    tpu.wait_dma2 semaphore(%arg7 : memref<!tpu.dma_semaphore, #tpu.memory_space<semaphore_mem>>) src(%arg5 : memref<16x8x512xf32, #tpu.memory_space<vmem>>) dst(%dma_wait3A_1920 : memref<16x8x512xf32, #tpu.memory_space<hbm>>)
    return
  }
}

</mosaic_0001>

<sc_bundles>
// kernel: kernel.3.cloned.1.call-start
scs
__scs_entry_jumppad:
0x0: {  	(pc) =	sbr.rel $0x88, $3  }
0x1: {  	(tag) =	ssettag $0x0;
	lr =	simm.s32 $0x1  }
0x2: {  	[smem:$0x3FA0] =	sst lr;
	_ =	strace $0xD0000000  }
0x3: {  	_ = 	snop  }
0x4: {  	_ = 	snop  }
0x5: {  	_ = 	snop  }
0x6: {  	_ = 	snop  }
0x7: {  	_ = 	snop  }
__scs_overlays_trampoline_lowered:
0x8: {  	[smem:$0x3FAF] =	sst s0  }
0x9: {  	[smem:$0x3FB0] =	sst s1  }
0xa: {  	[smem:$0x3FB1] =	sst s2  }
0xb: {  	[smem:$0x3FB2] =	sst s3  }
0xc: {  	[smem:$0x3FB3] =	sst s4  }
0xd: {  	[smem:$0x3FB4] =	sst s5  }
0xe: {  	[smem:$0x3FB5] =	sst s6  }
0xf: {  	[smem:$0x3FB6] =	sst s7  }
0x10: {  	[smem:$0x3FB7] =	sst s8  }
0x11: {  	[smem:$0x3FB8] =	sst s9;
	s0 =	simm.s32 @!p0 $0x0  }
0x12: {  	s1 =	sld [smem:$0x3F9E];
	s0 =	simm.s32 @p0 $0x1  }
0x13: {  	[smem:$0x3FB9] =	sst s0;
	s0 =	simm.s32 @!p1 $0x0  }
0x14: {  	s2 =	sld [smem:$0x3F9D];
	s0 =	simm.s32 @p1 $0x1  }
0x15: {  	[smem:$0x3FBA] =	sst s0;
	s0 =	simm.s32 @!p2 $0x0  }
0x16: {  	s3 =	sld [smem:$0x3FDB];
	s0 =	simm.s32 @p2 $0x1  }
0x17: {  	s4 =	simm.s32 $0x1BF5;
	[smem:$0x3FBC] =	sst s0  }
0x18: {  	s0 =	sld [smem:$0x3F9F];
	_ =	swait.ge [sflag:s4], $0x0  }
0x19: {  	s7 =	sld [smem:$0x3FA0]  }
0x1a: {  	s8 =	sadd.s32 $0xFFFFE003, lr  }
0x1b: {  	s9 =	sadd.s32 $0xFFFFFEF7, lr;
	s5 =	simm.s32 $0xFFFFFFFF;
	p2 =	slt.u32 s8, $0xFFFFF086  }
0x1c: {  	p1 =	slt.u32 s9, $0xF7A;
	s5 =	simm.s32 @!p2 $0x0  }
0x1d: {  	s5 =	simm.s32 @p1 $0x1;
	p0 =	seq.s32 s7, s2  }
0x1e: {  	s7 =	smul.u32 @!p0 $0xF7A, s2;
	p2 =	seq.s32 @!p0 s5, $0x0  }
0x1f: {  	s9 =	smul.u32 $0xF7A, s1;
	s8 =	simm.s32 @!p0 $0x1BF5;
	p2 =	por !p2, p0  }
0x20: {  	[sflag:s8] =	ssyncset.s32 @!p0 $0xFFFFF086;
	s6 =	sadd.s32 @!p0 s3, s7;
	s7 =	simm.s32 @!p0 $0x108  }
0x21: {  	s3 =	sadd.s32 s3, s9;
	s6 =	sadd.s32 @!p0 $0x88, s6;
	s7 =	simm.s32 @p2 $0x1082  }
0x22: {  	[simem:s7], [sflag:s8] =	dma.local @!p0 [hbm:s6], $0xF7A  }
0x23: {  	s9 =	sor.u32 $0xD0000000, s2;
	s6 =	simm.s32 $0x108;
	_ =	swait.ge @!p0 [sflag:s8], $0x0  }
0x24: {  	s3 =	sadd.s32 $0x88, s3;
	s6 =	simm.s32 @!p1 $0x1082;
	[sflag:s4] =	ssyncset.s32 $0xFFFFF086  }
0x25: {  	[simem:s6], [sflag:s4] =	dma.local [hbm:s3], $0xF7A  }
0x26: {  	[smem:$0x3FA0] =	sst s1;
	(tag) =	ssettag s2;
	_ =	strace s9  }
0x27: {  	s1 =	sld [smem:$0x3FB0]  }
0x28: {  	s2 =	sld [smem:$0x3FB1]  }
0x29: {  	s4 =	sld [smem:$0x3FB3]  }
0x2a: {  	p0 =	seq.s32 s5, $0x0;
	s5 =	sld [smem:$0x3FB4]  }
0x2b: {  	s6 =	sld [smem:$0x3FB5]  }
0x2c: {  	s7 =	sld [smem:$0x3FB6]  }
0x2d: {  	s3 =	simm.s32 $0x108;
	s8 =	sld [smem:$0x3FB7]  }
0x2e: {  	s3 =	simm.s32 @!p0 $0x1082;
	s9 =	sld [smem:$0x3FB8]  }
0x2f: {  	lr =	sadd.s32 s0, s3;
	s0 =	sld [smem:$0x3FAF]  }
0x30: {  	s3 =	sld [smem:$0x3FB2]  }
0x31: {  	[smem:$0x3FBB] =	sst s10  }
0x32: {  	s10 =	sld [smem:$0x3FB9];
	_ =	sdelay $0x3  }
0x33: {  	p0 =	seq.s32 s10, $0x1;
	s10 =	sld [smem:$0x3FBB];
	_ =	sdelay $0x3  }
0x34: {  	[smem:$0x3FBB] =	sst s10  }
0x35: {  	s10 =	sld [smem:$0x3FBA];
	_ =	sdelay $0x3  }
0x36: {  	p1 =	seq.s32 s10, $0x1;
	s10 =	sld [smem:$0x3FBB];
	_ =	sdelay $0x3  }
0x37: {  	[smem:$0x3FBB] =	sst s10  }
0x38: {  	s10 =	sld [smem:$0x3FBC]  }
0x39: {  	_ = 	snop;
	(pc) =	sbr.ind lr, $3  }
0x3a: {  	_ = 	snop  }
0x3b: {  	_ = 	snop  }
0x3c: {  	p2 =	seq.s32 s10, $0x1;
	s10 =	sld [smem:$0x3FBB]  }
0x3d: {  	_ =	shalt  }
0x3e: {  	_ =	shalt  }
0x3f: {  	_ =	shalt  }
0x40: {  	_ =	shalt  }
0x41: {  	_ =	shalt  }
0x42: {  	_ =	shalt  }
0x43: {  	_ =	shalt  }
0x44: {  	_ =	shalt  }
0x45: {  	_ =	shalt  }
0x46: {  	_ =	shalt  }
0x47: {  	_ =	shalt  }
0x48: {  	_ =	shalt  }
0x49: {  	_ =	shalt  }
0x4a: {  	_ =	shalt  }
0x4b: {  	_ =	shalt  }
0x4c: {  	_ =	shalt  }
0x4d: {  	_ =	shalt  }
0x4e: {  	_ =	shalt  }
0x4f: {  	_ =	shalt  }
0x50: {  	_ =	shalt  }
0x51: {  	_ =	shalt  }
0x52: {  	_ =	shalt  }
0x53: {  	_ =	shalt  }
0x54: {  	_ =	shalt  }
0x55: {  	_ =	shalt  }
0x56: {  	_ =	shalt  }
0x57: {  	_ =	shalt  }
0x58: {  	_ =	shalt  }
0x59: {  	_ =	shalt  }
0x5a: {  	_ =	shalt  }
0x5b: {  	_ =	shalt  }
0x5c: {  	_ =	shalt  }
0x5d: {  	_ =	shalt  }
0x5e: {  	_ =	shalt  }
0x5f: {  	_ =	shalt  }
0x60: {  	_ =	shalt  }
0x61: {  	_ =	shalt  }
0x62: {  	_ =	shalt  }
0x63: {  	_ =	shalt  }
0x64: {  	_ =	shalt  }
0x65: {  	_ =	shalt  }
0x66: {  	_ =	shalt  }
0x67: {  	_ =	shalt  }
0x68: {  	_ =	shalt  }
0x69: {  	_ =	shalt  }
0x6a: {  	_ =	shalt  }
0x6b: {  	_ =	shalt  }
0x6c: {  	_ =	shalt  }
0x6d: {  	_ =	shalt  }
0x6e: {  	_ =	shalt  }
0x6f: {  	_ =	shalt  }
0x70: {  	_ =	shalt  }
0x71: {  	_ =	shalt  }
0x72: {  	_ =	shalt  }
0x73: {  	_ =	shalt  }
0x74: {  	_ =	shalt  }
0x75: {  	_ =	shalt  }
0x76: {  	_ =	shalt  }
0x77: {  	_ =	shalt  }
0x78: {  	_ =	shalt  }
0x79: {  	_ =	shalt  }
0x7a: {  	_ =	shalt  }
0x7b: {  	_ =	shalt  }
0x7c: {  	_ =	shalt  }
0x7d: {  	_ =	shalt  }
0x7e: {  	_ =	shalt  }
0x7f: {  	_ =	shalt  }
0x80: {  	_ =	shalt  }
0x81: {  	_ =	shalt  }
0x82: {  	_ =	shalt  }
0x83: {  	_ =	shalt  }
0x84: {  	_ =	shalt  }
0x85: {  	_ =	shalt  }
0x86: {  	_ =	shalt  }
0x87: {  	_ =	shalt  }
.Lfunc_end0:
.L_simem_size_0:
called_computation_lowered:
.L_overlay_start_0:
0x88: {  	s2 =	sld [smem:$0x3FD9]  }
0x89: {  	s3 =	sld [smem:$0x3FFE];
	_ =	sdelay $0x1  }
0x8a: {  	s1 =	srdreg.scid  }
0x8b: {  	s0 =	sand.u32 $0x1, s1  }
0x8c: {  	s18 =	sshll.u32 s0, $0xA;
	s2 =	sadd.s32 s3, s2  }
0x8d: {  	s2 =	sadd.s32 s2, s18  }
0x8e: {  	[smem:$0x3FC7] =	sst s2  }
0x8f: {  	_ = 	snop  }
0x90: {  	s2 =	sld [smem:$0x3FC9]  }
0x91: {  	s19 =	sld [smem:$0x3FD0];
	(tm) =	ssettm $0x1  }
0x92: {  	s4 =	sld [smem:$0x3FFB];
	_ =	sdelay $0x3  }
0x93: {  	_ =	strace s4  }
0x94: {  	s4 =	sld [smem:$0x3FFC];
	_ =	sdelay $0x3  }
0x95: {  	_ =	strace s4  }
0x96: {  	s4 =	sld [smem:$0x3FFD];
	_ =	sdelay $0x3  }
0x97: {  	_ =	strace s4  }
0x98: {  	_ =	strace $0x8FFFFFFF  }
0x99: {  	s20 =	sld [smem:$0x3FDB];
	_ =	sdelay $0x1  }
0x9a: {  	s5 =	simm.s32 $_scs_section_size  }
0x9b: {  	s6 =	simm.s32 $_size__tile_overlayer_lowered;
	s7 =	simm.s32 $_tile_overlayer_lowered  }
0x9c: {  	s23 =	simm.s32 $0x1BFF;
	s22 =	sshll.u32 s7, $0x1;
	s4 =	sadd.s32 s5, s20  }
0x9d: {  	s8 =	simm.s32 $0x0;
	s21 =	sshll.u32 s6, $0x1;
	s6 =	sadd.s32 s22, s4  }
0x9e: {  	[timem:s8], [sflag:s23] =	dma.local [hbm:s6], s21  }
0x9f: {  	_ =	swait.ge [sflag:s23], s21  }
0xa0: {  	s5 =	ssub.s32 $0x0, s21;
	[sflag:s23] =	ssyncset.done $0x0  }
0xa1: {  	[sflag:s23] =	ssyncadd.s32 s5;
	_ =	sdelay $0x1  }
0xa2: {  	s24 =	simm.s32 $0x1B8B  }
0xa3: {  	_ =	swait.ge [sflag:s24], $0x1  }
0xa4: {  	[sflag:s24] =	ssyncset.done $0x0  }
0xa5: {  	s25 =	simm.s32 $0x1B8E;
	[sflag:s24] =	ssyncadd.s32 $0xFFFFFFFF  }
0xa6: {  	s26 =	simm.s32 $execute0_lowered;
	[smem:$0x3FD2] =	sst s25  }
0xa7: {  	s5 =	sshll.u32 s26, $0x1;
	_ =	strace $0x80000046;
	[dreg:$0x1] =	wrdreg $0xFFFFFFFF  }
0xa8: {  	s28 =	simm.s32 $_size_execute0_lowered;
	s4 =	sadd.s32 s4, s5;
	[dreg:$0x0] =	wrdreg $0x0  }
0xa9: {  	s5 =	sshll.u32 s28, $0x1;
	[dreg:$0x2] =	wrdreg s4  }
0xaa: {  	[dreg:$0x3] =	wrdreg s5  }
0xab: {  	[dreg:$0x4] =	wrdreg $0xC0  }
0xac: {  	_ =	task [dreg:s8], $0x5FFFF  }
0xad: {  	[dreg:$0x1] =	wrdreg $0xFFFFFFFF  }
0xae: {  	[dreg:$0x0] =	wrdreg $0x60  }
0xaf: {  	[dreg:$0x2] =	wrdreg s2  }
0xb0: {  	[dreg:$0x3] =	wrdreg s19  }
0xb1: {  	[dreg:$0x4] =	wrdreg $0x9  }
0xb2: {  	_ =	task.clear_ibuf [dreg:s8], $0x5FFFF;
	_ =	strace $0x90000046  }
0xb3: {  	s29 =	simm.s32 $0x9;
	_ =	strace $0x80000048  }
0xb4: {  	_ =	swait.ge [sflag:s29], $0x1  }
0xb5: {  	[sflag:s29] =	ssyncadd.s32 $0xFFFFFFFF  }
0xb6: {  	_ =	strace $0x90000048  }
0xb7: {  	_ =	sfence  }
0xb8: {  	s30 =	sld [smem:$0x0];
	_ =	sdelay $0x2  }
0xb9: {  	s31 =	sshll.u32 s1, $0xD;
	s1 =	sshrl.u32 s1, $0x2  }
0xba: {  	s3 =	sand.u32 $0x4000, s31;
	s1 =	sadd.s32 s1, s30  }
0xbb: {  	s0 =	sor.u32 s3, s0;
	s1 =	sshll.u32 s1, $0x11  }
0xbc: {  	s0 =	sor.u32 s1, s0  }
0xbd: {  	s0 =	sadd.s32 $0x8F2B, s0  }
0xbe: {  	[sflag:s0] =	ssyncadd.remote.s32 $0x1  }
0xbf: {  	_ =	sfence.sel $0xFFFF  }
0xc0: {  	[dreg:$0x0] =	wrdreg $0xFFFFFFFF;
	(pc) =	sbr.abs _section_cstart, $3  }
0xc1: {  	[dreg:$0x1] =	wrdreg $0xFFFFFFFF  }
0xc2: {  	_ =	task.clear_ibuf [dreg:s8], $0x2FFFF;
	_ =	strace $0x9FFFFFFF  }
0xc3: {  	(tm) =	ssettm $0x7FFFFFFF  }
tec
execute0_lowered:
.L_overlay_start_1:
0x0: {  	(tag) =	ssettag $0x1  }
0x1: {  	s2 =	srdreg.scid  }
0x2: {  	s4 =	stileid.u32;
	s3 =	sand.u32 $0x1, s2  }
0x3: {  	s0 =	rddreg [dreg:$0x0];
	s4 =	sshll.u32 s4, $0x11;
	s5 =	sshll.u32 s3, $0x10  }
0x4: {  	s1 =	rddreg [dreg:$0x1];
	s2 =	simm.s32 $0x0;
	s4 =	sor.u32 s5, s4  }
0x5: {  	[smem:$0x7FF] =	sst s2;
	s7 =	sadd.s32 s1, s4  }
0x6: {  	_ =	strace $0x80000047;
	s8 =	sadd.s32 s0, s4;
	[dreg:$0xa] =	wrdreg s7  }
0x7: {  	s14 =	sadd.s32 $0x40, s8;
	[dreg:$0x3] =	wrdreg s8  }
0x8: {  	s3 =	ssub.s32 $0x2, s3;
	s15 =	sadd.s32 $0x50, s8;
	[dreg:$0x5] =	wrdreg s14  }
0x9: {  	s16 =	sor.u32 $0x2000, s4;
	s6 =	sadd.s32 $0x30, s8;
	[dreg:$0x7] =	wrdreg s15  }
0xa: {  	s13 =	sshrl.u32 s3, $0x1;
	s17 =	sadd.s32 s0, s16;
	[dreg:$0x8] =	wrdreg s6  }
0xb: {  	s20 =	sor.u32 $0x6000, s4;
	s5 =	sadd.s32 s1, s16;
	[dreg:$0x9] =	wrdreg s17  }
0xc: {  	s18 =	sor.u32 $0x4000, s4;
	s21 =	sadd.s32 s0, s20;
	[dreg:$0xc] =	wrdreg s5  }
0xd: {  	s23 =	sor.u32 $0xA000, s4;
	s7 =	sadd.s32 s1, s20;
	[dreg:$0xd] =	wrdreg s21  }
0xe: {  	s22 =	sor.u32 $0x8000, s4;
	s24 =	sadd.s32 s0, s23;
	[dreg:$0x10] =	wrdreg s7  }
0xf: {  	s25 =	sor.u32 $0xC000, s4;
	s26 =	sadd.s32 s1, s23;
	[dreg:$0x11] =	wrdreg s24  }
0x10: {  	s4 =	sor.u32 $0xE000, s4;
	s28 =	sadd.s32 s1, s25;
	[dreg:$0x14] =	wrdreg s26  }
0x11: {  	s3 =	ssub.s32 s3, s13;
	s29 =	sadd.s32 s1, s4;
	[dreg:$0x16] =	wrdreg s28  }
0x12: {  	s30 =	smax.u32 s3, $0x1;
	[dreg:$0x17] =	wrdreg s29  }
0x13: {  	s31 =	sadd.s32 $0x10, s8;
	[dreg:$0x19] =	wrdreg s30  }
0x14: {  	s3 =	sadd.s32 $0x2020, s8;
	[dreg:$0x1a] =	wrdreg s31  }
0x15: {  	s9 =	sadd.s32 $0x4030, s8;
	[dreg:$0x1d] =	wrdreg s3  }
0x16: {  	s10 =	sadd.s32 $0x4010, s8;
	[smem:$0x7D5] =	sst s9  }
0x17: {  	s12 =	sadd.s32 $0x6040, s8;
	[smem:$0x7D6] =	sst s10  }
0x18: {  	s16 =	sadd.s32 $0x6010, s8;
	[smem:$0x7D7] =	sst s12  }
0x19: {  	s20 =	sadd.s32 $0x8020, s8;
	[smem:$0x7DA] =	sst s16  }
0x1a: {  	s23 =	sadd.s32 $0x8010, s8;
	[smem:$0x7DD] =	sst s20  }
0x1b: {  	s13 =	sadd.s32 $0x70, s8;
	[smem:$0x7DF] =	sst s23  }
0x1c: {  	s11 =	sadd.s32 $0x20, s8;
	[dreg:$0x4] =	wrdreg s13  }
0x1d: {  	s19 =	sadd.s32 s0, s18;
	[dreg:$0x6] =	wrdreg s11  }
0x1e: {  	s6 =	sadd.s32 s1, s18;
	[dreg:$0xb] =	wrdreg s19  }
0x1f: {  	s21 =	sadd.s32 s0, s22;
	s5 =	sadd.s32 s1, s22;
	[dreg:$0xe] =	wrdreg s6  }
0x20: {  	s24 =	sadd.s32 s0, s25;
	s0 =	sadd.s32 s0, s4;
	[dreg:$0x12] =	wrdreg s5  }
0x21: {  	s1 =	sadd.s32 $0x2070, s8;
	[dreg:$0x15] =	wrdreg s0  }
0x22: {  	s4 =	sadd.s32 $0x2030, s8;
	[dreg:$0x1b] =	wrdreg s1  }
0x23: {  	s7 =	sadd.s32 $0x4020, s8;
	[dreg:$0x1f] =	wrdreg s4  }
0x24: {  	s14 =	sadd.s32 $0x6050, s8;
	[smem:$0x7D4] =	sst s7  }
0x25: {  	s15 =	sadd.s32 $0x6060, s8;
	[smem:$0x7D8] =	sst s14  }
0x26: {  	s17 =	sadd.s32 $0x8070, s8;
	[smem:$0x7D9] =	sst s15  }
0x27: {  	s18 =	sadd.s32 $0x8040, s8;
	[smem:$0x7DB] =	sst s17  }
0x28: {  	s22 =	sadd.s32 $0x8030, s8;
	[smem:$0x7DC] =	sst s18  }
0x29: {  	s25 =	sadd.s32 $0xA040, s8;
	[smem:$0x7DE] =	sst s22  }
0x2a: {  	s9 =	sadd.s32 $0xC040, s8;
	[smem:$0x7E0] =	sst s25  }
0x2b: {  	s23 =	sadd.s32 $0xC030, s8;
	[smem:$0x7E5] =	sst s9  }
0x2c: {  	[smem:$0x7E7] =	sst s23  }
0x2d: {  	[dreg:$0xf] =	wrdreg s21  }
0x2e: {  	s26 =	sadd.s32 $0x60, s8;
	[dreg:$0x13] =	wrdreg s24  }
0x2f: {  	s28 =	sadd.s32 $0x2040, s8;
	[dreg:$0x18] =	wrdreg s26  }
0x30: {  	s29 =	sadd.s32 $0x2050, s8;
	[dreg:$0x1c] =	wrdreg s28  }
0x31: {  	s30 =	sadd.s32 $0x2060, s8;
	[dreg:$0x1e] =	wrdreg s29  }
0x32: {  	s31 =	sadd.s32 $0x4040, s8;
	[smem:$0x7EB] =	sst s30  }
0x33: {  	s10 =	sadd.s32 $0x6070, s8;
	[smem:$0x7EC] =	sst s31  }
0x34: {  	s12 =	sadd.s32 $0x6020, s8;
	[smem:$0x7EF] =	sst s10  }
0x35: {  	s16 =	sadd.s32 $0x8060, s8;
	[smem:$0x7F0] =	sst s12  }
0x36: {  	s20 =	sadd.s32 $0xA020, s8;
	[smem:$0x7F3] =	sst s16  }
0x37: {  	s5 =	sadd.s32 $0x2010, s8;
	[smem:$0x7F5] =	sst s20  }
0x38: {  	s6 =	sadd.s32 $0x4070, s8;
	[smem:$0x7D2] =	sst s5  }
0x39: {  	s4 =	sadd.s32 $0xA050, s8;
	[smem:$0x7D3] =	sst s6  }
0x3a: {  	s7 =	sadd.s32 $0xC070, s8;
	[smem:$0x7E1] =	sst s4  }
0x3b: {  	s17 =	sadd.s32 $0xC020, s8;
	[smem:$0x7E4] =	sst s7  }
0x3c: {  	s25 =	sadd.s32 $0xC010, s8;
	[smem:$0x7E6] =	sst s17  }
0x3d: {  	s0 =	sadd.s32 $0x4050, s8;
	[smem:$0x7E8] =	sst s25  }
0x3e: {  	s1 =	sadd.s32 $0x4060, s8;
	[smem:$0x7ED] =	sst s0  }
0x3f: {  	s14 =	sadd.s32 $0x6030, s8;
	[smem:$0x7EE] =	sst s1  }
0x40: {  	s15 =	sadd.s32 $0x8050, s8;
	[smem:$0x7F1] =	sst s14  }
0x41: {  	s18 =	sadd.s32 $0xA070, s8;
	[smem:$0x7F2] =	sst s15  }
0x42: {  	s22 =	sadd.s32 $0xA030, s8;
	[smem:$0x7F4] =	sst s18  }
0x43: {  	s23 =	sadd.s32 $0xC060, s8;
	[smem:$0x7F6] =	sst s22  }
0x44: {  	s5 =	sadd.s32 $0xA060, s8;
	[smem:$0x7F8] =	sst s23  }
0x45: {  	s6 =	sadd.s32 $0xA010, s8;
	[smem:$0x7E2] =	sst s5  }
0x46: {  	s4 =	sadd.s32 $0xE040, s8;
	[smem:$0x7E3] =	sst s6  }
0x47: {  	s17 =	sadd.s32 $0xC050, s8;
	[smem:$0x7E9] =	sst s4  }
0x48: {  	s25 =	sadd.s32 $0xE070, s8;
	[smem:$0x7F7] =	sst s17  }
0x49: {  	s7 =	sadd.s32 $0xE060, s8;
	[smem:$0x7F9] =	sst s25  }
0x4a: {  	s5 =	sadd.s32 $0xE050, s8;
	[smem:$0x7FC] =	sst s7  }
0x4b: {  	s4 =	sadd.s32 $0xE020, s8;
	[smem:$0x7EA] =	sst s5  }
0x4c: {  	s6 =	sadd.s32 $0xE030, s8;
	[smem:$0x7FA] =	sst s4  }
0x4d: {  	s8 =	sadd.s32 $0xE010, s8;
	[smem:$0x7FB] =	sst s6  }
0x4e: {  	s9 =	simm.s32 $0x0;
	[smem:$0x7FD] =	sst s8  }
.LBB2_1:
0x4f: {  	[smem:$0x7D1] =	sst s9;
	s7 =	simm.s32 $0x80  }
0x50: {  	s11 =	sadd.s32 $0x0, s13;
	s8 =	simm.s32 $0x400;
	s9 =	simm.s32 $0x0  }
.LBB2_2:
0x51: {  	[tilespmem:s9], [sflag:$0x1] =	stream.linear.gather [hbm4b:s11+s2], $0x80, $0x38;
	v63 =	vld [tilespmem:$0x0]  }
0x52: {  	s11 =	smov.u32 s7;
	s9 =	smov.u32 s8;
	p0 =	sne.s32 s7, $0x1F80  }
.Ltmp0:
0x53: {  	s7 =	sadd.s32 $0x80, s7;
	(pc) =	sbr.rel @p0 .LBB2_2-.Ltmp0, $2  }
0x54: {  	_ =	sdelay $0x2  }
0x55: {  	s8 =	sadd.s32 $0x400, s8;
	s11 =	sadd.s32 s11, s13  }
0x56: {  	[tilespmem:s9], [sflag:$0x1] =	stream.linear.gather [hbm4b:s11+s2], $0x80, $0x38;
	v63 =	vld [tilespmem:$0x0]  }
0x57: {  	s7 =	simm.s32 $0x80;
	s15 =	rddreg [dreg:$0x5]  }
0x58: {  	s8 =	simm.s32 $0x80;
	s9 =	simm.s32 $0x480;
	s11 =	sadd.s32 $0x0, s15  }
.LBB2_4:
0x59: {  	[tilespmem:s7], [sflag:$0x1] =	stream.linear.gather [hbm4b:s11+s2], $0x80, $0x38;
	v63 =	vld [tilespmem:$0x0]  }
0x5a: {  	s11 =	smov.u32 s8;
	s7 =	smov.u32 s9;
	p0 =	sne.s32 s8, $0x1F80  }
.Ltmp1:
0x5b: {  	s8 =	sadd.s32 $0x80, s8;
	(pc) =	sbr.rel @p0 .LBB2_4-.Ltmp1, $2  }
0x5c: {  	_ =	sdelay $0x2  }
0x5d: {  	s9 =	sadd.s32 $0x400, s9;
	s11 =	sadd.s32 s11, s15  }
0x5e: {  	[tilespmem:s7], [sflag:$0x1] =	stream.linear.gather [hbm4b:s11+s2], $0x80, $0x38;
	v63 =	vld [tilespmem:$0x0]  }
0x5f: {  	s7 =	simm.s32 $0x100;
	s15 =	rddreg [dreg:$0x6]  }
0x60: {  	s8 =	simm.s32 $0x80;
	s9 =	simm.s32 $0x500;
	s11 =	sadd.s32 $0x0, s15  }
.LBB2_6:
0x61: {  	[tilespmem:s7], [sflag:$0x1] =	stream.linear.gather [hbm4b:s11+s2], $0x80, $0x38;
	v63 =	vld [tilespmem:$0x0]  }
0x62: {  	s11 =	smov.u32 s8;
	s7 =	smov.u32 s9;
	p0 =	sne.s32 s8, $0x1F80  }
.Ltmp2:
0x63: {  	s8 =	sadd.s32 $0x80, s8;
	(pc) =	sbr.rel @p0 .LBB2_6-.Ltmp2, $2  }
0x64: {  	_ =	sdelay $0x2  }
0x65: {  	s9 =	sadd.s32 $0x400, s9;
	s11 =	sadd.s32 s11, s15  }
0x66: {  	[tilespmem:s7], [sflag:$0x1] =	stream.linear.gather [hbm4b:s11+s2], $0x80, $0x38;
	v63 =	vld [tilespmem:$0x0]  }
0x67: {  	s7 =	simm.s32 $0x180;
	s17 =	rddreg [dreg:$0x7]  }
0x68: {  	s8 =	simm.s32 $0x80;
	s9 =	simm.s32 $0x580;
	s11 =	sadd.s32 $0x0, s17  }
.LBB2_8:
0x69: {  	[tilespmem:s7], [sflag:$0x1] =	stream.linear.gather [hbm4b:s11+s2], $0x80, $0x38;
	v63 =	vld [tilespmem:$0x0]  }
0x6a: {  	s11 =	smov.u32 s8;
	s7 =	smov.u32 s9;
	p0 =	sne.s32 s8, $0x1F80  }
.Ltmp3:
0x6b: {  	s8 =	sadd.s32 $0x80, s8;
	(pc) =	sbr.rel @p0 .LBB2_8-.Ltmp3, $2  }
0x6c: {  	_ =	sdelay $0x2  }
0x6d: {  	s9 =	sadd.s32 $0x400, s9;
	s11 =	sadd.s32 s11, s17  }
0x6e: {  	[tilespmem:s7], [sflag:$0x1] =	stream.linear.gather [hbm4b:s11+s2], $0x80, $0x38;
	v63 =	vld [tilespmem:$0x0]  }
0x6f: {  	s7 =	simm.s32 $0x200;
	s17 =	rddreg [dreg:$0x8]  }
0x70: {  	s8 =	simm.s32 $0x80;
	s9 =	simm.s32 $0x600;
	s11 =	sadd.s32 $0x0, s17  }
.LBB2_10:
0x71: {  	[tilespmem:s7], [sflag:$0x1] =	stream.linear.gather [hbm4b:s11+s2], $0x80, $0x38;
	v63 =	vld [tilespmem:$0x0]  }
0x72: {  	s11 =	smov.u32 s8;
	s7 =	smov.u32 s9;
	p0 =	sne.s32 s8, $0x1F80  }
.Ltmp4:
0x73: {  	s8 =	sadd.s32 $0x80, s8;
	(pc) =	sbr.rel @p0 .LBB2_10-.Ltmp4, $2  }
0x74: {  	_ =	sdelay $0x2  }
0x75: {  	s9 =	sadd.s32 $0x400, s9;
	s11 =	sadd.s32 s11, s17  }
0x76: {  	[tilespmem:s7], [sflag:$0x1] =	stream.linear.gather [hbm4b:s11+s2], $0x80, $0x38;
	v63 =	vld [tilespmem:$0x0]  }
0x77: {  	s7 =	simm.s32 $0x280  }
0x78: {  	s8 =	simm.s32 $0x80;
	s11 =	sadd.s32 $0x0, s26;
	s9 =	simm.s32 $0x680  }
.LBB2_12:
0x79: {  	[tilespmem:s7], [sflag:$0x1] =	stream.linear.gather [hbm4b:s11+s2], $0x80, $0x38;
	v63 =	vld [tilespmem:$0x0]  }
0x7a: {  	s11 =	smov.u32 s8;
	s7 =	smov.u32 s9;
	p0 =	sne.s32 s8, $0x1F80  }
.Ltmp5:
0x7b: {  	s8 =	sadd.s32 $0x80, s8;
	(pc) =	sbr.rel @p0 .LBB2_12-.Ltmp5, $2  }
0x7c: {  	_ =	sdelay $0x2  }
0x7d: {  	s9 =	sadd.s32 $0x400, s9;
	s11 =	sadd.s32 s11, s26  }
0x7e: {  	[tilespmem:s7], [sflag:$0x1] =	stream.linear.gather [hbm4b:s11+s2], $0x80, $0x38;
	v63 =	vld [tilespmem:$0x0]  }
0x7f: {  	s7 =	simm.s32 $0x300;
	s13 =	rddreg [dreg:$0x3]  }
0x80: {  	s8 =	simm.s32 $0x80;
	s9 =	simm.s32 $0x700;
	s11 =	sadd.s32 $0x0, s13  }
.LBB2_14:
0x81: {  	[tilespmem:s7], [sflag:$0x1] =	stream.linear.gather [hbm4b:s11+s2], $0x80, $0x38;
	v63 =	vld [tilespmem:$0x0]  }
0x82: {  	s11 =	smov.u32 s8;
	s7 =	smov.u32 s9;
	p0 =	sne.s32 s8, $0x1F80  }
.Ltmp6:
0x83: {  	s8 =	sadd.s32 $0x80, s8;
	(pc) =	sbr.rel @p0 .LBB2_14-.Ltmp6, $2  }
0x84: {  	_ =	sdelay $0x2  }
0x85: {  	s9 =	sadd.s32 $0x400, s9;
	s11 =	sadd.s32 s11, s13  }
0x86: {  	[tilespmem:s7], [sflag:$0x1] =	stream.linear.gather [hbm4b:s11+s2], $0x80, $0x38;
	v63 =	vld [tilespmem:$0x0]  }
0x87: {  	s7 =	simm.s32 $0x380;
	s13 =	rddreg [dreg:$0x1a]  }
0x88: {  	s8 =	simm.s32 $0x80;
	s9 =	simm.s32 $0x780;
	s11 =	sadd.s32 $0x0, s13  }
.LBB2_16:
0x89: {  	[tilespmem:s7], [sflag:$0x1] =	stream.linear.gather [hbm4b:s11+s2], $0x80, $0x38;
	v63 =	vld [tilespmem:$0x0]  }
0x8a: {  	s11 =	smov.u32 s8;
	s7 =	smov.u32 s9;
	p0 =	sne.s32 s8, $0x1F80  }
.Ltmp7:
0x8b: {  	s8 =	sadd.s32 $0x80, s8;
	(pc) =	sbr.rel @p0 .LBB2_16-.Ltmp7, $2  }
0x8c: {  	_ =	sdelay $0x2  }
0x8d: {  	s9 =	sadd.s32 $0x400, s9;
	s11 =	sadd.s32 s11, s13  }
0x8e: {  	[tilespmem:s7], [sflag:$0x1] =	stream.linear.gather [hbm4b:s11+s2], $0x80, $0x38;
	v63 =	vld [tilespmem:$0x0]  }
0x8f: {  	s7 =	simm.s32 $0x10000;
	s8 =	simm.s32 $0x80;
	s28 =	rddreg [dreg:$0x1b]  }
0x90: {  	s9 =	simm.s32 $0x10400;
	s13 =	rddreg [dreg:$0x4];
	s11 =	sadd.s32 $0x0, s28  }
.LBB2_18:
0x91: {  	[tilespmem:s7], [sflag:$0x1] =	stream.linear.gather [hbm4b:s11+s2], $0x80, $0x38;
	v63 =	vld [tilespmem:$0x0]  }
0x92: {  	s11 =	smov.u32 s8;
	s7 =	smov.u32 s9;
	p0 =	sne.s32 s8, $0x1F80  }
.Ltmp8:
0x93: {  	s8 =	sadd.s32 $0x80, s8;
	(pc) =	sbr.rel @p0 .LBB2_18-.Ltmp8, $2  }
0x94: {  	_ =	sdelay $0x2  }
0x95: {  	s9 =	sadd.s32 $0x400, s9;
	s11 =	sadd.s32 s11, s28  }
0x96: {  	[tilespmem:s7], [sflag:$0x1] =	stream.linear.gather [hbm4b:s11+s2], $0x80, $0x38;
	v63 =	vld [tilespmem:$0x0]  }
0x97: {  	s7 =	simm.s32 $0x10080;
	s28 =	rddreg [dreg:$0x1c]  }
0x98: {  	s8 =	simm.s32 $0x80;
	s9 =	simm.s32 $0x10480;
	s11 =	sadd.s32 $0x0, s28  }
.LBB2_20:
0x99: {  	[tilespmem:s7], [sflag:$0x1] =	stream.linear.gather [hbm4b:s11+s2], $0x80, $0x38;
	v63 =	vld [tilespmem:$0x0]  }
0x9a: {  	s11 =	smov.u32 s8;
	s7 =	smov.u32 s9;
	p0 =	sne.s32 s8, $0x1F80  }
.Ltmp9:
0x9b: {  	s8 =	sadd.s32 $0x80, s8;
	(pc) =	sbr.rel @p0 .LBB2_20-.Ltmp9, $2  }
0x9c: {  	_ =	sdelay $0x2  }
0x9d: {  	s9 =	sadd.s32 $0x400, s9;
	s11 =	sadd.s32 s11, s28  }
0x9e: {  	[tilespmem:s7], [sflag:$0x1] =	stream.linear.gather [hbm4b:s11+s2], $0x80, $0x38;
	v63 =	vld [tilespmem:$0x0]  }
0x9f: {  	s7 =	simm.s32 $0x10100;
	s29 =	rddreg [dreg:$0x1d]  }
0xa0: {  	s8 =	simm.s32 $0x80;
	s9 =	simm.s32 $0x10500;
	s11 =	sadd.s32 $0x0, s29  }
.LBB2_22:
0xa1: {  	[tilespmem:s7], [sflag:$0x1] =	stream.linear.gather [hbm4b:s11+s2], $0x80, $0x38;
	v63 =	vld [tilespmem:$0x0]  }
0xa2: {  	s11 =	smov.u32 s8;
	s7 =	smov.u32 s9;
	p0 =	sne.s32 s8, $0x1F80  }
.Ltmp10:
0xa3: {  	s8 =	sadd.s32 $0x80, s8;
	(pc) =	sbr.rel @p0 .LBB2_22-.Ltmp10, $2  }
0xa4: {  	_ =	sdelay $0x2  }
0xa5: {  	s9 =	sadd.s32 $0x400, s9;
	s11 =	sadd.s32 s11, s29  }
0xa6: {  	[tilespmem:s7], [sflag:$0x1] =	stream.linear.gather [hbm4b:s11+s2], $0x80, $0x38;
	v63 =	vld [tilespmem:$0x0]  }
0xa7: {  	s7 =	simm.s32 $0x10180;
	s29 =	rddreg [dreg:$0x1e]  }
0xa8: {  	s8 =	simm.s32 $0x80;
	s9 =	simm.s32 $0x10580;
	s11 =	sadd.s32 $0x0, s29  }
.LBB2_24:
0xa9: {  	[tilespmem:s7], [sflag:$0x1] =	stream.linear.gather [hbm4b:s11+s2], $0x80, $0x38;
	v63 =	vld [tilespmem:$0x0]  }
0xaa: {  	s11 =	smov.u32 s8;
	s7 =	smov.u32 s9;
	p0 =	sne.s32 s8, $0x1F80  }
.Ltmp11:
0xab: {  	s8 =	sadd.s32 $0x80, s8;
	(pc) =	sbr.rel @p0 .LBB2_24-.Ltmp11, $2  }
0xac: {  	_ =	sdelay $0x2  }
0xad: {  	s9 =	sadd.s32 $0x400, s9;
	s11 =	sadd.s32 s11, s29  }
0xae: {  	[tilespmem:s7], [sflag:$0x1] =	stream.linear.gather [hbm4b:s11+s2], $0x80, $0x38;
	v63 =	vld [tilespmem:$0x0]  }
0xaf: {  	s7 =	simm.s32 $0x10200;
	s30 =	rddreg [dreg:$0x1f]  }
0xb0: {  	s8 =	simm.s32 $0x80;
	s9 =	simm.s32 $0x10600;
	s11 =	sadd.s32 $0x0, s30  }
.LBB2_26:
0xb1: {  	[tilespmem:s7], [sflag:$0x1] =	stream.linear.gather [hbm4b:s11+s2], $0x80, $0x38;
	v63 =	vld [tilespmem:$0x0]  }
0xb2: {  	s11 =	smov.u32 s8;
	s7 =	smov.u32 s9;
	p0 =	sne.s32 s8, $0x1F80  }
.Ltmp12:
0xb3: {  	s8 =	sadd.s32 $0x80, s8;
	(pc) =	sbr.rel @p0 .LBB2_26-.Ltmp12, $2  }
0xb4: {  	_ =	sdelay $0x2  }
0xb5: {  	s9 =	sadd.s32 $0x400, s9;
	s11 =	sadd.s32 s11, s30  }
0xb6: {  	s30 =	sld [smem:$0x7EB]  }
0xb7: {  	[tilespmem:s7], [sflag:$0x1] =	stream.linear.gather [hbm4b:s11+s2], $0x80, $0x38;
	v63 =	vld [tilespmem:$0x0]  }
0xb8: {  	s7 =	simm.s32 $0x10280  }
0xb9: {  	s8 =	simm.s32 $0x80;
	s9 =	simm.s32 $0x10680;
	s11 =	sadd.s32 $0x0, s30  }
.LBB2_28:
0xba: {  	[tilespmem:s7], [sflag:$0x1] =	stream.linear.gather [hbm4b:s11+s2], $0x80, $0x38;
	v63 =	vld [tilespmem:$0x0]  }
0xbb: {  	s11 =	smov.u32 s8;
	s7 =	smov.u32 s9;
	p0 =	sne.s32 s8, $0x1F80  }
.Ltmp13:
0xbc: {  	s8 =	sadd.s32 $0x80, s8;
	(pc) =	sbr.rel @p0 .LBB2_28-.Ltmp13, $2  }
0xbd: {  	_ =	sdelay $0x2  }
0xbe: {  	s9 =	sadd.s32 $0x400, s9;
	s11 =	sadd.s32 s11, s30  }
0xbf: {  	[tilespmem:s7], [sflag:$0x1] =	stream.linear.gather [hbm4b:s11+s2], $0x80, $0x38;
	v63 =	vld [tilespmem:$0x0]  }
0xc0: {  	s7 =	simm.s32 $0x10300;
	s19 =	rddreg [dreg:$0x9]  }
0xc1: {  	s8 =	simm.s32 $0x80;
	s9 =	simm.s32 $0x10700;
	s11 =	sadd.s32 $0x0, s19  }
.LBB2_30:
0xc2: {  	[tilespmem:s7], [sflag:$0x1] =	stream.linear.gather [hbm4b:s11+s2], $0x80, $0x38;
	v63 =	vld [tilespmem:$0x0]  }
0xc3: {  	s11 =	smov.u32 s8;
	s7 =	smov.u32 s9;
	p0 =	sne.s32 s8, $0x1F80  }
.Ltmp14:
0xc4: {  	s8 =	sadd.s32 $0x80, s8;
	(pc) =	sbr.rel @p0 .LBB2_30-.Ltmp14, $2  }
0xc5: {  	_ =	sdelay $0x2  }
0xc6: {  	s9 =	sadd.s32 $0x400, s9;
	s11 =	sadd.s32 s11, s19  }
0xc7: {  	s19 =	sld [smem:$0x7D2]  }
0xc8: {  	[tilespmem:s7], [sflag:$0x1] =	stream.linear.gather [hbm4b:s11+s2], $0x80, $0x38;
	v63 =	vld [tilespmem:$0x0]  }
0xc9: {  	s7 =	simm.s32 $0x10380  }
0xca: {  	s8 =	simm.s32 $0x80;
	s9 =	simm.s32 $0x10780;
	s11 =	sadd.s32 $0x0, s19  }
.LBB2_32:
0xcb: {  	[tilespmem:s7], [sflag:$0x1] =	stream.linear.gather [hbm4b:s11+s2], $0x80, $0x38;
	v63 =	vld [tilespmem:$0x0]  }
0xcc: {  	s11 =	smov.u32 s8;
	s7 =	smov.u32 s9;
	p0 =	sne.s32 s8, $0x1F80  }
.Ltmp15:
0xcd: {  	s8 =	sadd.s32 $0x80, s8;
	(pc) =	sbr.rel @p0 .LBB2_32-.Ltmp15, $2  }
0xce: {  	_ =	sdelay $0x2  }
0xcf: {  	s9 =	sadd.s32 $0x400, s9;
	s11 =	sadd.s32 s11, s19  }
0xd0: {  	[tilespmem:s7], [sflag:$0x1] =	stream.linear.gather [hbm4b:s11+s2], $0x80, $0x38;
	v63 =	vld [tilespmem:$0x0]  }
0xd1: {  	s29 =	simm.s32 $0x1  }
0xd2: {  	_ =	swait.ge [sflag:s29], $0x2000  }
0xd3: {  	[sflag:s29] =	ssyncset.done $0x0  }
0xd4: {  	[sflag:s29] =	ssyncadd.s32 $0xFFFFE000  }
0xd5: {  	_ =	swait.ge [sflag:s29], $0x2000  }
0xd6: {  	[sflag:s29] =	ssyncset.done $0x0  }
0xd7: {  	[sflag:s29] =	ssyncadd.s32 $0xFFFFE000  }
0xd8: {  	_ =	swait.ge [sflag:s29], $0x2000  }
0xd9: {  	[sflag:s29] =	ssyncset.done $0x0  }
0xda: {  	[sflag:s29] =	ssyncadd.s32 $0xFFFFE000  }
0xdb: {  	_ =	swait.ge [sflag:s29], $0x2000  }
0xdc: {  	[sflag:s29] =	ssyncset.done $0x0  }
0xdd: {  	[sflag:s29] =	ssyncadd.s32 $0xFFFFE000  }
0xde: {  	_ =	swait.ge [sflag:s29], $0x2000  }
0xdf: {  	[sflag:s29] =	ssyncset.done $0x0  }
0xe0: {  	[sflag:s29] =	ssyncadd.s32 $0xFFFFE000  }
0xe1: {  	_ =	swait.ge [sflag:s29], $0x2000  }
0xe2: {  	[sflag:s29] =	ssyncset.done $0x0  }
0xe3: {  	[sflag:s29] =	ssyncadd.s32 $0xFFFFE000  }
0xe4: {  	_ =	swait.ge [sflag:s29], $0x2000  }
0xe5: {  	[sflag:s29] =	ssyncset.done $0x0  }
0xe6: {  	[sflag:s29] =	ssyncadd.s32 $0xFFFFE000  }
0xe7: {  	_ =	swait.ge [sflag:s29], $0x2000  }
0xe8: {  	s7 =	simm.s32 $0x0;
	[sflag:s29] =	ssyncset.done $0x0  }
0xe9: {  	s30 =	simm.s32 $0x2;
	s8 =	rddreg [dreg:$0xa];
	[sflag:s29] =	ssyncadd.s32 $0xFFFFE000  }
0xea: {  	[hbm4b:s8+s7] =	stream.linear.scatter [tilespmem:s7], [sflag:$0x2], $0x10000, $0x38;
	v63 =	vld [tilespmem:$0x0]  }
0xeb: {  	_ =	swait.ge [sflag:s30], $0x10000  }
0xec: {  	s31 =	sld [smem:$0x7D3];
	_ =	sdelay $0x1  }
0xed: {  	s9 =	simm.s32 $0x400;
	s8 =	simm.s32 $0x80;
	[sflag:s30] =	ssyncset.done $0x0  }
0xee: {  	s19 =	rddreg [dreg:$0xb];
	[sflag:s30] =	ssyncadd.s32 $0xFFFF0000;
	s11 =	sadd.s32 $0x0, s31  }
.LBB2_34:
0xef: {  	[tilespmem:s7], [sflag:$0x1] =	stream.linear.gather [hbm4b:s11+s2], $0x80, $0x38;
	v63 =	vld [tilespmem:$0x0]  }
0xf0: {  	s11 =	smov.u32 s8;
	s7 =	smov.u32 s9;
	p0 =	sne.s32 s8, $0x1F80  }
.Ltmp16:
0xf1: {  	s8 =	sadd.s32 $0x80, s8;
	(pc) =	sbr.rel @p0 .LBB2_34-.Ltmp16, $2  }
0xf2: {  	_ =	sdelay $0x2  }
0xf3: {  	s9 =	sadd.s32 $0x400, s9;
	s11 =	sadd.s32 s11, s31  }
0xf4: {  	s31 =	sld [smem:$0x7EC]  }
0xf5: {  	[tilespmem:s7], [sflag:$0x1] =	stream.linear.gather [hbm4b:s11+s2], $0x80, $0x38;
	v63 =	vld [tilespmem:$0x0]  }
0xf6: {  	s7 =	simm.s32 $0x80  }
0xf7: {  	s8 =	simm.s32 $0x80;
	s9 =	simm.s32 $0x480;
	s11 =	sadd.s32 $0x0, s31  }
.LBB2_36:
0xf8: {  	[tilespmem:s7], [sflag:$0x1] =	stream.linear.gather [hbm4b:s11+s2], $0x80, $0x38;
	v63 =	vld [tilespmem:$0x0]  }
0xf9: {  	s11 =	smov.u32 s8;
	s7 =	smov.u32 s9;
	p0 =	sne.s32 s8, $0x1F80  }
.Ltmp17:
0xfa: {  	s8 =	sadd.s32 $0x80, s8;
	(pc) =	sbr.rel @p0 .LBB2_36-.Ltmp17, $2  }
0xfb: {  	_ =	sdelay $0x2  }
0xfc: {  	s9 =	sadd.s32 $0x400, s9;
	s11 =	sadd.s32 s11, s31  }
0xfd: {  	s0 =	sld [smem:$0x7D4]  }
0xfe: {  	[tilespmem:s7], [sflag:$0x1] =	stream.linear.gather [hbm4b:s11+s2], $0x80, $0x38;
	v63 =	vld [tilespmem:$0x0]  }
0xff: {  	s7 =	simm.s32 $0x100  }
0x100: {  	s8 =	simm.s32 $0x80;
	s9 =	simm.s32 $0x500;
	s11 =	sadd.s32 $0x0, s0  }
.LBB2_38:
0x101: {  	[tilespmem:s7], [sflag:$0x1] =	stream.linear.gather [hbm4b:s11+s2], $0x80, $0x38;
	v63 =	vld [tilespmem:$0x0]  }
0x102: {  	s11 =	smov.u32 s8;
	s7 =	smov.u32 s9;
	p0 =	sne.s32 s8, $0x1F80  }
.Ltmp18:
0x103: {  	s8 =	sadd.s32 $0x80, s8;
	(pc) =	sbr.rel @p0 .LBB2_38-.Ltmp18, $2  }
0x104: {  	_ =	sdelay $0x2  }
0x105: {  	s9 =	sadd.s32 $0x400, s9;
	s11 =	sadd.s32 s11, s0  }
0x106: {  	s0 =	sld [smem:$0x7ED]  }
0x107: {  	[tilespmem:s7], [sflag:$0x1] =	stream.linear.gather [hbm4b:s11+s2], $0x80, $0x38;
	v63 =	vld [tilespmem:$0x0]  }
0x108: {  	s7 =	simm.s32 $0x180  }
0x109: {  	s8 =	simm.s32 $0x80;
	s9 =	simm.s32 $0x580;
	s11 =	sadd.s32 $0x0, s0  }
.LBB2_40:
0x10a: {  	[tilespmem:s7], [sflag:$0x1] =	stream.linear.gather [hbm4b:s11+s2], $0x80, $0x38;
	v63 =	vld [tilespmem:$0x0]  }
0x10b: {  	s11 =	smov.u32 s8;
	s7 =	smov.u32 s9;
	p0 =	sne.s32 s8, $0x1F80  }
.Ltmp19:
0x10c: {  	s8 =	sadd.s32 $0x80, s8;
	(pc) =	sbr.rel @p0 .LBB2_40-.Ltmp19, $2  }
0x10d: {  	_ =	sdelay $0x2  }
0x10e: {  	s9 =	sadd.s32 $0x400, s9;
	s11 =	sadd.s32 s11, s0  }
0x10f: {  	s1 =	sld [smem:$0x7D5]  }
0x110: {  	[tilespmem:s7], [sflag:$0x1] =	stream.linear.gather [hbm4b:s11+s2], $0x80, $0x38;
	v63 =	vld [tilespmem:$0x0]  }
0x111: {  	s7 =	simm.s32 $0x200  }
0x112: {  	s8 =	simm.s32 $0x80;
	s9 =	simm.s32 $0x600;
	s11 =	sadd.s32 $0x0, s1  }
.LBB2_42:
0x113: {  	[tilespmem:s7], [sflag:$0x1] =	stream.linear.gather [hbm4b:s11+s2], $0x80, $0x38;
	v63 =	vld [tilespmem:$0x0]  }
0x114: {  	s11 =	smov.u32 s8;
	s7 =	smov.u32 s9;
	p0 =	sne.s32 s8, $0x1F80  }
.Ltmp20:
0x115: {  	s8 =	sadd.s32 $0x80, s8;
	(pc) =	sbr.rel @p0 .LBB2_42-.Ltmp20, $2  }
0x116: {  	_ =	sdelay $0x2  }
0x117: {  	s9 =	sadd.s32 $0x400, s9;
	s11 =	sadd.s32 s11, s1  }
0x118: {  	s1 =	sld [smem:$0x7EE]  }
0x119: {  	[tilespmem:s7], [sflag:$0x1] =	stream.linear.gather [hbm4b:s11+s2], $0x80, $0x38;
	v63 =	vld [tilespmem:$0x0]  }
0x11a: {  	s7 =	simm.s32 $0x280  }
0x11b: {  	s8 =	simm.s32 $0x80;
	s9 =	simm.s32 $0x680;
	s11 =	sadd.s32 $0x0, s1  }
.LBB2_44:
0x11c: {  	[tilespmem:s7], [sflag:$0x1] =	stream.linear.gather [hbm4b:s11+s2], $0x80, $0x38;
	v63 =	vld [tilespmem:$0x0]  }
0x11d: {  	s11 =	smov.u32 s8;
	s7 =	smov.u32 s9;
	p0 =	sne.s32 s8, $0x1F80  }
.Ltmp21:
0x11e: {  	s8 =	sadd.s32 $0x80, s8;
	(pc) =	sbr.rel @p0 .LBB2_44-.Ltmp21, $2  }
0x11f: {  	_ =	sdelay $0x2  }
0x120: {  	s9 =	sadd.s32 $0x400, s9;
	s11 =	sadd.s32 s11, s1  }
0x121: {  	[tilespmem:s7], [sflag:$0x1] =	stream.linear.gather [hbm4b:s11+s2], $0x80, $0x38;
	v63 =	vld [tilespmem:$0x0]  }
0x122: {  	s7 =	simm.s32 $0x300  }
0x123: {  	s8 =	simm.s32 $0x80;
	s11 =	sadd.s32 $0x0, s19;
	s9 =	simm.s32 $0x700  }
.LBB2_46:
0x124: {  	[tilespmem:s7], [sflag:$0x1] =	stream.linear.gather [hbm4b:s11+s2], $0x80, $0x38;
	v63 =	vld [tilespmem:$0x0]  }
0x125: {  	s11 =	smov.u32 s8;
	s7 =	smov.u32 s9;
	p0 =	sne.s32 s8, $0x1F80  }
.Ltmp22:
0x126: {  	s8 =	sadd.s32 $0x80, s8;
	(pc) =	sbr.rel @p0 .LBB2_46-.Ltmp22, $2  }
0x127: {  	_ =	sdelay $0x2  }
0x128: {  	s9 =	sadd.s32 $0x400, s9;
	s11 =	sadd.s32 s11, s19  }
0x129: {  	s10 =	sld [smem:$0x7D6]  }
0x12a: {  	[tilespmem:s7], [sflag:$0x1] =	stream.linear.gather [hbm4b:s11+s2], $0x80, $0x38;
	v63 =	vld [tilespmem:$0x0]  }
0x12b: {  	s7 =	simm.s32 $0x380  }
0x12c: {  	s8 =	simm.s32 $0x80;
	s9 =	simm.s32 $0x780;
	s11 =	sadd.s32 $0x0, s10  }
.LBB2_48:
0x12d: {  	[tilespmem:s7], [sflag:$0x1] =	stream.linear.gather [hbm4b:s11+s2], $0x80, $0x38;
	v63 =	vld [tilespmem:$0x0]  }
0x12e: {  	s11 =	smov.u32 s8;
	s7 =	smov.u32 s9;
	p0 =	sne.s32 s8, $0x1F80  }
.Ltmp23:
0x12f: {  	s8 =	sadd.s32 $0x80, s8;
	(pc) =	sbr.rel @p0 .LBB2_48-.Ltmp23, $2  }
0x130: {  	_ =	sdelay $0x2  }
0x131: {  	s9 =	sadd.s32 $0x400, s9;
	s11 =	sadd.s32 s11, s10  }
0x132: {  	[tilespmem:s7], [sflag:$0x1] =	stream.linear.gather [hbm4b:s11+s2], $0x80, $0x38;
	v63 =	vld [tilespmem:$0x0]  }
0x133: {  	s30 =	simm.s32 $0x1  }
0x134: {  	_ =	swait.ge [sflag:s30], $0x2000  }
0x135: {  	[sflag:s30] =	ssyncset.done $0x0  }
0x136: {  	[sflag:s30] =	ssyncadd.s32 $0xFFFFE000  }
0x137: {  	_ =	swait.ge [sflag:s30], $0x2000  }
0x138: {  	[sflag:s30] =	ssyncset.done $0x0  }
0x139: {  	[sflag:s30] =	ssyncadd.s32 $0xFFFFE000  }
0x13a: {  	_ =	swait.ge [sflag:s30], $0x2000  }
0x13b: {  	[sflag:s30] =	ssyncset.done $0x0  }
0x13c: {  	[sflag:s30] =	ssyncadd.s32 $0xFFFFE000  }
0x13d: {  	_ =	swait.ge [sflag:s30], $0x2000  }
0x13e: {  	[sflag:s30] =	ssyncset.done $0x0  }
0x13f: {  	[sflag:s30] =	ssyncadd.s32 $0xFFFFE000  }
0x140: {  	_ =	swait.ge [sflag:s30], $0x2000  }
0x141: {  	[sflag:s30] =	ssyncset.done $0x0  }
0x142: {  	[sflag:s30] =	ssyncadd.s32 $0xFFFFE000  }
0x143: {  	_ =	swait.ge [sflag:s30], $0x2000  }
0x144: {  	[sflag:s30] =	ssyncset.done $0x0  }
0x145: {  	[sflag:s30] =	ssyncadd.s32 $0xFFFFE000  }
0x146: {  	_ =	swait.ge [sflag:s30], $0x2000  }
0x147: {  	[sflag:s30] =	ssyncset.done $0x0  }
0x148: {  	[sflag:s30] =	ssyncadd.s32 $0xFFFFE000  }
0x149: {  	_ =	swait.ge [sflag:s30], $0x2000  }
0x14a: {  	s8 =	simm.s32 $0x0;
	s7 =	simm.s32 $0x10000;
	[sflag:s30] =	ssyncset.done $0x0  }
0x14b: {  	s31 =	simm.s32 $0x2;
	s9 =	rddreg [dreg:$0xc];
	[sflag:s30] =	ssyncadd.s32 $0xFFFFE000  }
0x14c: {  	[hbm4b:s9+s8] =	stream.linear.scatter [tilespmem:s7], [sflag:$0x2], $0x10000, $0x38;
	v63 =	vld [tilespmem:$0x0]  }
0x14d: {  	_ =	swait.ge [sflag:s31], $0x10000  }
0x14e: {  	s10 =	sld [smem:$0x7EF];
	_ =	sdelay $0x1  }
0x14f: {  	s8 =	simm.s32 $0x80;
	[sflag:s31] =	ssyncset.done $0x0  }
0x150: {  	s9 =	simm.s32 $0x10400;
	[sflag:s31] =	ssyncadd.s32 $0xFFFF0000;
	s11 =	sadd.s32 $0x0, s10  }
.LBB2_50:
0x151: {  	[tilespmem:s7], [sflag:$0x1] =	stream.linear.gather [hbm4b:s11+s2], $0x80, $0x38;
	v63 =	vld [tilespmem:$0x0]  }
0x152: {  	s11 =	smov.u32 s8;
	s7 =	smov.u32 s9;
	p0 =	sne.s32 s8, $0x1F80  }
.Ltmp24:
0x153: {  	s8 =	sadd.s32 $0x80, s8;
	(pc) =	sbr.rel @p0 .LBB2_50-.Ltmp24, $2  }
0x154: {  	_ =	sdelay $0x2  }
0x155: {  	s9 =	sadd.s32 $0x400, s9;
	s11 =	sadd.s32 s11, s10  }
0x156: {  	s12 =	sld [smem:$0x7D7]  }
0x157: {  	[tilespmem:s7], [sflag:$0x1] =	stream.linear.gather [hbm4b:s11+s2], $0x80, $0x38;
	v63 =	vld [tilespmem:$0x0]  }
0x158: {  	s7 =	simm.s32 $0x10080  }
0x159: {  	s8 =	simm.s32 $0x80;
	s9 =	simm.s32 $0x10480;
	s11 =	sadd.s32 $0x0, s12  }
.LBB2_52:
0x15a: {  	[tilespmem:s7], [sflag:$0x1] =	stream.linear.gather [hbm4b:s11+s2], $0x80, $0x38;
	v63 =	vld [tilespmem:$0x0]  }
0x15b: {  	s11 =	smov.u32 s8;
	s7 =	smov.u32 s9;
	p0 =	sne.s32 s8, $0x1F80  }
.Ltmp25:
0x15c: {  	s8 =	sadd.s32 $0x80, s8;
	(pc) =	sbr.rel @p0 .LBB2_52-.Ltmp25, $2  }
0x15d: {  	_ =	sdelay $0x2  }
0x15e: {  	s9 =	sadd.s32 $0x400, s9;
	s11 =	sadd.s32 s11, s12  }
0x15f: {  	s12 =	sld [smem:$0x7F0]  }
0x160: {  	[tilespmem:s7], [sflag:$0x1] =	stream.linear.gather [hbm4b:s11+s2], $0x80, $0x38;
	v63 =	vld [tilespmem:$0x0]  }
0x161: {  	s7 =	simm.s32 $0x10100  }
0x162: {  	s8 =	simm.s32 $0x80;
	s9 =	simm.s32 $0x10500;
	s11 =	sadd.s32 $0x0, s12  }
.LBB2_54:
0x163: {  	[tilespmem:s7], [sflag:$0x1] =	stream.linear.gather [hbm4b:s11+s2], $0x80, $0x38;
	v63 =	vld [tilespmem:$0x0]  }
0x164: {  	s11 =	smov.u32 s8;
	s7 =	smov.u32 s9;
	p0 =	sne.s32 s8, $0x1F80  }
.Ltmp26:
0x165: {  	s8 =	sadd.s32 $0x80, s8;
	(pc) =	sbr.rel @p0 .LBB2_54-.Ltmp26, $2  }
0x166: {  	_ =	sdelay $0x2  }
0x167: {  	s9 =	sadd.s32 $0x400, s9;
	s11 =	sadd.s32 s11, s12  }
0x168: {  	s14 =	sld [smem:$0x7D8]  }
0x169: {  	[tilespmem:s7], [sflag:$0x1] =	stream.linear.gather [hbm4b:s11+s2], $0x80, $0x38;
	v63 =	vld [tilespmem:$0x0]  }
0x16a: {  	s7 =	simm.s32 $0x10180  }
0x16b: {  	s8 =	simm.s32 $0x80;
	s9 =	simm.s32 $0x10580;
	s11 =	sadd.s32 $0x0, s14  }
.LBB2_56:
0x16c: {  	[tilespmem:s7], [sflag:$0x1] =	stream.linear.gather [hbm4b:s11+s2], $0x80, $0x38;
	v63 =	vld [tilespmem:$0x0]  }
0x16d: {  	s11 =	smov.u32 s8;
	s7 =	smov.u32 s9;
	p0 =	sne.s32 s8, $0x1F80  }
.Ltmp27:
0x16e: {  	s8 =	sadd.s32 $0x80, s8;
	(pc) =	sbr.rel @p0 .LBB2_56-.Ltmp27, $2  }
0x16f: {  	_ =	sdelay $0x2  }
0x170: {  	s9 =	sadd.s32 $0x400, s9;
	s11 =	sadd.s32 s11, s14  }
0x171: {  	s14 =	sld [smem:$0x7F1]  }
0x172: {  	[tilespmem:s7], [sflag:$0x1] =	stream.linear.gather [hbm4b:s11+s2], $0x80, $0x38;
	v63 =	vld [tilespmem:$0x0]  }
0x173: {  	s7 =	simm.s32 $0x10200  }
0x174: {  	s8 =	simm.s32 $0x80;
	s9 =	simm.s32 $0x10600;
	s11 =	sadd.s32 $0x0, s14  }
.LBB2_58:
0x175: {  	[tilespmem:s7], [sflag:$0x1] =	stream.linear.gather [hbm4b:s11+s2], $0x80, $0x38;
	v63 =	vld [tilespmem:$0x0]  }
0x176: {  	s11 =	smov.u32 s8;
	s7 =	smov.u32 s9;
	p0 =	sne.s32 s8, $0x1F80  }
.Ltmp28:
0x177: {  	s8 =	sadd.s32 $0x80, s8;
	(pc) =	sbr.rel @p0 .LBB2_58-.Ltmp28, $2  }
0x178: {  	_ =	sdelay $0x2  }
0x179: {  	s9 =	sadd.s32 $0x400, s9;
	s11 =	sadd.s32 s11, s14  }
0x17a: {  	s21 =	sld [smem:$0x7D9]  }
0x17b: {  	[tilespmem:s7], [sflag:$0x1] =	stream.linear.gather [hbm4b:s11+s2], $0x80, $0x38;
	v63 =	vld [tilespmem:$0x0]  }
0x17c: {  	s7 =	simm.s32 $0x10280  }
0x17d: {  	s8 =	simm.s32 $0x80;
	s9 =	simm.s32 $0x10680;
	s11 =	sadd.s32 $0x0, s21  }
.LBB2_60:
0x17e: {  	[tilespmem:s7], [sflag:$0x1] =	stream.linear.gather [hbm4b:s11+s2], $0x80, $0x38;
	v63 =	vld [tilespmem:$0x0]  }
0x17f: {  	s11 =	smov.u32 s8;
	s7 =	smov.u32 s9;
	p0 =	sne.s32 s8, $0x1F80  }
.Ltmp29:
0x180: {  	s8 =	sadd.s32 $0x80, s8;
	(pc) =	sbr.rel @p0 .LBB2_60-.Ltmp29, $2  }
0x181: {  	_ =	sdelay $0x2  }
0x182: {  	s9 =	sadd.s32 $0x400, s9;
	s11 =	sadd.s32 s11, s21  }
0x183: {  	[tilespmem:s7], [sflag:$0x1] =	stream.linear.gather [hbm4b:s11+s2], $0x80, $0x38;
	v63 =	vld [tilespmem:$0x0]  }
0x184: {  	s7 =	simm.s32 $0x10300;
	s21 =	rddreg [dreg:$0xd]  }
0x185: {  	s8 =	simm.s32 $0x80;
	s9 =	simm.s32 $0x10700;
	s11 =	sadd.s32 $0x0, s21  }
.LBB2_62:
0x186: {  	[tilespmem:s7], [sflag:$0x1] =	stream.linear.gather [hbm4b:s11+s2], $0x80, $0x38;
	v63 =	vld [tilespmem:$0x0]  }
0x187: {  	s11 =	smov.u32 s8;
	s7 =	smov.u32 s9;
	p0 =	sne.s32 s8, $0x1F80  }
.Ltmp30:
0x188: {  	s8 =	sadd.s32 $0x80, s8;
	(pc) =	sbr.rel @p0 .LBB2_62-.Ltmp30, $2  }
0x189: {  	_ =	sdelay $0x2  }
0x18a: {  	s9 =	sadd.s32 $0x400, s9;
	s11 =	sadd.s32 s11, s21  }
0x18b: {  	s21 =	sld [smem:$0x7DA]  }
0x18c: {  	[tilespmem:s7], [sflag:$0x1] =	stream.linear.gather [hbm4b:s11+s2], $0x80, $0x38;
	v63 =	vld [tilespmem:$0x0]  }
0x18d: {  	s7 =	simm.s32 $0x10380  }
0x18e: {  	s8 =	simm.s32 $0x80;
	s9 =	simm.s32 $0x10780;
	s11 =	sadd.s32 $0x0, s21  }
.LBB2_64:
0x18f: {  	[tilespmem:s7], [sflag:$0x1] =	stream.linear.gather [hbm4b:s11+s2], $0x80, $0x38;
	v63 =	vld [tilespmem:$0x0]  }
0x190: {  	s11 =	smov.u32 s8;
	s7 =	smov.u32 s9;
	p0 =	sne.s32 s8, $0x1F80  }
.Ltmp31:
0x191: {  	s8 =	sadd.s32 $0x80, s8;
	(pc) =	sbr.rel @p0 .LBB2_64-.Ltmp31, $2  }
0x192: {  	_ =	sdelay $0x2  }
0x193: {  	s9 =	sadd.s32 $0x400, s9;
	s11 =	sadd.s32 s11, s21  }
0x194: {  	[tilespmem:s7], [sflag:$0x1] =	stream.linear.gather [hbm4b:s11+s2], $0x80, $0x38;
	v63 =	vld [tilespmem:$0x0]  }
0x195: {  	s30 =	simm.s32 $0x1  }
0x196: {  	_ =	swait.ge [sflag:s30], $0x2000  }
0x197: {  	[sflag:s30] =	ssyncset.done $0x0  }
0x198: {  	[sflag:s30] =	ssyncadd.s32 $0xFFFFE000  }
0x199: {  	_ =	swait.ge [sflag:s30], $0x2000  }
0x19a: {  	[sflag:s30] =	ssyncset.done $0x0  }
0x19b: {  	[sflag:s30] =	ssyncadd.s32 $0xFFFFE000  }
0x19c: {  	_ =	swait.ge [sflag:s30], $0x2000  }
0x19d: {  	[sflag:s30] =	ssyncset.done $0x0  }
0x19e: {  	[sflag:s30] =	ssyncadd.s32 $0xFFFFE000  }
0x19f: {  	_ =	swait.ge [sflag:s30], $0x2000  }
0x1a0: {  	[sflag:s30] =	ssyncset.done $0x0  }
0x1a1: {  	[sflag:s30] =	ssyncadd.s32 $0xFFFFE000  }
0x1a2: {  	_ =	swait.ge [sflag:s30], $0x2000  }
0x1a3: {  	[sflag:s30] =	ssyncset.done $0x0  }
0x1a4: {  	[sflag:s30] =	ssyncadd.s32 $0xFFFFE000  }
0x1a5: {  	_ =	swait.ge [sflag:s30], $0x2000  }
0x1a6: {  	[sflag:s30] =	ssyncset.done $0x0  }
0x1a7: {  	[sflag:s30] =	ssyncadd.s32 $0xFFFFE000  }
0x1a8: {  	_ =	swait.ge [sflag:s30], $0x2000  }
0x1a9: {  	[sflag:s30] =	ssyncset.done $0x0  }
0x1aa: {  	[sflag:s30] =	ssyncadd.s32 $0xFFFFE000  }
0x1ab: {  	_ =	swait.ge [sflag:s30], $0x2000  }
0x1ac: {  	s7 =	simm.s32 $0x0;
	[sflag:s30] =	ssyncset.done $0x0  }
0x1ad: {  	s31 =	simm.s32 $0x2;
	s8 =	rddreg [dreg:$0xe];
	[sflag:s30] =	ssyncadd.s32 $0xFFFFE000  }
0x1ae: {  	[hbm4b:s8+s7] =	stream.linear.scatter [tilespmem:s7], [sflag:$0x2], $0x10000, $0x38;
	v63 =	vld [tilespmem:$0x0]  }
0x1af: {  	_ =	swait.ge [sflag:s31], $0x10000  }
0x1b0: {  	s15 =	sld [smem:$0x7DB];
	_ =	sdelay $0x1  }
0x1b1: {  	s9 =	simm.s32 $0x400;
	s8 =	simm.s32 $0x80;
	[sflag:s31] =	ssyncset.done $0x0  }
0x1b2: {  	s21 =	rddreg [dreg:$0xf];
	[sflag:s31] =	ssyncadd.s32 $0xFFFF0000;
	s11 =	sadd.s32 $0x0, s15  }
.LBB2_66:
0x1b3: {  	[tilespmem:s7], [sflag:$0x1] =	stream.linear.gather [hbm4b:s11+s2], $0x80, $0x38;
	v63 =	vld [tilespmem:$0x0]  }
0x1b4: {  	s11 =	smov.u32 s8;
	s7 =	smov.u32 s9;
	p0 =	sne.s32 s8, $0x1F80  }
.Ltmp32:
0x1b5: {  	s8 =	sadd.s32 $0x80, s8;
	(pc) =	sbr.rel @p0 .LBB2_66-.Ltmp32, $2  }
0x1b6: {  	_ =	sdelay $0x2  }
0x1b7: {  	s9 =	sadd.s32 $0x400, s9;
	s11 =	sadd.s32 s11, s15  }
0x1b8: {  	s15 =	sld [smem:$0x7DC]  }
0x1b9: {  	[tilespmem:s7], [sflag:$0x1] =	stream.linear.gather [hbm4b:s11+s2], $0x80, $0x38;
	v63 =	vld [tilespmem:$0x0]  }
0x1ba: {  	s7 =	simm.s32 $0x80  }
0x1bb: {  	s8 =	simm.s32 $0x80;
	s9 =	simm.s32 $0x480;
	s11 =	sadd.s32 $0x0, s15  }
.LBB2_68:
0x1bc: {  	[tilespmem:s7], [sflag:$0x1] =	stream.linear.gather [hbm4b:s11+s2], $0x80, $0x38;
	v63 =	vld [tilespmem:$0x0]  }
0x1bd: {  	s11 =	smov.u32 s8;
	s7 =	smov.u32 s9;
	p0 =	sne.s32 s8, $0x1F80  }
.Ltmp33:
0x1be: {  	s8 =	sadd.s32 $0x80, s8;
	(pc) =	sbr.rel @p0 .LBB2_68-.Ltmp33, $2  }
0x1bf: {  	_ =	sdelay $0x2  }
0x1c0: {  	s9 =	sadd.s32 $0x400, s9;
	s11 =	sadd.s32 s11, s15  }
0x1c1: {  	s15 =	sld [smem:$0x7DD]  }
0x1c2: {  	[tilespmem:s7], [sflag:$0x1] =	stream.linear.gather [hbm4b:s11+s2], $0x80, $0x38;
	v63 =	vld [tilespmem:$0x0]  }
0x1c3: {  	s7 =	simm.s32 $0x100  }
0x1c4: {  	s8 =	simm.s32 $0x80;
	s9 =	simm.s32 $0x500;
	s11 =	sadd.s32 $0x0, s15  }
.LBB2_70:
0x1c5: {  	[tilespmem:s7], [sflag:$0x1] =	stream.linear.gather [hbm4b:s11+s2], $0x80, $0x38;
	v63 =	vld [tilespmem:$0x0]  }
0x1c6: {  	s11 =	smov.u32 s8;
	s7 =	smov.u32 s9;
	p0 =	sne.s32 s8, $0x1F80  }
.Ltmp34:
0x1c7: {  	s8 =	sadd.s32 $0x80, s8;
	(pc) =	sbr.rel @p0 .LBB2_70-.Ltmp34, $2  }
0x1c8: {  	_ =	sdelay $0x2  }
0x1c9: {  	s9 =	sadd.s32 $0x400, s9;
	s11 =	sadd.s32 s11, s15  }
0x1ca: {  	s15 =	sld [smem:$0x7F2]  }
0x1cb: {  	[tilespmem:s7], [sflag:$0x1] =	stream.linear.gather [hbm4b:s11+s2], $0x80, $0x38;
	v63 =	vld [tilespmem:$0x0]  }
0x1cc: {  	s7 =	simm.s32 $0x180;
	s8 =	simm.s32 $0x80  }
0x1cd: {  	s9 =	simm.s32 $0x580;
	s3 =	sld [smem:$0x7FC];
	s11 =	sadd.s32 $0x0, s15  }
.LBB2_72:
0x1ce: {  	[tilespmem:s7], [sflag:$0x1] =	stream.linear.gather [hbm4b:s11+s2], $0x80, $0x38;
	v63 =	vld [tilespmem:$0x0]  }
0x1cf: {  	s11 =	smov.u32 s8;
	s7 =	smov.u32 s9;
	p0 =	sne.s32 s8, $0x1F80  }
.Ltmp35:
0x1d0: {  	s8 =	sadd.s32 $0x80, s8;
	(pc) =	sbr.rel @p0 .LBB2_72-.Ltmp35, $2  }
0x1d1: {  	_ =	sdelay $0x2  }
0x1d2: {  	s9 =	sadd.s32 $0x400, s9;
	s11 =	sadd.s32 s11, s15  }
0x1d3: {  	s16 =	sld [smem:$0x7DE]  }
0x1d4: {  	[tilespmem:s7], [sflag:$0x1] =	stream.linear.gather [hbm4b:s11+s2], $0x80, $0x38;
	v63 =	vld [tilespmem:$0x0]  }
0x1d5: {  	s7 =	simm.s32 $0x200  }
0x1d6: {  	s8 =	simm.s32 $0x80;
	s9 =	simm.s32 $0x600;
	s11 =	sadd.s32 $0x0, s16  }
.LBB2_74:
0x1d7: {  	[tilespmem:s7], [sflag:$0x1] =	stream.linear.gather [hbm4b:s11+s2], $0x80, $0x38;
	v63 =	vld [tilespmem:$0x0]  }
0x1d8: {  	s11 =	smov.u32 s8;
	s7 =	smov.u32 s9;
	p0 =	sne.s32 s8, $0x1F80  }
.Ltmp36:
0x1d9: {  	s8 =	sadd.s32 $0x80, s8;
	(pc) =	sbr.rel @p0 .LBB2_74-.Ltmp36, $2  }
0x1da: {  	_ =	sdelay $0x2  }
0x1db: {  	s9 =	sadd.s32 $0x400, s9;
	s11 =	sadd.s32 s11, s16  }
0x1dc: {  	s16 =	sld [smem:$0x7F3]  }
0x1dd: {  	[tilespmem:s7], [sflag:$0x1] =	stream.linear.gather [hbm4b:s11+s2], $0x80, $0x38;
	v63 =	vld [tilespmem:$0x0]  }
0x1de: {  	s7 =	simm.s32 $0x280  }
0x1df: {  	s8 =	simm.s32 $0x80;
	s9 =	simm.s32 $0x680;
	s11 =	sadd.s32 $0x0, s16  }
.LBB2_76:
0x1e0: {  	[tilespmem:s7], [sflag:$0x1] =	stream.linear.gather [hbm4b:s11+s2], $0x80, $0x38;
	v63 =	vld [tilespmem:$0x0]  }
0x1e1: {  	s11 =	smov.u32 s8;
	s7 =	smov.u32 s9;
	p0 =	sne.s32 s8, $0x1F80  }
.Ltmp37:
0x1e2: {  	s8 =	sadd.s32 $0x80, s8;
	(pc) =	sbr.rel @p0 .LBB2_76-.Ltmp37, $2  }
0x1e3: {  	_ =	sdelay $0x2  }
0x1e4: {  	s9 =	sadd.s32 $0x400, s9;
	s11 =	sadd.s32 s11, s16  }
0x1e5: {  	[tilespmem:s7], [sflag:$0x1] =	stream.linear.gather [hbm4b:s11+s2], $0x80, $0x38;
	v63 =	vld [tilespmem:$0x0]  }
0x1e6: {  	s7 =	simm.s32 $0x300  }
0x1e7: {  	s8 =	simm.s32 $0x80;
	s11 =	sadd.s32 $0x0, s21;
	s9 =	simm.s32 $0x700  }
.LBB2_78:
0x1e8: {  	[tilespmem:s7], [sflag:$0x1] =	stream.linear.gather [hbm4b:s11+s2], $0x80, $0x38;
	v63 =	vld [tilespmem:$0x0]  }
0x1e9: {  	s11 =	smov.u32 s8;
	s7 =	smov.u32 s9;
	p0 =	sne.s32 s8, $0x1F80  }
.Ltmp38:
0x1ea: {  	s8 =	sadd.s32 $0x80, s8;
	(pc) =	sbr.rel @p0 .LBB2_78-.Ltmp38, $2  }
0x1eb: {  	_ =	sdelay $0x2  }
0x1ec: {  	s9 =	sadd.s32 $0x400, s9;
	s11 =	sadd.s32 s11, s21  }
0x1ed: {  	s18 =	sld [smem:$0x7DF]  }
0x1ee: {  	[tilespmem:s7], [sflag:$0x1] =	stream.linear.gather [hbm4b:s11+s2], $0x80, $0x38;
	v63 =	vld [tilespmem:$0x0]  }
0x1ef: {  	s7 =	simm.s32 $0x380  }
0x1f0: {  	s8 =	simm.s32 $0x80;
	s9 =	simm.s32 $0x780;
	s11 =	sadd.s32 $0x0, s18  }
.LBB2_80:
0x1f1: {  	[tilespmem:s7], [sflag:$0x1] =	stream.linear.gather [hbm4b:s11+s2], $0x80, $0x38;
	v63 =	vld [tilespmem:$0x0]  }
0x1f2: {  	s11 =	smov.u32 s8;
	s7 =	smov.u32 s9;
	p0 =	sne.s32 s8, $0x1F80  }
.Ltmp39:
0x1f3: {  	s8 =	sadd.s32 $0x80, s8;
	(pc) =	sbr.rel @p0 .LBB2_80-.Ltmp39, $2  }
0x1f4: {  	_ =	sdelay $0x2  }
0x1f5: {  	s9 =	sadd.s32 $0x400, s9;
	s11 =	sadd.s32 s11, s18  }
0x1f6: {  	[tilespmem:s7], [sflag:$0x1] =	stream.linear.gather [hbm4b:s11+s2], $0x80, $0x38;
	v63 =	vld [tilespmem:$0x0]  }
0x1f7: {  	s30 =	simm.s32 $0x1  }
0x1f8: {  	_ =	swait.ge [sflag:s30], $0x2000  }
0x1f9: {  	[sflag:s30] =	ssyncset.done $0x0  }
0x1fa: {  	[sflag:s30] =	ssyncadd.s32 $0xFFFFE000  }
0x1fb: {  	_ =	swait.ge [sflag:s30], $0x2000  }
0x1fc: {  	[sflag:s30] =	ssyncset.done $0x0  }
0x1fd: {  	[sflag:s30] =	ssyncadd.s32 $0xFFFFE000  }
0x1fe: {  	_ =	swait.ge [sflag:s30], $0x2000  }
0x1ff: {  	[sflag:s30] =	ssyncset.done $0x0  }
0x200: {  	[sflag:s30] =	ssyncadd.s32 $0xFFFFE000  }
0x201: {  	_ =	swait.ge [sflag:s30], $0x2000  }
0x202: {  	[sflag:s30] =	ssyncset.done $0x0  }
0x203: {  	[sflag:s30] =	ssyncadd.s32 $0xFFFFE000  }
0x204: {  	_ =	swait.ge [sflag:s30], $0x2000  }
0x205: {  	[sflag:s30] =	ssyncset.done $0x0  }
0x206: {  	[sflag:s30] =	ssyncadd.s32 $0xFFFFE000  }
0x207: {  	_ =	swait.ge [sflag:s30], $0x2000  }
0x208: {  	[sflag:s30] =	ssyncset.done $0x0  }
0x209: {  	[sflag:s30] =	ssyncadd.s32 $0xFFFFE000  }
0x20a: {  	_ =	swait.ge [sflag:s30], $0x2000  }
0x20b: {  	[sflag:s30] =	ssyncset.done $0x0  }
0x20c: {  	[sflag:s30] =	ssyncadd.s32 $0xFFFFE000  }
0x20d: {  	_ =	swait.ge [sflag:s30], $0x2000  }
0x20e: {  	s8 =	simm.s32 $0x0;
	s7 =	simm.s32 $0x10000;
	[sflag:s30] =	ssyncset.done $0x0  }
0x20f: {  	s31 =	simm.s32 $0x2;
	s9 =	rddreg [dreg:$0x10];
	[sflag:s30] =	ssyncadd.s32 $0xFFFFE000  }
0x210: {  	[hbm4b:s9+s8] =	stream.linear.scatter [tilespmem:s7], [sflag:$0x2], $0x10000, $0x38;
	v63 =	vld [tilespmem:$0x0]  }
0x211: {  	_ =	swait.ge [sflag:s31], $0x10000  }
0x212: {  	s18 =	sld [smem:$0x7F4];
	_ =	sdelay $0x1  }
0x213: {  	s8 =	simm.s32 $0x80;
	[sflag:s31] =	ssyncset.done $0x0  }
0x214: {  	s9 =	simm.s32 $0x10400;
	[sflag:s31] =	ssyncadd.s32 $0xFFFF0000;
	s11 =	sadd.s32 $0x0, s18  }
.LBB2_82:
0x215: {  	[tilespmem:s7], [sflag:$0x1] =	stream.linear.gather [hbm4b:s11+s2], $0x80, $0x38;
	v63 =	vld [tilespmem:$0x0]  }
0x216: {  	s11 =	smov.u32 s8;
	s7 =	smov.u32 s9;
	p0 =	sne.s32 s8, $0x1F80  }
.Ltmp40:
0x217: {  	s8 =	sadd.s32 $0x80, s8;
	(pc) =	sbr.rel @p0 .LBB2_82-.Ltmp40, $2  }
0x218: {  	_ =	sdelay $0x2  }
0x219: {  	s9 =	sadd.s32 $0x400, s9;
	s11 =	sadd.s32 s11, s18  }
0x21a: {  	s20 =	sld [smem:$0x7E0]  }
0x21b: {  	[tilespmem:s7], [sflag:$0x1] =	stream.linear.gather [hbm4b:s11+s2], $0x80, $0x38;
	v63 =	vld [tilespmem:$0x0]  }
0x21c: {  	s7 =	simm.s32 $0x10080  }
0x21d: {  	s8 =	simm.s32 $0x80;
	s9 =	simm.s32 $0x10480;
	s11 =	sadd.s32 $0x0, s20  }
.LBB2_84:
0x21e: {  	[tilespmem:s7], [sflag:$0x1] =	stream.linear.gather [hbm4b:s11+s2], $0x80, $0x38;
	v63 =	vld [tilespmem:$0x0]  }
0x21f: {  	s11 =	smov.u32 s8;
	s7 =	smov.u32 s9;
	p0 =	sne.s32 s8, $0x1F80  }
.Ltmp41:
0x220: {  	s8 =	sadd.s32 $0x80, s8;
	(pc) =	sbr.rel @p0 .LBB2_84-.Ltmp41, $2  }
0x221: {  	_ =	sdelay $0x2  }
0x222: {  	s9 =	sadd.s32 $0x400, s9;
	s11 =	sadd.s32 s11, s20  }
0x223: {  	s20 =	sld [smem:$0x7F5]  }
0x224: {  	[tilespmem:s7], [sflag:$0x1] =	stream.linear.gather [hbm4b:s11+s2], $0x80, $0x38;
	v63 =	vld [tilespmem:$0x0]  }
0x225: {  	s7 =	simm.s32 $0x10100  }
0x226: {  	s8 =	simm.s32 $0x80;
	s9 =	simm.s32 $0x10500;
	s11 =	sadd.s32 $0x0, s20  }
.LBB2_86:
0x227: {  	[tilespmem:s7], [sflag:$0x1] =	stream.linear.gather [hbm4b:s11+s2], $0x80, $0x38;
	v63 =	vld [tilespmem:$0x0]  }
0x228: {  	s11 =	smov.u32 s8;
	s7 =	smov.u32 s9;
	p0 =	sne.s32 s8, $0x1F80  }
.Ltmp42:
0x229: {  	s8 =	sadd.s32 $0x80, s8;
	(pc) =	sbr.rel @p0 .LBB2_86-.Ltmp42, $2  }
0x22a: {  	_ =	sdelay $0x2  }
0x22b: {  	s9 =	sadd.s32 $0x400, s9;
	s11 =	sadd.s32 s11, s20  }
0x22c: {  	s22 =	sld [smem:$0x7E1]  }
0x22d: {  	[tilespmem:s7], [sflag:$0x1] =	stream.linear.gather [hbm4b:s11+s2], $0x80, $0x38;
	v63 =	vld [tilespmem:$0x0]  }
0x22e: {  	s7 =	simm.s32 $0x10180  }
0x22f: {  	s8 =	simm.s32 $0x80;
	s9 =	simm.s32 $0x10580;
	s11 =	sadd.s32 $0x0, s22  }
.LBB2_88:
0x230: {  	[tilespmem:s7], [sflag:$0x1] =	stream.linear.gather [hbm4b:s11+s2], $0x80, $0x38;
	v63 =	vld [tilespmem:$0x0]  }
0x231: {  	s11 =	smov.u32 s8;
	s7 =	smov.u32 s9;
	p0 =	sne.s32 s8, $0x1F80  }
.Ltmp43:
0x232: {  	s8 =	sadd.s32 $0x80, s8;
	(pc) =	sbr.rel @p0 .LBB2_88-.Ltmp43, $2  }
0x233: {  	_ =	sdelay $0x2  }
0x234: {  	s9 =	sadd.s32 $0x400, s9;
	s11 =	sadd.s32 s11, s22  }
0x235: {  	s22 =	sld [smem:$0x7F6]  }
0x236: {  	[tilespmem:s7], [sflag:$0x1] =	stream.linear.gather [hbm4b:s11+s2], $0x80, $0x38;
	v63 =	vld [tilespmem:$0x0]  }
0x237: {  	s7 =	simm.s32 $0x10200  }
0x238: {  	s8 =	simm.s32 $0x80;
	s9 =	simm.s32 $0x10600;
	s11 =	sadd.s32 $0x0, s22  }
.LBB2_90:
0x239: {  	[tilespmem:s7], [sflag:$0x1] =	stream.linear.gather [hbm4b:s11+s2], $0x80, $0x38;
	v63 =	vld [tilespmem:$0x0]  }
0x23a: {  	s11 =	smov.u32 s8;
	s7 =	smov.u32 s9;
	p0 =	sne.s32 s8, $0x1F80  }
.Ltmp44:
0x23b: {  	s8 =	sadd.s32 $0x80, s8;
	(pc) =	sbr.rel @p0 .LBB2_90-.Ltmp44, $2  }
0x23c: {  	_ =	sdelay $0x2  }
0x23d: {  	s9 =	sadd.s32 $0x400, s9;
	s11 =	sadd.s32 s11, s22  }
0x23e: {  	s24 =	sld [smem:$0x7E2]  }
0x23f: {  	[tilespmem:s7], [sflag:$0x1] =	stream.linear.gather [hbm4b:s11+s2], $0x80, $0x38;
	v63 =	vld [tilespmem:$0x0]  }
0x240: {  	s7 =	simm.s32 $0x10280  }
0x241: {  	s8 =	simm.s32 $0x80;
	s9 =	simm.s32 $0x10680;
	s11 =	sadd.s32 $0x0, s24  }
.LBB2_92:
0x242: {  	[tilespmem:s7], [sflag:$0x1] =	stream.linear.gather [hbm4b:s11+s2], $0x80, $0x38;
	v63 =	vld [tilespmem:$0x0]  }
0x243: {  	s11 =	smov.u32 s8;
	s7 =	smov.u32 s9;
	p0 =	sne.s32 s8, $0x1F80  }
.Ltmp45:
0x244: {  	s8 =	sadd.s32 $0x80, s8;
	(pc) =	sbr.rel @p0 .LBB2_92-.Ltmp45, $2  }
0x245: {  	_ =	sdelay $0x2  }
0x246: {  	s9 =	sadd.s32 $0x400, s9;
	s11 =	sadd.s32 s11, s24  }
0x247: {  	[tilespmem:s7], [sflag:$0x1] =	stream.linear.gather [hbm4b:s11+s2], $0x80, $0x38;
	v63 =	vld [tilespmem:$0x0]  }
0x248: {  	s7 =	simm.s32 $0x10300;
	s24 =	rddreg [dreg:$0x11]  }
0x249: {  	s8 =	simm.s32 $0x80;
	s9 =	simm.s32 $0x10700;
	s11 =	sadd.s32 $0x0, s24  }
.LBB2_94:
0x24a: {  	[tilespmem:s7], [sflag:$0x1] =	stream.linear.gather [hbm4b:s11+s2], $0x80, $0x38;
	v63 =	vld [tilespmem:$0x0]  }
0x24b: {  	s11 =	smov.u32 s8;
	s7 =	smov.u32 s9;
	p0 =	sne.s32 s8, $0x1F80  }
.Ltmp46:
0x24c: {  	s8 =	sadd.s32 $0x80, s8;
	(pc) =	sbr.rel @p0 .LBB2_94-.Ltmp46, $2  }
0x24d: {  	_ =	sdelay $0x2  }
0x24e: {  	s9 =	sadd.s32 $0x400, s9;
	s11 =	sadd.s32 s11, s24  }
0x24f: {  	s24 =	sld [smem:$0x7E3]  }
0x250: {  	[tilespmem:s7], [sflag:$0x1] =	stream.linear.gather [hbm4b:s11+s2], $0x80, $0x38;
	v63 =	vld [tilespmem:$0x0]  }
0x251: {  	s7 =	simm.s32 $0x10380  }
0x252: {  	s8 =	simm.s32 $0x80;
	s9 =	simm.s32 $0x10780;
	s11 =	sadd.s32 $0x0, s24  }
.LBB2_96:
0x253: {  	[tilespmem:s7], [sflag:$0x1] =	stream.linear.gather [hbm4b:s11+s2], $0x80, $0x38;
	v63 =	vld [tilespmem:$0x0]  }
0x254: {  	s11 =	smov.u32 s8;
	s7 =	smov.u32 s9;
	p0 =	sne.s32 s8, $0x1F80  }
.Ltmp47:
0x255: {  	s8 =	sadd.s32 $0x80, s8;
	(pc) =	sbr.rel @p0 .LBB2_96-.Ltmp47, $2  }
0x256: {  	_ =	sdelay $0x2  }
0x257: {  	s9 =	sadd.s32 $0x400, s9;
	s11 =	sadd.s32 s11, s24  }
0x258: {  	[tilespmem:s7], [sflag:$0x1] =	stream.linear.gather [hbm4b:s11+s2], $0x80, $0x38;
	v63 =	vld [tilespmem:$0x0]  }
0x259: {  	s30 =	simm.s32 $0x1  }
0x25a: {  	_ =	swait.ge [sflag:s30], $0x2000  }
0x25b: {  	[sflag:s30] =	ssyncset.done $0x0  }
0x25c: {  	[sflag:s30] =	ssyncadd.s32 $0xFFFFE000  }
0x25d: {  	_ =	swait.ge [sflag:s30], $0x2000  }
0x25e: {  	[sflag:s30] =	ssyncset.done $0x0  }
0x25f: {  	[sflag:s30] =	ssyncadd.s32 $0xFFFFE000  }
0x260: {  	_ =	swait.ge [sflag:s30], $0x2000  }
0x261: {  	[sflag:s30] =	ssyncset.done $0x0  }
0x262: {  	[sflag:s30] =	ssyncadd.s32 $0xFFFFE000  }
0x263: {  	_ =	swait.ge [sflag:s30], $0x2000  }
0x264: {  	[sflag:s30] =	ssyncset.done $0x0  }
0x265: {  	[sflag:s30] =	ssyncadd.s32 $0xFFFFE000  }
0x266: {  	_ =	swait.ge [sflag:s30], $0x2000  }
0x267: {  	[sflag:s30] =	ssyncset.done $0x0  }
0x268: {  	[sflag:s30] =	ssyncadd.s32 $0xFFFFE000  }
0x269: {  	_ =	swait.ge [sflag:s30], $0x2000  }
0x26a: {  	[sflag:s30] =	ssyncset.done $0x0  }
0x26b: {  	[sflag:s30] =	ssyncadd.s32 $0xFFFFE000  }
0x26c: {  	_ =	swait.ge [sflag:s30], $0x2000  }
0x26d: {  	[sflag:s30] =	ssyncset.done $0x0  }
0x26e: {  	[sflag:s30] =	ssyncadd.s32 $0xFFFFE000  }
0x26f: {  	_ =	swait.ge [sflag:s30], $0x2000  }
0x270: {  	s7 =	simm.s32 $0x0;
	[sflag:s30] =	ssyncset.done $0x0  }
0x271: {  	s31 =	simm.s32 $0x2;
	s8 =	rddreg [dreg:$0x12];
	[sflag:s30] =	ssyncadd.s32 $0xFFFFE000  }
0x272: {  	[hbm4b:s8+s7] =	stream.linear.scatter [tilespmem:s7], [sflag:$0x2], $0x10000, $0x38;
	v63 =	vld [tilespmem:$0x0]  }
0x273: {  	_ =	swait.ge [sflag:s31], $0x10000  }
0x274: {  	s17 =	sld [smem:$0x7E4];
	_ =	sdelay $0x1  }
0x275: {  	s9 =	simm.s32 $0x400;
	s8 =	simm.s32 $0x80;
	[sflag:s31] =	ssyncset.done $0x0  }
0x276: {  	s24 =	rddreg [dreg:$0x13];
	[sflag:s31] =	ssyncadd.s32 $0xFFFF0000;
	s11 =	sadd.s32 $0x0, s17  }
.LBB2_98:
0x277: {  	[tilespmem:s7], [sflag:$0x1] =	stream.linear.gather [hbm4b:s11+s2], $0x80, $0x38;
	v63 =	vld [tilespmem:$0x0]  }
0x278: {  	s11 =	smov.u32 s8;
	s7 =	smov.u32 s9;
	p0 =	sne.s32 s8, $0x1F80  }
.Ltmp48:
0x279: {  	s8 =	sadd.s32 $0x80, s8;
	(pc) =	sbr.rel @p0 .LBB2_98-.Ltmp48, $2  }
0x27a: {  	_ =	sdelay $0x2  }
0x27b: {  	s9 =	sadd.s32 $0x400, s9;
	s11 =	sadd.s32 s11, s17  }
0x27c: {  	s17 =	sld [smem:$0x7E5]  }
0x27d: {  	[tilespmem:s7], [sflag:$0x1] =	stream.linear.gather [hbm4b:s11+s2], $0x80, $0x38;
	v63 =	vld [tilespmem:$0x0]  }
0x27e: {  	s7 =	simm.s32 $0x80  }
0x27f: {  	s8 =	simm.s32 $0x80;
	s9 =	simm.s32 $0x480;
	s11 =	sadd.s32 $0x0, s17  }
.LBB2_100:
0x280: {  	[tilespmem:s7], [sflag:$0x1] =	stream.linear.gather [hbm4b:s11+s2], $0x80, $0x38;
	v63 =	vld [tilespmem:$0x0]  }
0x281: {  	s11 =	smov.u32 s8;
	s7 =	smov.u32 s9;
	p0 =	sne.s32 s8, $0x1F80  }
.Ltmp49:
0x282: {  	s8 =	sadd.s32 $0x80, s8;
	(pc) =	sbr.rel @p0 .LBB2_100-.Ltmp49, $2  }
0x283: {  	_ =	sdelay $0x2  }
0x284: {  	s9 =	sadd.s32 $0x400, s9;
	s11 =	sadd.s32 s11, s17  }
0x285: {  	s17 =	sld [smem:$0x7E6]  }
0x286: {  	[tilespmem:s7], [sflag:$0x1] =	stream.linear.gather [hbm4b:s11+s2], $0x80, $0x38;
	v63 =	vld [tilespmem:$0x0]  }
0x287: {  	s7 =	simm.s32 $0x100  }
0x288: {  	s8 =	simm.s32 $0x80;
	s9 =	simm.s32 $0x500;
	s11 =	sadd.s32 $0x0, s17  }
.LBB2_102:
0x289: {  	[tilespmem:s7], [sflag:$0x1] =	stream.linear.gather [hbm4b:s11+s2], $0x80, $0x38;
	v63 =	vld [tilespmem:$0x0]  }
0x28a: {  	s11 =	smov.u32 s8;
	s7 =	smov.u32 s9;
	p0 =	sne.s32 s8, $0x1F80  }
.Ltmp50:
0x28b: {  	s8 =	sadd.s32 $0x80, s8;
	(pc) =	sbr.rel @p0 .LBB2_102-.Ltmp50, $2  }
0x28c: {  	_ =	sdelay $0x2  }
0x28d: {  	s9 =	sadd.s32 $0x400, s9;
	s11 =	sadd.s32 s11, s17  }
0x28e: {  	s17 =	sld [smem:$0x7F7]  }
0x28f: {  	[tilespmem:s7], [sflag:$0x1] =	stream.linear.gather [hbm4b:s11+s2], $0x80, $0x38;
	v63 =	vld [tilespmem:$0x0]  }
0x290: {  	s7 =	simm.s32 $0x180;
	s8 =	simm.s32 $0x80  }
0x291: {  	s9 =	simm.s32 $0x580;
	s6 =	sld [smem:$0x7FD];
	s11 =	sadd.s32 $0x0, s17  }
.LBB2_104:
0x292: {  	[tilespmem:s7], [sflag:$0x1] =	stream.linear.gather [hbm4b:s11+s2], $0x80, $0x38;
	v63 =	vld [tilespmem:$0x0]  }
0x293: {  	s11 =	smov.u32 s8;
	s7 =	smov.u32 s9;
	p0 =	sne.s32 s8, $0x1F80  }
.Ltmp51:
0x294: {  	s8 =	sadd.s32 $0x80, s8;
	(pc) =	sbr.rel @p0 .LBB2_104-.Ltmp51, $2  }
0x295: {  	_ =	sdelay $0x2  }
0x296: {  	s9 =	sadd.s32 $0x400, s9;
	s11 =	sadd.s32 s11, s17  }
0x297: {  	s23 =	sld [smem:$0x7E7]  }
0x298: {  	[tilespmem:s7], [sflag:$0x1] =	stream.linear.gather [hbm4b:s11+s2], $0x80, $0x38;
	v63 =	vld [tilespmem:$0x0]  }
0x299: {  	s7 =	simm.s32 $0x200  }
0x29a: {  	s8 =	simm.s32 $0x80;
	s9 =	simm.s32 $0x600;
	s11 =	sadd.s32 $0x0, s23  }
.LBB2_106:
0x29b: {  	[tilespmem:s7], [sflag:$0x1] =	stream.linear.gather [hbm4b:s11+s2], $0x80, $0x38;
	v63 =	vld [tilespmem:$0x0]  }
0x29c: {  	s11 =	smov.u32 s8;
	s7 =	smov.u32 s9;
	p0 =	sne.s32 s8, $0x1F80  }
.Ltmp52:
0x29d: {  	s8 =	sadd.s32 $0x80, s8;
	(pc) =	sbr.rel @p0 .LBB2_106-.Ltmp52, $2  }
0x29e: {  	_ =	sdelay $0x2  }
0x29f: {  	s9 =	sadd.s32 $0x400, s9;
	s11 =	sadd.s32 s11, s23  }
0x2a0: {  	s23 =	sld [smem:$0x7F8]  }
0x2a1: {  	[tilespmem:s7], [sflag:$0x1] =	stream.linear.gather [hbm4b:s11+s2], $0x80, $0x38;
	v63 =	vld [tilespmem:$0x0]  }
0x2a2: {  	s7 =	simm.s32 $0x280  }
0x2a3: {  	s8 =	simm.s32 $0x80;
	s9 =	simm.s32 $0x680;
	s11 =	sadd.s32 $0x0, s23  }
.LBB2_108:
0x2a4: {  	[tilespmem:s7], [sflag:$0x1] =	stream.linear.gather [hbm4b:s11+s2], $0x80, $0x38;
	v63 =	vld [tilespmem:$0x0]  }
0x2a5: {  	s11 =	smov.u32 s8;
	s7 =	smov.u32 s9;
	p0 =	sne.s32 s8, $0x1F80  }
.Ltmp53:
0x2a6: {  	s8 =	sadd.s32 $0x80, s8;
	(pc) =	sbr.rel @p0 .LBB2_108-.Ltmp53, $2  }
0x2a7: {  	_ =	sdelay $0x2  }
0x2a8: {  	s9 =	sadd.s32 $0x400, s9;
	s11 =	sadd.s32 s11, s23  }
0x2a9: {  	[tilespmem:s7], [sflag:$0x1] =	stream.linear.gather [hbm4b:s11+s2], $0x80, $0x38;
	v63 =	vld [tilespmem:$0x0]  }
0x2aa: {  	s7 =	simm.s32 $0x300  }
0x2ab: {  	s8 =	simm.s32 $0x80;
	s11 =	sadd.s32 $0x0, s24;
	s9 =	simm.s32 $0x700  }
.LBB2_110:
0x2ac: {  	[tilespmem:s7], [sflag:$0x1] =	stream.linear.gather [hbm4b:s11+s2], $0x80, $0x38;
	v63 =	vld [tilespmem:$0x0]  }
0x2ad: {  	s11 =	smov.u32 s8;
	s7 =	smov.u32 s9;
	p0 =	sne.s32 s8, $0x1F80  }
.Ltmp54:
0x2ae: {  	s8 =	sadd.s32 $0x80, s8;
	(pc) =	sbr.rel @p0 .LBB2_110-.Ltmp54, $2  }
0x2af: {  	_ =	sdelay $0x2  }
0x2b0: {  	s9 =	sadd.s32 $0x400, s9;
	s11 =	sadd.s32 s11, s24  }
0x2b1: {  	s25 =	sld [smem:$0x7E8]  }
0x2b2: {  	[tilespmem:s7], [sflag:$0x1] =	stream.linear.gather [hbm4b:s11+s2], $0x80, $0x38;
	v63 =	vld [tilespmem:$0x0]  }
0x2b3: {  	s7 =	simm.s32 $0x380  }
0x2b4: {  	s8 =	simm.s32 $0x80;
	s9 =	simm.s32 $0x780;
	s11 =	sadd.s32 $0x0, s25  }
.LBB2_112:
0x2b5: {  	[tilespmem:s7], [sflag:$0x1] =	stream.linear.gather [hbm4b:s11+s2], $0x80, $0x38;
	v63 =	vld [tilespmem:$0x0]  }
0x2b6: {  	s11 =	smov.u32 s8;
	s7 =	smov.u32 s9;
	p0 =	sne.s32 s8, $0x1F80  }
.Ltmp55:
0x2b7: {  	s8 =	sadd.s32 $0x80, s8;
	(pc) =	sbr.rel @p0 .LBB2_112-.Ltmp55, $2  }
0x2b8: {  	_ =	sdelay $0x2  }
0x2b9: {  	s9 =	sadd.s32 $0x400, s9;
	s11 =	sadd.s32 s11, s25  }
0x2ba: {  	[tilespmem:s7], [sflag:$0x1] =	stream.linear.gather [hbm4b:s11+s2], $0x80, $0x38;
	v63 =	vld [tilespmem:$0x0]  }
0x2bb: {  	s4 =	simm.s32 $0x1  }
0x2bc: {  	_ =	swait.ge [sflag:s4], $0x2000  }
0x2bd: {  	[sflag:s4] =	ssyncset.done $0x0  }
0x2be: {  	[sflag:s4] =	ssyncadd.s32 $0xFFFFE000  }
0x2bf: {  	_ =	swait.ge [sflag:s4], $0x2000  }
0x2c0: {  	[sflag:s4] =	ssyncset.done $0x0  }
0x2c1: {  	[sflag:s4] =	ssyncadd.s32 $0xFFFFE000  }
0x2c2: {  	_ =	swait.ge [sflag:s4], $0x2000  }
0x2c3: {  	[sflag:s4] =	ssyncset.done $0x0  }
0x2c4: {  	[sflag:s4] =	ssyncadd.s32 $0xFFFFE000  }
0x2c5: {  	_ =	swait.ge [sflag:s4], $0x2000  }
0x2c6: {  	[sflag:s4] =	ssyncset.done $0x0  }
0x2c7: {  	[sflag:s4] =	ssyncadd.s32 $0xFFFFE000  }
0x2c8: {  	_ =	swait.ge [sflag:s4], $0x2000  }
0x2c9: {  	[sflag:s4] =	ssyncset.done $0x0  }
0x2ca: {  	[sflag:s4] =	ssyncadd.s32 $0xFFFFE000  }
0x2cb: {  	_ =	swait.ge [sflag:s4], $0x2000  }
0x2cc: {  	[sflag:s4] =	ssyncset.done $0x0  }
0x2cd: {  	[sflag:s4] =	ssyncadd.s32 $0xFFFFE000  }
0x2ce: {  	_ =	swait.ge [sflag:s4], $0x2000  }
0x2cf: {  	[sflag:s4] =	ssyncset.done $0x0  }
0x2d0: {  	[sflag:s4] =	ssyncadd.s32 $0xFFFFE000  }
0x2d1: {  	_ =	swait.ge [sflag:s4], $0x2000  }
0x2d2: {  	s8 =	simm.s32 $0x0;
	s7 =	simm.s32 $0x10000;
	[sflag:s4] =	ssyncset.done $0x0  }
0x2d3: {  	s31 =	simm.s32 $0x2;
	s9 =	rddreg [dreg:$0x14];
	[sflag:s4] =	ssyncadd.s32 $0xFFFFE000  }
0x2d4: {  	[hbm4b:s9+s8] =	stream.linear.scatter [tilespmem:s7], [sflag:$0x2], $0x10000, $0x38;
	v63 =	vld [tilespmem:$0x0]  }
0x2d5: {  	_ =	swait.ge [sflag:s31], $0x10000  }
0x2d6: {  	s25 =	sld [smem:$0x7F9];
	_ =	sdelay $0x1  }
0x2d7: {  	s8 =	simm.s32 $0x80;
	[sflag:s31] =	ssyncset.done $0x0  }
0x2d8: {  	s9 =	simm.s32 $0x10400;
	[sflag:s31] =	ssyncadd.s32 $0xFFFF0000;
	s11 =	sadd.s32 $0x0, s25  }
.LBB2_114:
0x2d9: {  	[tilespmem:s7], [sflag:$0x1] =	stream.linear.gather [hbm4b:s11+s2], $0x80, $0x38;
	v63 =	vld [tilespmem:$0x0]  }
0x2da: {  	s11 =	smov.u32 s8;
	s7 =	smov.u32 s9;
	p0 =	sne.s32 s8, $0x1F80  }
.Ltmp56:
0x2db: {  	s8 =	sadd.s32 $0x80, s8;
	(pc) =	sbr.rel @p0 .LBB2_114-.Ltmp56, $2  }
0x2dc: {  	_ =	sdelay $0x2  }
0x2dd: {  	s9 =	sadd.s32 $0x400, s9;
	s11 =	sadd.s32 s11, s25  }
0x2de: {  	s4 =	sld [smem:$0x7E9]  }
0x2df: {  	[tilespmem:s7], [sflag:$0x1] =	stream.linear.gather [hbm4b:s11+s2], $0x80, $0x38;
	v63 =	vld [tilespmem:$0x0]  }
0x2e0: {  	s7 =	simm.s32 $0x10080  }
0x2e1: {  	s8 =	simm.s32 $0x80;
	s9 =	simm.s32 $0x10480;
	s11 =	sadd.s32 $0x0, s4  }
.LBB2_116:
0x2e2: {  	[tilespmem:s7], [sflag:$0x1] =	stream.linear.gather [hbm4b:s11+s2], $0x80, $0x38;
	v63 =	vld [tilespmem:$0x0]  }
0x2e3: {  	s11 =	smov.u32 s8;
	s7 =	smov.u32 s9;
	p0 =	sne.s32 s8, $0x1F80  }
.Ltmp57:
0x2e4: {  	s8 =	sadd.s32 $0x80, s8;
	(pc) =	sbr.rel @p0 .LBB2_116-.Ltmp57, $2  }
0x2e5: {  	_ =	sdelay $0x2  }
0x2e6: {  	s9 =	sadd.s32 $0x400, s9;
	s11 =	sadd.s32 s11, s4  }
0x2e7: {  	s4 =	sld [smem:$0x7FA]  }
0x2e8: {  	[tilespmem:s7], [sflag:$0x1] =	stream.linear.gather [hbm4b:s11+s2], $0x80, $0x38;
	v63 =	vld [tilespmem:$0x0]  }
0x2e9: {  	s7 =	simm.s32 $0x10100  }
0x2ea: {  	s8 =	simm.s32 $0x80;
	s9 =	simm.s32 $0x10500;
	s11 =	sadd.s32 $0x0, s4  }
.LBB2_118:
0x2eb: {  	[tilespmem:s7], [sflag:$0x1] =	stream.linear.gather [hbm4b:s11+s2], $0x80, $0x38;
	v63 =	vld [tilespmem:$0x0]  }
0x2ec: {  	s11 =	smov.u32 s8;
	s7 =	smov.u32 s9;
	p0 =	sne.s32 s8, $0x1F80  }
.Ltmp58:
0x2ed: {  	s8 =	sadd.s32 $0x80, s8;
	(pc) =	sbr.rel @p0 .LBB2_118-.Ltmp58, $2  }
0x2ee: {  	_ =	sdelay $0x2  }
0x2ef: {  	s9 =	sadd.s32 $0x400, s9;
	s11 =	sadd.s32 s11, s4  }
0x2f0: {  	s5 =	sld [smem:$0x7EA]  }
0x2f1: {  	[tilespmem:s7], [sflag:$0x1] =	stream.linear.gather [hbm4b:s11+s2], $0x80, $0x38;
	v63 =	vld [tilespmem:$0x0]  }
0x2f2: {  	s7 =	simm.s32 $0x10180  }
0x2f3: {  	s8 =	simm.s32 $0x80;
	s9 =	simm.s32 $0x10580;
	s11 =	sadd.s32 $0x0, s5  }
.LBB2_120:
0x2f4: {  	[tilespmem:s7], [sflag:$0x1] =	stream.linear.gather [hbm4b:s11+s2], $0x80, $0x38;
	v63 =	vld [tilespmem:$0x0]  }
0x2f5: {  	s11 =	smov.u32 s8;
	s7 =	smov.u32 s9;
	p0 =	sne.s32 s8, $0x1F80  }
.Ltmp59:
0x2f6: {  	s8 =	sadd.s32 $0x80, s8;
	(pc) =	sbr.rel @p0 .LBB2_120-.Ltmp59, $2  }
0x2f7: {  	_ =	sdelay $0x2  }
0x2f8: {  	s9 =	sadd.s32 $0x400, s9;
	s11 =	sadd.s32 s11, s5  }
0x2f9: {  	s5 =	sld [smem:$0x7FB]  }
0x2fa: {  	[tilespmem:s7], [sflag:$0x1] =	stream.linear.gather [hbm4b:s11+s2], $0x80, $0x38;
	v63 =	vld [tilespmem:$0x0]  }
0x2fb: {  	s7 =	simm.s32 $0x10200  }
0x2fc: {  	s8 =	simm.s32 $0x80;
	s9 =	simm.s32 $0x10600;
	s11 =	sadd.s32 $0x0, s5  }
.LBB2_122:
0x2fd: {  	[tilespmem:s7], [sflag:$0x1] =	stream.linear.gather [hbm4b:s11+s2], $0x80, $0x38;
	v63 =	vld [tilespmem:$0x0]  }
0x2fe: {  	s11 =	smov.u32 s8;
	s7 =	smov.u32 s9;
	p0 =	sne.s32 s8, $0x1F80  }
.Ltmp60:
0x2ff: {  	s8 =	sadd.s32 $0x80, s8;
	(pc) =	sbr.rel @p0 .LBB2_122-.Ltmp60, $2  }
0x300: {  	_ =	sdelay $0x2  }
0x301: {  	s9 =	sadd.s32 $0x400, s9;
	s11 =	sadd.s32 s11, s5  }
0x302: {  	[tilespmem:s7], [sflag:$0x1] =	stream.linear.gather [hbm4b:s11+s2], $0x80, $0x38;
	v63 =	vld [tilespmem:$0x0]  }
0x303: {  	s7 =	simm.s32 $0x10280  }
0x304: {  	s8 =	simm.s32 $0x80;
	s11 =	sadd.s32 $0x0, s3;
	s9 =	simm.s32 $0x10680  }
.LBB2_124:
0x305: {  	[tilespmem:s7], [sflag:$0x1] =	stream.linear.gather [hbm4b:s11+s2], $0x80, $0x38;
	v63 =	vld [tilespmem:$0x0]  }
0x306: {  	s11 =	smov.u32 s8;
	s7 =	smov.u32 s9;
	p0 =	sne.s32 s8, $0x1F80  }
.Ltmp61:
0x307: {  	s8 =	sadd.s32 $0x80, s8;
	(pc) =	sbr.rel @p0 .LBB2_124-.Ltmp61, $2  }
0x308: {  	_ =	sdelay $0x2  }
0x309: {  	s9 =	sadd.s32 $0x400, s9;
	s11 =	sadd.s32 s11, s3  }
0x30a: {  	[tilespmem:s7], [sflag:$0x1] =	stream.linear.gather [hbm4b:s11+s2], $0x80, $0x38;
	v63 =	vld [tilespmem:$0x0]  }
0x30b: {  	s7 =	simm.s32 $0x10300;
	s26 =	rddreg [dreg:$0x15]  }
0x30c: {  	s8 =	simm.s32 $0x80;
	s9 =	simm.s32 $0x10700;
	s11 =	sadd.s32 $0x0, s26  }
.LBB2_126:
0x30d: {  	[tilespmem:s7], [sflag:$0x1] =	stream.linear.gather [hbm4b:s11+s2], $0x80, $0x38;
	v63 =	vld [tilespmem:$0x0]  }
0x30e: {  	s11 =	smov.u32 s8;
	s7 =	smov.u32 s9;
	p0 =	sne.s32 s8, $0x1F80  }
.Ltmp62:
0x30f: {  	s8 =	sadd.s32 $0x80, s8;
	(pc) =	sbr.rel @p0 .LBB2_126-.Ltmp62, $2  }
0x310: {  	_ =	sdelay $0x2  }
0x311: {  	s9 =	sadd.s32 $0x400, s9;
	s11 =	sadd.s32 s11, s26  }
0x312: {  	[tilespmem:s7], [sflag:$0x1] =	stream.linear.gather [hbm4b:s11+s2], $0x80, $0x38;
	v63 =	vld [tilespmem:$0x0]  }
0x313: {  	s7 =	simm.s32 $0x10380  }
0x314: {  	s8 =	simm.s32 $0x80;
	s11 =	sadd.s32 $0x0, s6;
	s9 =	simm.s32 $0x10780  }
.LBB2_128:
0x315: {  	[tilespmem:s7], [sflag:$0x1] =	stream.linear.gather [hbm4b:s11+s2], $0x80, $0x38;
	v63 =	vld [tilespmem:$0x0]  }
0x316: {  	s11 =	smov.u32 s8;
	s7 =	smov.u32 s9;
	p0 =	sne.s32 s8, $0x1F80  }
.Ltmp63:
0x317: {  	s8 =	sadd.s32 $0x80, s8;
	(pc) =	sbr.rel @p0 .LBB2_128-.Ltmp63, $2  }
0x318: {  	_ =	sdelay $0x2  }
0x319: {  	s9 =	sadd.s32 $0x400, s9;
	s11 =	sadd.s32 s11, s6  }
0x31a: {  	[tilespmem:s7], [sflag:$0x1] =	stream.linear.gather [hbm4b:s11+s2], $0x80, $0x38;
	v63 =	vld [tilespmem:$0x0]  }
0x31b: {  	s8 =	simm.s32 $0x1  }
0x31c: {  	_ =	swait.ge [sflag:s8], $0x2000  }
0x31d: {  	[sflag:s8] =	ssyncset.done $0x0  }
0x31e: {  	[sflag:s8] =	ssyncadd.s32 $0xFFFFE000  }
0x31f: {  	_ =	swait.ge [sflag:s8], $0x2000  }
0x320: {  	[sflag:s8] =	ssyncset.done $0x0  }
0x321: {  	[sflag:s8] =	ssyncadd.s32 $0xFFFFE000  }
0x322: {  	_ =	swait.ge [sflag:s8], $0x2000  }
0x323: {  	[sflag:s8] =	ssyncset.done $0x0  }
0x324: {  	[sflag:s8] =	ssyncadd.s32 $0xFFFFE000  }
0x325: {  	_ =	swait.ge [sflag:s8], $0x2000  }
0x326: {  	[sflag:s8] =	ssyncset.done $0x0  }
0x327: {  	[sflag:s8] =	ssyncadd.s32 $0xFFFFE000  }
0x328: {  	_ =	swait.ge [sflag:s8], $0x2000  }
0x329: {  	[sflag:s8] =	ssyncset.done $0x0  }
0x32a: {  	[sflag:s8] =	ssyncadd.s32 $0xFFFFE000  }
0x32b: {  	_ =	swait.ge [sflag:s8], $0x2000  }
0x32c: {  	[sflag:s8] =	ssyncset.done $0x0  }
0x32d: {  	[sflag:s8] =	ssyncadd.s32 $0xFFFFE000  }
0x32e: {  	_ =	swait.ge [sflag:s8], $0x2000  }
0x32f: {  	[sflag:s8] =	ssyncset.done $0x0  }
0x330: {  	[sflag:s8] =	ssyncadd.s32 $0xFFFFE000  }
0x331: {  	_ =	swait.ge [sflag:s8], $0x2000  }
0x332: {  	[sflag:s8] =	ssyncset.done $0x0  }
0x333: {  	s26 =	rddreg [dreg:$0x16];
	[sflag:s8] =	ssyncadd.s32 $0xFFFFE000  }
0x334: {  	[hbm4b:s26+s2] =	stream.linear.scatter [tilespmem:s2], [sflag:$0x2], $0x10000, $0x38;
	v63 =	vld [tilespmem:$0x0]  }
0x335: {  	_ =	swait.ge [sflag:s8], $0x2000  }
0x336: {  	[sflag:s8] =	ssyncset.done $0x0  }
0x337: {  	[sflag:s8] =	ssyncadd.s32 $0xFFFFE000  }
0x338: {  	_ =	swait.ge [sflag:s8], $0x2000  }
0x339: {  	[sflag:s8] =	ssyncset.done $0x0  }
0x33a: {  	[sflag:s8] =	ssyncadd.s32 $0xFFFFE000  }
0x33b: {  	_ =	swait.ge [sflag:s8], $0x2000  }
0x33c: {  	[sflag:s8] =	ssyncset.done $0x0  }
0x33d: {  	[sflag:s8] =	ssyncadd.s32 $0xFFFFE000  }
0x33e: {  	_ =	swait.ge [sflag:s8], $0x2000  }
0x33f: {  	[sflag:s8] =	ssyncset.done $0x0  }
0x340: {  	[sflag:s8] =	ssyncadd.s32 $0xFFFFE000  }
0x341: {  	_ =	swait.ge [sflag:s8], $0x2000  }
0x342: {  	[sflag:s8] =	ssyncset.done $0x0  }
0x343: {  	[sflag:s8] =	ssyncadd.s32 $0xFFFFE000  }
0x344: {  	_ =	swait.ge [sflag:s8], $0x2000  }
0x345: {  	[sflag:s8] =	ssyncset.done $0x0  }
0x346: {  	[sflag:s8] =	ssyncadd.s32 $0xFFFFE000  }
0x347: {  	_ =	swait.ge [sflag:s8], $0x2000  }
0x348: {  	[sflag:s8] =	ssyncset.done $0x0  }
0x349: {  	[sflag:s8] =	ssyncadd.s32 $0xFFFFE000  }
0x34a: {  	_ =	swait.ge [sflag:s8], $0x2000  }
0x34b: {  	s29 =	simm.s32 $0x10000;
	[sflag:s8] =	ssyncset.done $0x0  }
0x34c: {  	s30 =	simm.s32 $0x2;
	s28 =	rddreg [dreg:$0x17];
	[sflag:s8] =	ssyncadd.s32 $0xFFFFE000  }
0x34d: {  	[hbm4b:s28+s2] =	stream.linear.scatter [tilespmem:s29], [sflag:$0x2], $0x10000, $0x38;
	v63 =	vld [tilespmem:$0x0]  }
0x34e: {  	_ =	swait.ge [sflag:s30], $0x10000  }
0x34f: {  	[sflag:s30] =	ssyncset.done $0x0  }
0x350: {  	[sflag:s30] =	ssyncadd.s32 $0xFFFF0000  }
0x351: {  	_ =	swait.ge [sflag:s30], $0x10000  }
0x352: {  	s9 =	sld [smem:$0x7D1];
	_ =	sdelay $0x2  }
0x353: {  	s31 =	rddreg [dreg:$0x19];
	s9 =	sadd.s32 $0x1, s9  }
0x354: {  	p0 =	sne.s32 s9, s31  }
.Ltmp64:
0x355: {  	_ = 	snop;
	(pc) =	sbr.rel @p0 .LBB2_1-.Ltmp64, $3  }
0x356: {  	_ =	sdelay $0x1  }
0x357: {  	[sflag:s30] =	ssyncset.done $0x0  }
0x358: {  	s26 =	rddreg [dreg:$0x18];
	[sflag:s30] =	ssyncadd.s32 $0xFFFF0000  }
0x359: {  	_ =	sfence.sel $0x180000  }
0x35a: {  	[bflag:$0x0] =	sbarrier.arrive $0xFFFF  }
0x35b: {  	_ =	strace $0x90000047  }
0x35c: {  	s0 =	stileid.u32;
	[bflag:$0x2] =	sbarrier.arrive $0xFFFF  }
0x35d: {  	p0 =	sne.s32 s0, $0x0;
	s0 =	rddreg [dreg:$0x2]  }
0x35e: {  	s0 =	sadd.s32 @!p0 $0x100000, s0  }
0x35f: {  	[sflag:s0] =	ssyncadd.tile.s32 @!p0 $0x1;
	_ =	shalt  }
.Lfunc_end2:
_tile_overlayer_lowered:
.L_overlay_start_2:
0x360: {  	(tag) =	ssettag $0x2  }
0x361: {  	s0 =	rddreg [dreg:$0x0];
	s2 =	stileid.u32  }
0x362: {  	s1 =	rddreg [dreg:$0x1];
	p0 =	sne.s32 s2, $0x0  }
0x363: {  	s3 =	rddreg [dreg:$0x2];
	[bflag:$0x3] =	sbarrier.arrive $0xFFFF;
	s2 =	simm.s32 @!p0 $0x1C03  }
0x364: {  	[timem:s3], [sflag:s2] =	dma.local @!p0 [hbm:s0], s1  }
0x365: {  	s0 =	simm.s32 @!p0 $0x3  }
0x366: {  	_ =	swait.ge @!p0 [sflag:s0], s1  }
0x367: {  	s1 =	ssub.s32 @!p0 $0x0, s1;
	[sflag:s0] =	ssyncset.done @!p0 $0x0  }
0x368: {  	[sflag:s0] =	ssyncadd.s32 @!p0 s1  }
0x369: {  	[bflag:$0x3] =	sbarrier.arrive $0xFFFF  }
0x36a: {  	_ =	shalt  }

</sc_bundles>
